<compile_context>
chip_gen: v7x
topology: tpu7x:2x2x1
jax: 0.10.2.dev20260603
libtpu: 0.0.44.dev20260713+nightly
codegen_flags: <defaults>
</compile_context>

<pallas_src>
import functools

import jax
import jax.numpy as jnp
from jax import lax
from jax.experimental import pallas as pl
from jax.experimental.pallas import tpu as pltpu
from jax.experimental.pallas import tpu_sc as plsc

N = 10000
E = 320000
DIN = 128
DH = 256
DOUT = 128
B = 64

NC = 2
NS = 16
LANES = 16
HHALF = DH // NC
NPAD = 10240
DROWS = NPAD // HHALF
NOUT = NPAD + NS * DROWS
ROWS_PER_TILE = NPAD // NS
EDGES_PER_TILE = E // NS
CHUNK = 32

RBLK = 1024
GRID = NPAD // RBLK



def _dense_body(first, p_refs, den_ref, b_ref, w_ref, as_ref,
                ad_ref, h2_ref, es_ref, ed_ref, stab_ref):
    i = pl.program_id(0)
    if first:
        x = p_refs[0][...]
    else:
        num = jnp.concatenate([p[0] for p in p_refs], axis=1)
        den = jnp.sum(den_ref[...], axis=0) + 1.0
        x = jnp.maximum(num / den[:, None] + b_ref[...][None, :], 0.0)
    h = jnp.dot(x, w_ref[...], preferred_element_type=jnp.float32)
    h2_ref[0] = h[:, :HHALF]
    h2_ref[1] = h[:, HHALF:]
    es = jnp.sum(h * as_ref[...][None, :], axis=1)
    ed = jnp.sum(h * ad_ref[...][None, :], axis=1)
    sl = pl.ds(i * RBLK, RBLK)
    es_ref[sl] = es
    ed_ref[sl] = ed
    e0 = es + ed
    stab_ref[sl] = jnp.maximum(e0, 0.2 * e0)


def _dense_body_first(den_ref, b_ref, x_ref, w_ref, as_ref, ad_ref, *rest):
    _dense_body(True, (x_ref,), den_ref, b_ref, w_ref, as_ref, ad_ref, *rest)


def _dense_body_mid(den_ref, b_ref, p0, p1, w_ref, as_ref, ad_ref, *rest):
    _dense_body(False, (p0, p1), den_ref, b_ref, w_ref, as_ref, ad_ref,
                *rest)


def _dense_call(first, ps, den, b, w, a_s, a_d):
    din = DIN if first else DH
    full = lambda s: pl.BlockSpec(s, lambda i: (0,) * len(s))
    p_specs = ([pl.BlockSpec((RBLK, DIN), lambda i: (i, 0))] if first else
               [pl.BlockSpec((1, RBLK, HHALF), lambda i: (0, i, 0)),
                pl.BlockSpec((1, RBLK, HHALF), lambda i: (1, i, 0))])
    in_specs = [
        pl.BlockSpec((NS, RBLK), lambda i: (0, i)),
        full((DH,)),
        *p_specs,
        full((din, DH)),
        full((DH,)),
        full((DH,)),
    ]
    out_specs = [
        pl.BlockSpec((NC, RBLK, HHALF), lambda i: (0, i, 0)),
        full((NPAD,)),
        full((NPAD,)),
        full((NPAD,)),
    ]
    out_shapes = [
        jax.ShapeDtypeStruct((NC, NPAD, HHALF), jnp.float32),
        jax.ShapeDtypeStruct((NPAD,), jnp.float32),
        jax.ShapeDtypeStruct((NPAD,), jnp.float32),
        jax.ShapeDtypeStruct((NPAD,), jnp.float32),
    ]
    body = _dense_body_first if first else _dense_body_mid
    return pl.pallas_call(
        body,
        grid=(GRID,),
        in_specs=in_specs,
        out_specs=out_specs,
        out_shape=out_shapes,
    )(den, b, *ps, w, a_s, a_d)



def _edge_body(src_hbm, dst_hbm, h2_hbm, es_hbm, ed_hbm, stab_hbm,
               num_out,
               es_v, ed_v, stab_v, den_v, raw_v, adj_v, d_v, w_v, grows_v,
               num_sh, gsem):
    cid = lax.axis_index("c")
    sid = lax.axis_index("s")

    pltpu.sync_copy(es_hbm, es_v)
    pltpu.sync_copy(ed_hbm, ed_v)
    pltpu.sync_copy(stab_hbm, stab_v)

    r0 = sid * ROWS_PER_TILE
    pltpu.sync_copy(h2_hbm.at[pl.ds(cid * NPAD + r0, ROWS_PER_TILE)],
                    num_sh.at[pl.ds(r0, ROWS_PER_TILE)])

    def zero_body(j, c):
        for k in range(HHALF // LANES):
            den_v[j, pl.ds(k * LANES, LANES)] = jnp.zeros((LANES,),
                                                          jnp.float32)
        return c

    lax.fori_loop(0, DROWS, zero_body, 0)
    plsc.subcore_barrier()

    e0 = sid * EDGES_PER_TILE
    coff = cid * NPAD

    def chunk_body(it, carry):
        base = e0 + it * CHUNK
        pltpu.sync_copy(src_hbm.at[pl.ds(base, CHUNK)], raw_v)
        pltpu.sync_copy(dst_hbm.at[pl.ds(base, CHUNK)], d_v)
        for g in range(CHUNK // LANES):
            sl = pl.ds(g * LANES, LANES)
            sv = raw_v[sl]
            dv = d_v[sl]
            adj_v[sl] = sv + coff
            es_s = plsc.load_gather(es_v, [sv])
            ed_d = plsc.load_gather(ed_v, [dv])
            st_d = plsc.load_gather(stab_v, [dv])
            e = es_s + ed_d
            e = jnp.maximum(e, 0.2 * e)
            wv = jnp.exp(e - st_d)
            w_v[sl] = wv
            plsc.addupdate_scatter(
                den_v,
                [lax.shift_right_logical(dv, 7),
                 lax.bitwise_and(dv, jnp.int32(HHALF - 1))],
                wv)
        pltpu.async_copy(h2_hbm.at[adj_v], grows_v, gsem).wait()

        def row_body(j, c2):
            wsp = plsc.load_gather(w_v, [jnp.full((LANES,), 0, jnp.int32) + j])
            for k in range(HHALF // LANES):
                ksl = pl.ds(k * LANES, LANES)
                grows_v[j, ksl] = grows_v[j, ksl] * wsp
            return c2

        lax.fori_loop(0, CHUNK, row_body, 0, unroll=2)
        pltpu.sync_copy(grows_v, num_sh.at[d_v], add=True)
        return carry

    lax.fori_loop(0, EDGES_PER_TILE // CHUNK, chunk_body, 0)
    plsc.subcore_barrier()

    pltpu.sync_copy(num_sh.at[pl.ds(r0, ROWS_PER_TILE)],
                    num_out.at[cid, pl.ds(r0, ROWS_PER_TILE)])

    @pl.when(cid == 0)
    def _():
        pltpu.sync_copy(den_v, num_out.at[0, pl.ds(NPAD + sid * DROWS,
                                                   DROWS)])


_edge_call = pl.kernel(
    _edge_body,
    out_type=jax.ShapeDtypeStruct((NC, NOUT, HHALF), jnp.float32),
    mesh=plsc.VectorSubcoreMesh(core_axis_name="c", subcore_axis_name="s"),
    compiler_params=pltpu.CompilerParams(needs_layout_passes=False),
    scratch_types=[
        pltpu.VMEM((NPAD,), jnp.float32),
        pltpu.VMEM((NPAD,), jnp.float32),
        pltpu.VMEM((NPAD,), jnp.float32),
        pltpu.VMEM((DROWS, HHALF), jnp.float32),
        pltpu.VMEM((CHUNK,), jnp.int32),
        pltpu.VMEM((CHUNK,), jnp.int32),
        pltpu.VMEM((CHUNK,), jnp.int32),
        pltpu.VMEM((CHUNK,), jnp.float32),
        pltpu.VMEM((CHUNK, HHALF), jnp.float32),
        pltpu.VMEM_SHARED((NPAD, HHALF), jnp.float32),
        pltpu.SemaphoreType.DMA,
    ],
)



def _head_body(p0_ref, p1_ref, den_ref, b_ref, batch_ref,
               fw1_ref, fb1_ref, fw2_ref, fb2_ref, fw3_ref, fb3_ref,
               out_ref, gsum, gcnt):
    i = pl.program_id(0)

    @pl.when(i == 0)
    def _():
        gsum[...] = jnp.zeros_like(gsum)
        gcnt[...] = jnp.zeros_like(gcnt)

    num = jnp.concatenate([p0_ref[0], p1_ref[0]], axis=1)
    den = jnp.sum(den_ref[...], axis=0) + 1.0
    x = jnp.maximum(num / den[:, None] + b_ref[...][None, :], 0.0)
    bid = batch_ref[pl.ds(i * RBLK, RBLK)]
    oh = (lax.broadcasted_iota(jnp.int32, (B, RBLK), 0) == bid[None, :])
    oh = oh.astype(jnp.float32)
    gsum[...] += jnp.dot(oh, x, preferred_element_type=jnp.float32)
    gcnt[...] += jnp.sum(oh, axis=1)

    @pl.when(i == GRID - 1)
    def _():
        g = gsum[...] / jnp.maximum(gcnt[...], 1.0)[:, None]
        g = jnp.maximum(jnp.dot(g, fw1_ref[...],
                                preferred_element_type=jnp.float32)
                        + fb1_ref[...][None, :], 0.0)
        g = jnp.maximum(jnp.dot(g, fw2_ref[...],
                                preferred_element_type=jnp.float32)
                        + fb2_ref[...][None, :], 0.0)
        out_ref[...] = (jnp.dot(g, fw3_ref[...],
                                preferred_element_type=jnp.float32)
                        + fb3_ref[...][None, :])


def _head_call(num, den, b, batch, fw1, fb1, fw2, fb2, fw3, fb3):
    full = lambda s: pl.BlockSpec(s, lambda i: (0,) * len(s))
    return pl.pallas_call(
        _head_body,
        grid=(GRID,),
        in_specs=[
            pl.BlockSpec((1, RBLK, HHALF), lambda i: (0, i, 0)),
            pl.BlockSpec((1, RBLK, HHALF), lambda i: (1, i, 0)),
            pl.BlockSpec((NS, RBLK), lambda i: (0, i)),
            full((DH,)),
            full((NPAD,)),
            full((DH, DH)),
            full((DH,)),
            full((DH, DH)),
            full((DH,)),
            full((DH, DOUT)),
            full((DOUT,)),
        ],
        out_specs=full((B, DOUT)),
        out_shape=jax.ShapeDtypeStruct((B, DOUT), jnp.float32),
        scratch_shapes=[
            pltpu.VMEM((B, DH), jnp.float32),
            pltpu.VMEM((B,), jnp.float32),
        ],
    )(num, num, den, b, batch, fw1, fb1, fw2, fb2, fw3, fb3)



def kernel(x, edge_index, batch, W1, a1s, a1d, b1, W2, a2s, a2d, b2,
           W3, a3s, a3d, b3, fw1, fb1, fw2, fb2, fw3, fb3):
    src = edge_index[0]
    dst = edge_index[1]
    x = jnp.pad(x, ((0, NPAD - N), (0, 0)))
    batch = jnp.pad(batch, (0, NPAD - N), constant_values=B)
    zeros_d = jnp.zeros((NS, NPAD), jnp.float32)

    def unpack_den(num):
        return num[0, NPAD:].reshape(NS, NPAD)

    h2, es, ed, stab = _dense_call(True, (x,), zeros_d, b1, W1, a1s, a1d)
    num = _edge_call(src, dst, h2.reshape(NC * NPAD, HHALF), es, ed, stab)

    h2, es, ed, stab = _dense_call(False, (num, num), unpack_den(num), b1,
                                   W2, a2s, a2d)
    num = _edge_call(src, dst, h2.reshape(NC * NPAD, HHALF), es, ed, stab)

    h2, es, ed, stab = _dense_call(False, (num, num), unpack_den(num), b2,
                                   W3, a3s, a3d)
    num = _edge_call(src, dst, h2.reshape(NC * NPAD, HHALF), es, ed, stab)

    return _head_call(num, unpack_den(num), b3, batch, fw1, fb1, fw2, fb2,
                      fw3, fb3)

# --- scband reference (transcript-rebuilt; emitter-appended) ---
"""Pipeline reference for scband-gatconv-model-52501680226999 (READ-ONLY COPY).

The authoritative reference and input builder live on the scoring server;
editing this copy changes nothing except your own understanding.
"""

import jax, jax.numpy as jnp
import numpy as np

N = 10000
E = 320000
DIN = 128
DH = 256
DOUT = 128
B = 64


def setup_inputs(seed: int = 0) -> dict:
    key = jax.random.key(seed)
    ks = jax.random.split(key, 32)
    inp = {}
    inp["x"] = jax.random.normal(ks[0], (N, DIN), dtype=jnp.float32)
    inp["edge_index"] = jax.random.randint(ks[1], (2, E), 0, N, dtype=jnp.int32)
    inp["batch"] = jnp.sort(jax.random.randint(ks[2], (N,), 0, B, dtype=jnp.int32))
    def glorot(k, shape):
        fan_in, fan_out = shape[0], shape[-1]
        s = jnp.sqrt(6.0 / (fan_in + fan_out))
        return jax.random.uniform(k, shape, jnp.float32, -s, s)
    # GATConv 1 (DIN -> DH), heads=1
    inp["W1"] = glorot(ks[3], (DIN, DH)); inp["a1s"] = glorot(ks[4], (DH,)); inp["a1d"] = glorot(ks[5], (DH,)); inp["b1"] = jnp.zeros((DH,), jnp.float32)
    # GATConv 2 (DH -> DH)
    inp["W2"] = glorot(ks[6], (DH, DH)); inp["a2s"] = glorot(ks[7], (DH,)); inp["a2d"] = glorot(ks[8], (DH,)); inp["b2"] = jnp.zeros((DH,), jnp.float32)
    # GATConv 3 (DH -> DH)
    inp["W3"] = glorot(ks[9], (DH, DH)); inp["a3s"] = glorot(ks[10], (DH,)); inp["a3d"] = glorot(ks[11], (DH,)); inp["b3"] = jnp.zeros((DH,), jnp.float32)
    # FC layers
    inp["fw1"] = glorot(ks[12], (DH, DH)); inp["fb1"] = jnp.zeros((DH,), jnp.float32)
    inp["fw2"] = glorot(ks[13], (DH, DH)); inp["fb2"] = jnp.zeros((DH,), jnp.float32)
    inp["fw3"] = glorot(ks[14], (DH, DOUT)); inp["fb3"] = jnp.zeros((DOUT,), jnp.float32)
    return inp


def _gat_conv(x, src, dst, W, a_src, a_dst, b):
    # PyG GATConv, heads=1, negative_slope=0.2, add_self_loops=True (loops already appended)
    h = x @ W                                      # [N, DH]
    e_s = h @ a_src                                # [N]
    e_d = h @ a_dst                                # [N]
    e = jax.nn.leaky_relu(e_s[src] + e_d[dst], 0.2)  # [E+N]
    m = jax.ops.segment_max(e, dst, num_segments=N)
    m = jax.lax.stop_gradient(m)
    ex = jnp.exp(e - m[dst])
    denom = jax.ops.segment_sum(ex, dst, num_segments=N)
    alpha = ex / (denom[dst] + 1e-16)
    out = jax.ops.segment_sum(h[src] * alpha[:, None], dst, num_segments=N)
    return out + b


def _global_mean_pool(x, batch):
    sums = jax.ops.segment_sum(x, batch, num_segments=B)
    cnts = jax.ops.segment_sum(jnp.ones((x.shape[0],), x.dtype), batch, num_segments=B)
    return sums / jnp.maximum(cnts, 1.0)[:, None]


def reference(x, edge_index, batch, W1, a1s, a1d, b1, W2, a2s, a2d, b2, W3, a3s, a3d, b3, fw1, fb1, fw2, fb2, fw3, fb3):
    loops = jnp.arange(N, dtype=edge_index.dtype)
    src = jnp.concatenate([edge_index[0], loops])
    dst = jnp.concatenate([edge_index[1], loops])
    h = jax.nn.relu(_gat_conv(x, src, dst, W1, a1s, a1d, b1))
    h = jax.nn.relu(_gat_conv(h, src, dst, W2, a2s, a2d, b2))
    h = jax.nn.relu(_gat_conv(h, src, dst, W3, a3s, a3d, b3))
    g = _global_mean_pool(h, batch)
    g = jax.nn.relu(g @ fw1 + fb1)
    g = jax.nn.relu(g @ fw2 + fb2)
    g = g @ fw3 + fb3
    return g

if __name__ == "__main__":
    import jax
    _d = setup_inputs()
    print(jax.jit(kernel)(*tuple(_d.values())))

</pallas_src>

<mosaic_0001>
#map = affine_map<(d0, d1) -> (0)>
#map1 = affine_map<(d0, d1) -> (0, 0)>
#map2 = affine_map<(d0, d1) -> (0, 0, 0)>
module attributes {stable_mosaic.version = 14 : i64} {
  func.func @_edge_body(%arg0: i32, %arg1: i32, %arg2: memref<320000xi32, #tpu.memory_space<hbm>>, %arg3: memref<320000xi32, #tpu.memory_space<hbm>>, %arg4: memref<20480x128xf32, #tpu.memory_space<hbm>>, %arg5: memref<10240xf32, #tpu.memory_space<hbm>>, %arg6: memref<10240xf32, #tpu.memory_space<hbm>>, %arg7: memref<10240xf32, #tpu.memory_space<hbm>>, %arg8: memref<2x11520x128xf32, #tpu.memory_space<hbm>>, %arg9: memref<10240xf32, #tpu.memory_space<vmem>>, %arg10: memref<10240xf32, #tpu.memory_space<vmem>>, %arg11: memref<10240xf32, #tpu.memory_space<vmem>>, %arg12: memref<80x128xf32, #tpu.memory_space<vmem>>, %arg13: memref<32xi32, #tpu.memory_space<vmem>>, %arg14: memref<32xi32, #tpu.memory_space<vmem>>, %arg15: memref<32xi32, #tpu.memory_space<vmem>>, %arg16: memref<32xf32, #tpu.memory_space<vmem>>, %arg17: memref<32x128xf32, #tpu.memory_space<vmem>>, %arg18: memref<10240x128xf32, #tpu.memory_space<vmem_shared>>, %arg19: memref<!tpu.dma_semaphore, #tpu.memory_space<semaphore_mem>>) attributes {dimension_semantics = [#tpu.dimension_semantics<core_parallel>, #tpu.dimension_semantics<subcore_parallel>], iteration_bounds = array<i64: 2, 16>, scalar_prefetch = 0 : i64, scratch_operands = 11 : i64, tpu.core_type = #tpu.core_type<sc_vector_subcore>, window_params = [{transform_indices = #map}, {transform_indices = #map}, {transform_indices = #map1}, {transform_indices = #map}, {transform_indices = #map}, {transform_indices = #map}, {transform_indices = #map2}]} {
    "tpu.region"() ({
      %run_scoped3A = tpu.sem_alloc : memref<!tpu.dma_semaphore, #tpu.memory_space<semaphore_mem>>
      tpu.enqueue_dma source(%arg5 : memref<10240xf32, #tpu.memory_space<hbm>>) target(%arg9 : memref<10240xf32, #tpu.memory_space<vmem>>) target_semaphore(%run_scoped3A : memref<!tpu.dma_semaphore, #tpu.memory_space<semaphore_mem>>)
      tpu.wait_dma2 semaphore(%run_scoped3A : memref<!tpu.dma_semaphore, #tpu.memory_space<semaphore_mem>>) src(%arg5 : memref<10240xf32, #tpu.memory_space<hbm>>) dst(%arg9 : memref<10240xf32, #tpu.memory_space<vmem>>)
      tpu.yield
    }) : () -> ()
    "tpu.region"() ({
      %run_scoped3A = tpu.sem_alloc : memref<!tpu.dma_semaphore, #tpu.memory_space<semaphore_mem>>
      tpu.enqueue_dma source(%arg6 : memref<10240xf32, #tpu.memory_space<hbm>>) target(%arg10 : memref<10240xf32, #tpu.memory_space<vmem>>) target_semaphore(%run_scoped3A : memref<!tpu.dma_semaphore, #tpu.memory_space<semaphore_mem>>)
      tpu.wait_dma2 semaphore(%run_scoped3A : memref<!tpu.dma_semaphore, #tpu.memory_space<semaphore_mem>>) src(%arg6 : memref<10240xf32, #tpu.memory_space<hbm>>) dst(%arg10 : memref<10240xf32, #tpu.memory_space<vmem>>)
      tpu.yield
    }) : () -> ()
    "tpu.region"() ({
      %run_scoped3A = tpu.sem_alloc : memref<!tpu.dma_semaphore, #tpu.memory_space<semaphore_mem>>
      tpu.enqueue_dma source(%arg7 : memref<10240xf32, #tpu.memory_space<hbm>>) target(%arg11 : memref<10240xf32, #tpu.memory_space<vmem>>) target_semaphore(%run_scoped3A : memref<!tpu.dma_semaphore, #tpu.memory_space<semaphore_mem>>)
      tpu.wait_dma2 semaphore(%run_scoped3A : memref<!tpu.dma_semaphore, #tpu.memory_space<semaphore_mem>>) src(%arg7 : memref<10240xf32, #tpu.memory_space<hbm>>) dst(%arg11 : memref<10240xf32, #tpu.memory_space<vmem>>)
      tpu.yield
    }) : () -> ()
    %mul3A = arith.constant 640 : i32
    %mul3A_0 = arith.muli %arg1, %mul3A : i32
    %mul3A_1 = arith.constant 10240 : i32
    %mul3A_2 = arith.muli %arg0, %mul3A_1 : i32
    %add3A = arith.addi %mul3A_2, %mul3A_0 : i32
    "tpu.region"() ({
      %run_scoped3A = tpu.sem_alloc : memref<!tpu.dma_semaphore, #tpu.memory_space<semaphore_mem>>
      %dma_start3A = arith.constant 0 : i32
      %dma_start3A_21 = tpu.memref_slice %arg18[%mul3A_0, %dma_start3A] : memref<10240x128xf32, #tpu.memory_space<vmem_shared>> -> memref<640x128xf32, #tpu.memory_space<vmem_shared>>
      %dma_start3A_22 = arith.constant 0 : i32
      %dma_start3A_23 = tpu.memref_slice %arg4[%add3A, %dma_start3A_22] : memref<20480x128xf32, #tpu.memory_space<hbm>> -> memref<640x128xf32, #tpu.memory_space<hbm>>
      tpu.enqueue_dma source(%dma_start3A_23 : memref<640x128xf32, #tpu.memory_space<hbm>>) target(%dma_start3A_21 : memref<640x128xf32, #tpu.memory_space<vmem_shared>>) target_semaphore(%run_scoped3A : memref<!tpu.dma_semaphore, #tpu.memory_space<semaphore_mem>>)
      %dma_wait3A = arith.constant 0 : i32
      %dma_wait3A_24 = tpu.memref_slice %arg18[%mul3A_0, %dma_wait3A] : memref<10240x128xf32, #tpu.memory_space<vmem_shared>> -> memref<640x128xf32, #tpu.memory_space<vmem_shared>>
      %dma_wait3A_25 = arith.constant 0 : i32
      %dma_wait3A_26 = tpu.memref_slice %arg4[%add3A, %dma_wait3A_25] : memref<20480x128xf32, #tpu.memory_space<hbm>> -> memref<640x128xf32, #tpu.memory_space<hbm>>
      tpu.wait_dma2 semaphore(%run_scoped3A : memref<!tpu.dma_semaphore, #tpu.memory_space<semaphore_mem>>) src(%dma_wait3A_26 : memref<640x128xf32, #tpu.memory_space<hbm>>) dst(%dma_wait3A_24 : memref<640x128xf32, #tpu.memory_space<vmem_shared>>)
      tpu.yield
    }) : () -> ()
    %scan3A = arith.constant 0 : i32
    %scan3A_3 = arith.constant 0 : i32
    %scan3A_4 = arith.constant 80 : i32
    %scan3A_5 = arith.addi %scan3A_3, %scan3A_4 : i32
    %scan3A_6 = arith.constant 1 : i32
    scf.for %scan3A_21 = %scan3A_3 to %scan3A_5 step %scan3A_6  : i32 {
      %broadcast_in_dim3A = arith.constant 0.000000e+00 : f32
      %broadcast_in_dim3A_22 = vector.broadcast %broadcast_in_dim3A : f32 to vector<16xf32>
      %swap3A = arith.index_cast %scan3A_21 : i32 to index
      %swap3A_23 = arith.constant 0 : index
      %swap3A_24 = tpu.vector_load %arg12[%swap3A, %swap3A_23] {strides = array<i32>} : memref<80x128xf32, #tpu.memory_space<vmem>>, vector<16xf32>,
      tpu.vector_store %arg12[%swap3A, %swap3A_23], %broadcast_in_dim3A_22 {strides = array<i32>} : memref<80x128xf32, #tpu.memory_space<vmem>>, vector<16xf32>,
      %broadcast_in_dim3A_25 = arith.constant 0.000000e+00 : f32
      %broadcast_in_dim3A_26 = vector.broadcast %broadcast_in_dim3A_25 : f32 to vector<16xf32>
      %swap3A_27 = arith.index_cast %scan3A_21 : i32 to index
      %swap3A_28 = arith.constant 16 : index
      %swap3A_29 = tpu.vector_load %arg12[%swap3A_27, %swap3A_28] {strides = array<i32>} : memref<80x128xf32, #tpu.memory_space<vmem>>, vector<16xf32>,
      tpu.vector_store %arg12[%swap3A_27, %swap3A_28], %broadcast_in_dim3A_26 {strides = array<i32>} : memref<80x128xf32, #tpu.memory_space<vmem>>, vector<16xf32>,
      %broadcast_in_dim3A_30 = arith.constant 0.000000e+00 : f32
      %broadcast_in_dim3A_31 = vector.broadcast %broadcast_in_dim3A_30 : f32 to vector<16xf32>
      %swap3A_32 = arith.index_cast %scan3A_21 : i32 to index
      %swap3A_33 = arith.constant 32 : index
      %swap3A_34 = tpu.vector_load %arg12[%swap3A_32, %swap3A_33] {strides = array<i32>} : memref<80x128xf32, #tpu.memory_space<vmem>>, vector<16xf32>,
      tpu.vector_store %arg12[%swap3A_32, %swap3A_33], %broadcast_in_dim3A_31 {strides = array<i32>} : memref<80x128xf32, #tpu.memory_space<vmem>>, vector<16xf32>,
      %broadcast_in_dim3A_35 = arith.constant 0.000000e+00 : f32
      %broadcast_in_dim3A_36 = vector.broadcast %broadcast_in_dim3A_35 : f32 to vector<16xf32>
      %swap3A_37 = arith.index_cast %scan3A_21 : i32 to index
      %swap3A_38 = arith.constant 48 : index
      %swap3A_39 = tpu.vector_load %arg12[%swap3A_37, %swap3A_38] {strides = array<i32>} : memref<80x128xf32, #tpu.memory_space<vmem>>, vector<16xf32>,
      tpu.vector_store %arg12[%swap3A_37, %swap3A_38], %broadcast_in_dim3A_36 {strides = array<i32>} : memref<80x128xf32, #tpu.memory_space<vmem>>, vector<16xf32>,
      %broadcast_in_dim3A_40 = arith.constant 0.000000e+00 : f32
      %broadcast_in_dim3A_41 = vector.broadcast %broadcast_in_dim3A_40 : f32 to vector<16xf32>
      %swap3A_42 = arith.index_cast %scan3A_21 : i32 to index
      %swap3A_43 = arith.constant 64 : index
      %swap3A_44 = tpu.vector_load %arg12[%swap3A_42, %swap3A_43] {strides = array<i32>} : memref<80x128xf32, #tpu.memory_space<vmem>>, vector<16xf32>,
      tpu.vector_store %arg12[%swap3A_42, %swap3A_43], %broadcast_in_dim3A_41 {strides = array<i32>} : memref<80x128xf32, #tpu.memory_space<vmem>>, vector<16xf32>,
      %broadcast_in_dim3A_45 = arith.constant 0.000000e+00 : f32
      %broadcast_in_dim3A_46 = vector.broadcast %broadcast_in_dim3A_45 : f32 to vector<16xf32>
      %swap3A_47 = arith.index_cast %scan3A_21 : i32 to index
      %swap3A_48 = arith.constant 80 : index
      %swap3A_49 = tpu.vector_load %arg12[%swap3A_47, %swap3A_48] {strides = array<i32>} : memref<80x128xf32, #tpu.memory_space<vmem>>, vector<16xf32>,
      tpu.vector_store %arg12[%swap3A_47, %swap3A_48], %broadcast_in_dim3A_46 {strides = array<i32>} : memref<80x128xf32, #tpu.memory_space<vmem>>, vector<16xf32>,
      %broadcast_in_dim3A_50 = arith.constant 0.000000e+00 : f32
      %broadcast_in_dim3A_51 = vector.broadcast %broadcast_in_dim3A_50 : f32 to vector<16xf32>
      %swap3A_52 = arith.index_cast %scan3A_21 : i32 to index
      %swap3A_53 = arith.constant 96 : index
      %swap3A_54 = tpu.vector_load %arg12[%swap3A_52, %swap3A_53] {strides = array<i32>} : memref<80x128xf32, #tpu.memory_space<vmem>>, vector<16xf32>,
      tpu.vector_store %arg12[%swap3A_52, %swap3A_53], %broadcast_in_dim3A_51 {strides = array<i32>} : memref<80x128xf32, #tpu.memory_space<vmem>>, vector<16xf32>,
      %broadcast_in_dim3A_55 = arith.constant 0.000000e+00 : f32
      %broadcast_in_dim3A_56 = vector.broadcast %broadcast_in_dim3A_55 : f32 to vector<16xf32>
      %swap3A_57 = arith.index_cast %scan3A_21 : i32 to index
      %swap3A_58 = arith.constant 112 : index
      %swap3A_59 = tpu.vector_load %arg12[%swap3A_57, %swap3A_58] {strides = array<i32>} : memref<80x128xf32, #tpu.memory_space<vmem>>, vector<16xf32>,
      tpu.vector_store %arg12[%swap3A_57, %swap3A_58], %broadcast_in_dim3A_56 {strides = array<i32>} : memref<80x128xf32, #tpu.memory_space<vmem>>, vector<16xf32>,
    }
    %scan3A_7 = arith.constant 80 : i32
    %barrier3A = arith.constant 0 : index
    tpu.barrier barrier_id(%barrier3A)
    %mul3A_8 = arith.constant 20000 : i32
    %mul3A_9 = arith.muli %arg1, %mul3A_8 : i32
    %mul3A_10 = arith.constant 10240 : i32
    %mul3A_11 = arith.muli %arg0, %mul3A_10 : i32
    %scan3A_12 = arith.constant 0 : i32
    %scan3A_13 = arith.constant 0 : i32
    %scan3A_14 = arith.constant 625 : i32
    %scan3A_15 = arith.addi %scan3A_13, %scan3A_14 : i32
    %scan3A_16 = arith.constant 1 : i32
    scf.for %scan3A_21 = %scan3A_13 to %scan3A_15 step %scan3A_16  : i32 {
      %mul3A_22 = arith.constant 32 : i32
      %mul3A_23 = arith.muli %scan3A_21, %mul3A_22 : i32
      %add3A_24 = arith.addi %mul3A_9, %mul3A_23 : i32
      "tpu.region"() ({
        %run_scoped3A = tpu.sem_alloc : memref<!tpu.dma_semaphore, #tpu.memory_space<semaphore_mem>>
        %dma_start3A_79 = tpu.memref_slice %arg2[%add3A_24] : memref<320000xi32, #tpu.memory_space<hbm>> -> memref<32xi32, #tpu.memory_space<hbm>>
        %dma_start3A_80 = tpu.memref_slice %arg2[%add3A_24] : memref<320000xi32, #tpu.memory_space<hbm>> -> memref<32xi32, #tpu.memory_space<hbm>>
        tpu.enqueue_dma source(%dma_start3A_80 : memref<32xi32, #tpu.memory_space<hbm>>) target(%arg13 : memref<32xi32, #tpu.memory_space<vmem>>) target_semaphore(%run_scoped3A : memref<!tpu.dma_semaphore, #tpu.memory_space<semaphore_mem>>)
        %dma_wait3A_81 = tpu.memref_slice %arg2[%add3A_24] : memref<320000xi32, #tpu.memory_space<hbm>> -> memref<32xi32, #tpu.memory_space<hbm>>
        %dma_wait3A_82 = tpu.memref_slice %arg2[%add3A_24] : memref<320000xi32, #tpu.memory_space<hbm>> -> memref<32xi32, #tpu.memory_space<hbm>>
        tpu.wait_dma2 semaphore(%run_scoped3A : memref<!tpu.dma_semaphore, #tpu.memory_space<semaphore_mem>>) src(%dma_wait3A_82 : memref<32xi32, #tpu.memory_space<hbm>>) dst(%arg13 : memref<32xi32, #tpu.memory_space<vmem>>)
        tpu.yield
      }) : () -> ()
      "tpu.region"() ({
        %run_scoped3A = tpu.sem_alloc : memref<!tpu.dma_semaphore, #tpu.memory_space<semaphore_mem>>
        %dma_start3A_79 = tpu.memref_slice %arg3[%add3A_24] : memref<320000xi32, #tpu.memory_space<hbm>> -> memref<32xi32, #tpu.memory_space<hbm>>
        %dma_start3A_80 = tpu.memref_slice %arg3[%add3A_24] : memref<320000xi32, #tpu.memory_space<hbm>> -> memref<32xi32, #tpu.memory_space<hbm>>
        tpu.enqueue_dma source(%dma_start3A_80 : memref<32xi32, #tpu.memory_space<hbm>>) target(%arg15 : memref<32xi32, #tpu.memory_space<vmem>>) target_semaphore(%run_scoped3A : memref<!tpu.dma_semaphore, #tpu.memory_space<semaphore_mem>>)
        %dma_wait3A_81 = tpu.memref_slice %arg3[%add3A_24] : memref<320000xi32, #tpu.memory_space<hbm>> -> memref<32xi32, #tpu.memory_space<hbm>>
        %dma_wait3A_82 = tpu.memref_slice %arg3[%add3A_24] : memref<320000xi32, #tpu.memory_space<hbm>> -> memref<32xi32, #tpu.memory_space<hbm>>
        tpu.wait_dma2 semaphore(%run_scoped3A : memref<!tpu.dma_semaphore, #tpu.memory_space<semaphore_mem>>) src(%dma_wait3A_82 : memref<32xi32, #tpu.memory_space<hbm>>) dst(%arg15 : memref<32xi32, #tpu.memory_space<vmem>>)
        tpu.yield
      }) : () -> ()
      %get3A = arith.constant 0 : index
      %get3A_25 = tpu.vector_load %arg13[%get3A] {strides = array<i32>} : memref<32xi32, #tpu.memory_space<vmem>>, vector<16xi32>,
      %get3A_26 = arith.constant 0 : index
      %get3A_27 = tpu.vector_load %arg15[%get3A_26] {strides = array<i32>} : memref<32xi32, #tpu.memory_space<vmem>>, vector<16xi32>,
      %add3A_28 = vector.broadcast %mul3A_11 : i32 to vector<16xi32>
      %add3A_29 = arith.addi %get3A_25, %add3A_28 : vector<16xi32>
      %swap3A = arith.constant 0 : index
      %swap3A_30 = tpu.vector_load %arg14[%swap3A] {strides = array<i32>} : memref<32xi32, #tpu.memory_space<vmem>>, vector<16xi32>,
      tpu.vector_store %arg14[%swap3A], %add3A_29 {strides = array<i32>} : memref<32xi32, #tpu.memory_space<vmem>>, vector<16xi32>,
      %gather3A = tpu.vector_load_idx %arg9[%get3A_25] : memref<10240xf32, #tpu.memory_space<vmem>>[vector<16xi32>], vector<16xf32>,
      %gather3A_31 = tpu.vector_load_idx %arg10[%get3A_27] : memref<10240xf32, #tpu.memory_space<vmem>>[vector<16xi32>], vector<16xf32>,
      %gather3A_32 = tpu.vector_load_idx %arg11[%get3A_27] : memref<10240xf32, #tpu.memory_space<vmem>>[vector<16xi32>], vector<16xf32>,
      %add3A_33 = arith.addf %gather3A, %gather3A_31 : vector<16xf32>
      %mul3A_34 = arith.constant 2.000000e-01 : f32
      %mul3A_35 = vector.broadcast %mul3A_34 : f32 to vector<16xf32>
      %mul3A_36 = arith.mulf %mul3A_35, %add3A_33 : vector<16xf32>
      %max3A = arith.maximumf %add3A_33, %mul3A_36 : vector<16xf32>
      %sub3A = arith.subf %max3A, %gather3A_32 : vector<16xf32>
      %exp3A = math.exp %sub3A : vector<16xf32>
      %swap3A_37 = arith.constant 0 : index
      %swap3A_38 = tpu.vector_load %arg16[%swap3A_37] {strides = array<i32>} : memref<32xf32, #tpu.memory_space<vmem>>, vector<16xf32>,
      tpu.vector_store %arg16[%swap3A_37], %exp3A {strides = array<i32>} : memref<32xf32, #tpu.memory_space<vmem>>, vector<16xf32>,
      %shift_right_logical3A = arith.constant 7 : i32
      %shift_right_logical3A_39 = vector.broadcast %shift_right_logical3A : i32 to vector<16xi32>
      %shift_right_logical3A_40 = arith.shrui %get3A_27, %shift_right_logical3A_39 : vector<16xi32>
      %and3A = arith.constant 127 : i32
      %and3A_41 = vector.broadcast %and3A : i32 to vector<16xi32>
      %and3A_42 = arith.andi %get3A_27, %and3A_41 : vector<16xi32>
      tpu.vector_store_idx %arg12[%shift_right_logical3A_40, %and3A_42], %exp3A {add = true} : memref<80x128xf32, #tpu.memory_space<vmem>>[vector<16xi32>, vector<16xi32>], vector<16xf32>,
      %get3A_43 = arith.constant 16 : index
      %get3A_44 = tpu.vector_load %arg13[%get3A_43] {strides = array<i32>} : memref<32xi32, #tpu.memory_space<vmem>>, vector<16xi32>,
      %get3A_45 = arith.constant 16 : index
      %get3A_46 = tpu.vector_load %arg15[%get3A_45] {strides = array<i32>} : memref<32xi32, #tpu.memory_space<vmem>>, vector<16xi32>,
      %add3A_47 = vector.broadcast %mul3A_11 : i32 to vector<16xi32>
      %add3A_48 = arith.addi %get3A_44, %add3A_47 : vector<16xi32>
      %swap3A_49 = arith.constant 16 : index
      %swap3A_50 = tpu.vector_load %arg14[%swap3A_49] {strides = array<i32>} : memref<32xi32, #tpu.memory_space<vmem>>, vector<16xi32>,
      tpu.vector_store %arg14[%swap3A_49], %add3A_48 {strides = array<i32>} : memref<32xi32, #tpu.memory_space<vmem>>, vector<16xi32>,
      %gather3A_51 = tpu.vector_load_idx %arg9[%get3A_44] : memref<10240xf32, #tpu.memory_space<vmem>>[vector<16xi32>], vector<16xf32>,
      %gather3A_52 = tpu.vector_load_idx %arg10[%get3A_46] : memref<10240xf32, #tpu.memory_space<vmem>>[vector<16xi32>], vector<16xf32>,
      %gather3A_53 = tpu.vector_load_idx %arg11[%get3A_46] : memref<10240xf32, #tpu.memory_space<vmem>>[vector<16xi32>], vector<16xf32>,
      %add3A_54 = arith.addf %gather3A_51, %gather3A_52 : vector<16xf32>
      %mul3A_55 = arith.constant 2.000000e-01 : f32
      %mul3A_56 = vector.broadcast %mul3A_55 : f32 to vector<16xf32>
      %mul3A_57 = arith.mulf %mul3A_56, %add3A_54 : vector<16xf32>
      %max3A_58 = arith.maximumf %add3A_54, %mul3A_57 : vector<16xf32>
      %sub3A_59 = arith.subf %max3A_58, %gather3A_53 : vector<16xf32>
      %exp3A_60 = math.exp %sub3A_59 : vector<16xf32>
      %swap3A_61 = arith.constant 16 : index
      %swap3A_62 = tpu.vector_load %arg16[%swap3A_61] {strides = array<i32>} : memref<32xf32, #tpu.memory_space<vmem>>, vector<16xf32>,
      tpu.vector_store %arg16[%swap3A_61], %exp3A_60 {strides = array<i32>} : memref<32xf32, #tpu.memory_space<vmem>>, vector<16xf32>,
      %shift_right_logical3A_63 = arith.constant 7 : i32
      %shift_right_logical3A_64 = vector.broadcast %shift_right_logical3A_63 : i32 to vector<16xi32>
      %shift_right_logical3A_65 = arith.shrui %get3A_46, %shift_right_logical3A_64 : vector<16xi32>
      %and3A_66 = arith.constant 127 : i32
      %and3A_67 = vector.broadcast %and3A_66 : i32 to vector<16xi32>
      %and3A_68 = arith.andi %get3A_46, %and3A_67 : vector<16xi32>
      tpu.vector_store_idx %arg12[%shift_right_logical3A_65, %and3A_68], %exp3A_60 {add = true} : memref<80x128xf32, #tpu.memory_space<vmem>>[vector<16xi32>, vector<16xi32>], vector<16xf32>,
      %dma_start3A = arith.constant 0 : i32
      %dma_start3A_69 = arith.constant 0 : i32
      %dma_start3A_70 = tpu.memref_slice %arg4[%dma_start3A, %dma_start3A_69] : memref<20480x128xf32, #tpu.memory_space<hbm>> -> memref<20480x128xf32, #tpu.memory_space<hbm>>
      tpu.enqueue_indirect_dma source(%dma_start3A_70 : memref<20480x128xf32, #tpu.memory_space<hbm>>) target(%arg17 : memref<32x128xf32, #tpu.memory_space<vmem>>) offsets(%arg14 : memref<32xi32, #tpu.memory_space<vmem>>) semaphore(%arg19 : memref<!tpu.dma_semaphore, #tpu.memory_space<semaphore_mem>>)
      %dma_wait3A = arith.constant 0 : i32
      %dma_wait3A_71 = arith.constant 0 : i32
      %dma_wait3A_72 = tpu.memref_slice %arg4[%dma_wait3A, %dma_wait3A_71] : memref<20480x128xf32, #tpu.memory_space<hbm>> -> memref<20480x128xf32, #tpu.memory_space<hbm>>
      tpu.wait_indirect_dma semaphore(%arg19 : memref<!tpu.dma_semaphore, #tpu.memory_space<semaphore_mem>>) src(%dma_wait3A_72 : memref<20480x128xf32, #tpu.memory_space<hbm>>) dst(%arg17 : memref<32x128xf32, #tpu.memory_space<vmem>>)
      %scan3A_73 = arith.constant 0 : i32
      %scan3A_74 = arith.constant 0 : i32
      %scan3A_75 = arith.constant 32 : i32
      %scan3A_76 = arith.addi %scan3A_74, %scan3A_75 : i32
      %scan3A_77 = arith.constant 2 : i32
      scf.for %scan3A_79 = %scan3A_74 to %scan3A_76 step %scan3A_77  : i32 {
        %broadcast_in_dim3A = arith.constant 0 : i32
        %broadcast_in_dim3A_80 = vector.broadcast %broadcast_in_dim3A : i32 to vector<16xi32>
        %add3A_81 = vector.broadcast %scan3A_79 : i32 to vector<16xi32>
        %add3A_82 = arith.addi %broadcast_in_dim3A_80, %add3A_81 : vector<16xi32>
        %gather3A_83 = tpu.vector_load_idx %arg16[%add3A_82] : memref<32xf32, #tpu.memory_space<vmem>>[vector<16xi32>], vector<16xf32>,
        %get3A_84 = arith.index_cast %scan3A_79 : i32 to index
        %get3A_85 = arith.constant 0 : index
        %get3A_86 = tpu.vector_load %arg17[%get3A_84, %get3A_85] {strides = array<i32>} : memref<32x128xf32, #tpu.memory_space<vmem>>, vector<16xf32>,
        %mul3A_87 = arith.mulf %get3A_86, %gather3A_83 : vector<16xf32>
        %swap3A_88 = arith.index_cast %scan3A_79 : i32 to index
        %swap3A_89 = arith.constant 0 : index
        %swap3A_90 = tpu.vector_load %arg17[%swap3A_88, %swap3A_89] {strides = array<i32>} : memref<32x128xf32, #tpu.memory_space<vmem>>, vector<16xf32>,
        tpu.vector_store %arg17[%swap3A_88, %swap3A_89], %mul3A_87 {strides = array<i32>} : memref<32x128xf32, #tpu.memory_space<vmem>>, vector<16xf32>,
        %get3A_91 = arith.index_cast %scan3A_79 : i32 to index
        %get3A_92 = arith.constant 16 : index
        %get3A_93 = tpu.vector_load %arg17[%get3A_91, %get3A_92] {strides = array<i32>} : memref<32x128xf32, #tpu.memory_space<vmem>>, vector<16xf32>,
        %mul3A_94 = arith.mulf %get3A_93, %gather3A_83 : vector<16xf32>
        %swap3A_95 = arith.index_cast %scan3A_79 : i32 to index
        %swap3A_96 = arith.constant 16 : index
        %swap3A_97 = tpu.vector_load %arg17[%swap3A_95, %swap3A_96] {strides = array<i32>} : memref<32x128xf32, #tpu.memory_space<vmem>>, vector<16xf32>,
        tpu.vector_store %arg17[%swap3A_95, %swap3A_96], %mul3A_94 {strides = array<i32>} : memref<32x128xf32, #tpu.memory_space<vmem>>, vector<16xf32>,
        %get3A_98 = arith.index_cast %scan3A_79 : i32 to index
        %get3A_99 = arith.constant 32 : index
        %get3A_100 = tpu.vector_load %arg17[%get3A_98, %get3A_99] {strides = array<i32>} : memref<32x128xf32, #tpu.memory_space<vmem>>, vector<16xf32>,
        %mul3A_101 = arith.mulf %get3A_100, %gather3A_83 : vector<16xf32>
        %swap3A_102 = arith.index_cast %scan3A_79 : i32 to index
        %swap3A_103 = arith.constant 32 : index
        %swap3A_104 = tpu.vector_load %arg17[%swap3A_102, %swap3A_103] {strides = array<i32>} : memref<32x128xf32, #tpu.memory_space<vmem>>, vector<16xf32>,
        tpu.vector_store %arg17[%swap3A_102, %swap3A_103], %mul3A_101 {strides = array<i32>} : memref<32x128xf32, #tpu.memory_space<vmem>>, vector<16xf32>,
        %get3A_105 = arith.index_cast %scan3A_79 : i32 to index
        %get3A_106 = arith.constant 48 : index
        %get3A_107 = tpu.vector_load %arg17[%get3A_105, %get3A_106] {strides = array<i32>} : memref<32x128xf32, #tpu.memory_space<vmem>>, vector<16xf32>,
        %mul3A_108 = arith.mulf %get3A_107, %gather3A_83 : vector<16xf32>
        %swap3A_109 = arith.index_cast %scan3A_79 : i32 to index
        %swap3A_110 = arith.constant 48 : index
        %swap3A_111 = tpu.vector_load %arg17[%swap3A_109, %swap3A_110] {strides = array<i32>} : memref<32x128xf32, #tpu.memory_space<vmem>>, vector<16xf32>,
        tpu.vector_store %arg17[%swap3A_109, %swap3A_110], %mul3A_108 {strides = array<i32>} : memref<32x128xf32, #tpu.memory_space<vmem>>, vector<16xf32>,
        %get3A_112 = arith.index_cast %scan3A_79 : i32 to index
        %get3A_113 = arith.constant 64 : index
        %get3A_114 = tpu.vector_load %arg17[%get3A_112, %get3A_113] {strides = array<i32>} : memref<32x128xf32, #tpu.memory_space<vmem>>, vector<16xf32>,
        %mul3A_115 = arith.mulf %get3A_114, %gather3A_83 : vector<16xf32>
        %swap3A_116 = arith.index_cast %scan3A_79 : i32 to index
        %swap3A_117 = arith.constant 64 : index
        %swap3A_118 = tpu.vector_load %arg17[%swap3A_116, %swap3A_117] {strides = array<i32>} : memref<32x128xf32, #tpu.memory_space<vmem>>, vector<16xf32>,
        tpu.vector_store %arg17[%swap3A_116, %swap3A_117], %mul3A_115 {strides = array<i32>} : memref<32x128xf32, #tpu.memory_space<vmem>>, vector<16xf32>,
        %get3A_119 = arith.index_cast %scan3A_79 : i32 to index
        %get3A_120 = arith.constant 80 : index
        %get3A_121 = tpu.vector_load %arg17[%get3A_119, %get3A_120] {strides = array<i32>} : memref<32x128xf32, #tpu.memory_space<vmem>>, vector<16xf32>,
        %mul3A_122 = arith.mulf %get3A_121, %gather3A_83 : vector<16xf32>
        %swap3A_123 = arith.index_cast %scan3A_79 : i32 to index
        %swap3A_124 = arith.constant 80 : index
        %swap3A_125 = tpu.vector_load %arg17[%swap3A_123, %swap3A_124] {strides = array<i32>} : memref<32x128xf32, #tpu.memory_space<vmem>>, vector<16xf32>,
        tpu.vector_store %arg17[%swap3A_123, %swap3A_124], %mul3A_122 {strides = array<i32>} : memref<32x128xf32, #tpu.memory_space<vmem>>, vector<16xf32>,
        %get3A_126 = arith.index_cast %scan3A_79 : i32 to index
        %get3A_127 = arith.constant 96 : index
        %get3A_128 = tpu.vector_load %arg17[%get3A_126, %get3A_127] {strides = array<i32>} : memref<32x128xf32, #tpu.memory_space<vmem>>, vector<16xf32>,
        %mul3A_129 = arith.mulf %get3A_128, %gather3A_83 : vector<16xf32>
        %swap3A_130 = arith.index_cast %scan3A_79 : i32 to index
        %swap3A_131 = arith.constant 96 : index
        %swap3A_132 = tpu.vector_load %arg17[%swap3A_130, %swap3A_131] {strides = array<i32>} : memref<32x128xf32, #tpu.memory_space<vmem>>, vector<16xf32>,
        tpu.vector_store %arg17[%swap3A_130, %swap3A_131], %mul3A_129 {strides = array<i32>} : memref<32x128xf32, #tpu.memory_space<vmem>>, vector<16xf32>,
        %get3A_133 = arith.index_cast %scan3A_79 : i32 to index
        %get3A_134 = arith.constant 112 : index
        %get3A_135 = tpu.vector_load %arg17[%get3A_133, %get3A_134] {strides = array<i32>} : memref<32x128xf32, #tpu.memory_space<vmem>>, vector<16xf32>,
        %mul3A_136 = arith.mulf %get3A_135, %gather3A_83 : vector<16xf32>
        %swap3A_137 = arith.index_cast %scan3A_79 : i32 to index
        %swap3A_138 = arith.constant 112 : index
        %swap3A_139 = tpu.vector_load %arg17[%swap3A_137, %swap3A_138] {strides = array<i32>} : memref<32x128xf32, #tpu.memory_space<vmem>>, vector<16xf32>,
        tpu.vector_store %arg17[%swap3A_137, %swap3A_138], %mul3A_136 {strides = array<i32>} : memref<32x128xf32, #tpu.memory_space<vmem>>, vector<16xf32>,
        %scan3A_140 = arith.constant 1 : i32
        %scan3A_141 = arith.addi %scan3A_79, %scan3A_140 : i32
        %broadcast_in_dim3A_142 = arith.constant 0 : i32
        %broadcast_in_dim3A_143 = vector.broadcast %broadcast_in_dim3A_142 : i32 to vector<16xi32>
        %add3A_144 = vector.broadcast %scan3A_141 : i32 to vector<16xi32>
        %add3A_145 = arith.addi %broadcast_in_dim3A_143, %add3A_144 : vector<16xi32>
        %gather3A_146 = tpu.vector_load_idx %arg16[%add3A_145] : memref<32xf32, #tpu.memory_space<vmem>>[vector<16xi32>], vector<16xf32>,
        %get3A_147 = arith.index_cast %scan3A_141 : i32 to index
        %get3A_148 = arith.constant 0 : index
        %get3A_149 = tpu.vector_load %arg17[%get3A_147, %get3A_148] {strides = array<i32>} : memref<32x128xf32, #tpu.memory_space<vmem>>, vector<16xf32>,
        %mul3A_150 = arith.mulf %get3A_149, %gather3A_146 : vector<16xf32>
        %swap3A_151 = arith.index_cast %scan3A_141 : i32 to index
        %swap3A_152 = arith.constant 0 : index
        %swap3A_153 = tpu.vector_load %arg17[%swap3A_151, %swap3A_152] {strides = array<i32>} : memref<32x128xf32, #tpu.memory_space<vmem>>, vector<16xf32>,
        tpu.vector_store %arg17[%swap3A_151, %swap3A_152], %mul3A_150 {strides = array<i32>} : memref<32x128xf32, #tpu.memory_space<vmem>>, vector<16xf32>,
        %get3A_154 = arith.index_cast %scan3A_141 : i32 to index
        %get3A_155 = arith.constant 16 : index
        %get3A_156 = tpu.vector_load %arg17[%get3A_154, %get3A_155] {strides = array<i32>} : memref<32x128xf32, #tpu.memory_space<vmem>>, vector<16xf32>,
        %mul3A_157 = arith.mulf %get3A_156, %gather3A_146 : vector<16xf32>
        %swap3A_158 = arith.index_cast %scan3A_141 : i32 to index
        %swap3A_159 = arith.constant 16 : index
        %swap3A_160 = tpu.vector_load %arg17[%swap3A_158, %swap3A_159] {strides = array<i32>} : memref<32x128xf32, #tpu.memory_space<vmem>>, vector<16xf32>,
        tpu.vector_store %arg17[%swap3A_158, %swap3A_159], %mul3A_157 {strides = array<i32>} : memref<32x128xf32, #tpu.memory_space<vmem>>, vector<16xf32>,
        %get3A_161 = arith.index_cast %scan3A_141 : i32 to index
        %get3A_162 = arith.constant 32 : index
        %get3A_163 = tpu.vector_load %arg17[%get3A_161, %get3A_162] {strides = array<i32>} : memref<32x128xf32, #tpu.memory_space<vmem>>, vector<16xf32>,
        %mul3A_164 = arith.mulf %get3A_163, %gather3A_146 : vector<16xf32>
        %swap3A_165 = arith.index_cast %scan3A_141 : i32 to index
        %swap3A_166 = arith.constant 32 : index
        %swap3A_167 = tpu.vector_load %arg17[%swap3A_165, %swap3A_166] {strides = array<i32>} : memref<32x128xf32, #tpu.memory_space<vmem>>, vector<16xf32>,
        tpu.vector_store %arg17[%swap3A_165, %swap3A_166], %mul3A_164 {strides = array<i32>} : memref<32x128xf32, #tpu.memory_space<vmem>>, vector<16xf32>,
        %get3A_168 = arith.index_cast %scan3A_141 : i32 to index
        %get3A_169 = arith.constant 48 : index
        %get3A_170 = tpu.vector_load %arg17[%get3A_168, %get3A_169] {strides = array<i32>} : memref<32x128xf32, #tpu.memory_space<vmem>>, vector<16xf32>,
        %mul3A_171 = arith.mulf %get3A_170, %gather3A_146 : vector<16xf32>
        %swap3A_172 = arith.index_cast %scan3A_141 : i32 to index
        %swap3A_173 = arith.constant 48 : index
        %swap3A_174 = tpu.vector_load %arg17[%swap3A_172, %swap3A_173] {strides = array<i32>} : memref<32x128xf32, #tpu.memory_space<vmem>>, vector<16xf32>,
        tpu.vector_store %arg17[%swap3A_172, %swap3A_173], %mul3A_171 {strides = array<i32>} : memref<32x128xf32, #tpu.memory_space<vmem>>, vector<16xf32>,
        %get3A_175 = arith.index_cast %scan3A_141 : i32 to index
        %get3A_176 = arith.constant 64 : index
        %get3A_177 = tpu.vector_load %arg17[%get3A_175, %get3A_176] {strides = array<i32>} : memref<32x128xf32, #tpu.memory_space<vmem>>, vector<16xf32>,
        %mul3A_178 = arith.mulf %get3A_177, %gather3A_146 : vector<16xf32>
        %swap3A_179 = arith.index_cast %scan3A_141 : i32 to index
        %swap3A_180 = arith.constant 64 : index
        %swap3A_181 = tpu.vector_load %arg17[%swap3A_179, %swap3A_180] {strides = array<i32>} : memref<32x128xf32, #tpu.memory_space<vmem>>, vector<16xf32>,
        tpu.vector_store %arg17[%swap3A_179, %swap3A_180], %mul3A_178 {strides = array<i32>} : memref<32x128xf32, #tpu.memory_space<vmem>>, vector<16xf32>,
        %get3A_182 = arith.index_cast %scan3A_141 : i32 to index
        %get3A_183 = arith.constant 80 : index
        %get3A_184 = tpu.vector_load %arg17[%get3A_182, %get3A_183] {strides = array<i32>} : memref<32x128xf32, #tpu.memory_space<vmem>>, vector<16xf32>,
        %mul3A_185 = arith.mulf %get3A_184, %gather3A_146 : vector<16xf32>
        %swap3A_186 = arith.index_cast %scan3A_141 : i32 to index
        %swap3A_187 = arith.constant 80 : index
        %swap3A_188 = tpu.vector_load %arg17[%swap3A_186, %swap3A_187] {strides = array<i32>} : memref<32x128xf32, #tpu.memory_space<vmem>>, vector<16xf32>,
        tpu.vector_store %arg17[%swap3A_186, %swap3A_187], %mul3A_185 {strides = array<i32>} : memref<32x128xf32, #tpu.memory_space<vmem>>, vector<16xf32>,
        %get3A_189 = arith.index_cast %scan3A_141 : i32 to index
        %get3A_190 = arith.constant 96 : index
        %get3A_191 = tpu.vector_load %arg17[%get3A_189, %get3A_190] {strides = array<i32>} : memref<32x128xf32, #tpu.memory_space<vmem>>, vector<16xf32>,
        %mul3A_192 = arith.mulf %get3A_191, %gather3A_146 : vector<16xf32>
        %swap3A_193 = arith.index_cast %scan3A_141 : i32 to index
        %swap3A_194 = arith.constant 96 : index
        %swap3A_195 = tpu.vector_load %arg17[%swap3A_193, %swap3A_194] {strides = array<i32>} : memref<32x128xf32, #tpu.memory_space<vmem>>, vector<16xf32>,
        tpu.vector_store %arg17[%swap3A_193, %swap3A_194], %mul3A_192 {strides = array<i32>} : memref<32x128xf32, #tpu.memory_space<vmem>>, vector<16xf32>,
        %get3A_196 = arith.index_cast %scan3A_141 : i32 to index
        %get3A_197 = arith.constant 112 : index
        %get3A_198 = tpu.vector_load %arg17[%get3A_196, %get3A_197] {strides = array<i32>} : memref<32x128xf32, #tpu.memory_space<vmem>>, vector<16xf32>,
        %mul3A_199 = arith.mulf %get3A_198, %gather3A_146 : vector<16xf32>
        %swap3A_200 = arith.index_cast %scan3A_141 : i32 to index
        %swap3A_201 = arith.constant 112 : index
        %swap3A_202 = tpu.vector_load %arg17[%swap3A_200, %swap3A_201] {strides = array<i32>} : memref<32x128xf32, #tpu.memory_space<vmem>>, vector<16xf32>,
        tpu.vector_store %arg17[%swap3A_200, %swap3A_201], %mul3A_199 {strides = array<i32>} : memref<32x128xf32, #tpu.memory_space<vmem>>, vector<16xf32>,
      }
      %scan3A_78 = arith.constant 32 : i32
      "tpu.region"() ({
        %run_scoped3A = tpu.sem_alloc : memref<!tpu.dma_semaphore, #tpu.memory_space<semaphore_mem>>
        %dma_start3A_79 = arith.constant 0 : i32
        %dma_start3A_80 = arith.constant 0 : i32
        %dma_start3A_81 = tpu.memref_slice %arg18[%dma_start3A_79, %dma_start3A_80] : memref<10240x128xf32, #tpu.memory_space<vmem_shared>> -> memref<10240x128xf32, #tpu.memory_space<vmem_shared>>
        tpu.enqueue_indirect_dma source(%arg17 : memref<32x128xf32, #tpu.memory_space<vmem>>) target(%dma_start3A_81 : memref<10240x128xf32, #tpu.memory_space<vmem_shared>>) offsets(%arg15 : memref<32xi32, #tpu.memory_space<vmem>>) semaphore(%run_scoped3A : memref<!tpu.dma_semaphore, #tpu.memory_space<semaphore_mem>>) {add = true}
        %dma_wait3A_82 = arith.constant 0 : i32
        %dma_wait3A_83 = arith.constant 0 : i32
        %dma_wait3A_84 = tpu.memref_slice %arg18[%dma_wait3A_82, %dma_wait3A_83] : memref<10240x128xf32, #tpu.memory_space<vmem_shared>> -> memref<10240x128xf32, #tpu.memory_space<vmem_shared>>
        tpu.wait_indirect_dma semaphore(%run_scoped3A : memref<!tpu.dma_semaphore, #tpu.memory_space<semaphore_mem>>) src(%arg17 : memref<32x128xf32, #tpu.memory_space<vmem>>) dst(%dma_wait3A_84 : memref<10240x128xf32, #tpu.memory_space<vmem_shared>>)
        tpu.yield
      }) : () -> ()
    }
    %scan3A_17 = arith.constant 625 : i32
    %barrier3A_18 = arith.constant 0 : index
    tpu.barrier barrier_id(%barrier3A_18)
    "tpu.region"() ({
      %run_scoped3A = tpu.sem_alloc : memref<!tpu.dma_semaphore, #tpu.memory_space<semaphore_mem>>
      %dma_start3A = arith.constant 0 : i32
      %dma_start3A_21 = tpu.memref_slice %arg8[%arg0, %mul3A_0, %dma_start3A] : memref<2x11520x128xf32, #tpu.memory_space<hbm>> -> memref<1x640x128xf32, #tpu.memory_space<hbm>>
      %dma_start3A_22 = tpu.memref_squeeze %dma_start3A_21 : memref<1x640x128xf32, #tpu.memory_space<hbm>> -> memref<640x128xf32, #tpu.memory_space<hbm>>
      %dma_start3A_23 = arith.constant 0 : i32
      %dma_start3A_24 = tpu.memref_slice %arg18[%mul3A_0, %dma_start3A_23] : memref<10240x128xf32, #tpu.memory_space<vmem_shared>> -> memref<640x128xf32, #tpu.memory_space<vmem_shared>>
      tpu.enqueue_dma source(%dma_start3A_24 : memref<640x128xf32, #tpu.memory_space<vmem_shared>>) target(%dma_start3A_22 : memref<640x128xf32, #tpu.memory_space<hbm>>) target_semaphore(%run_scoped3A : memref<!tpu.dma_semaphore, #tpu.memory_space<semaphore_mem>>)
      %dma_wait3A = arith.constant 0 : i32
      %dma_wait3A_25 = tpu.memref_slice %arg8[%arg0, %mul3A_0, %dma_wait3A] : memref<2x11520x128xf32, #tpu.memory_space<hbm>> -> memref<1x640x128xf32, #tpu.memory_space<hbm>>
      %dma_wait3A_26 = tpu.memref_squeeze %dma_wait3A_25 : memref<1x640x128xf32, #tpu.memory_space<hbm>> -> memref<640x128xf32, #tpu.memory_space<hbm>>
      %dma_wait3A_27 = arith.constant 0 : i32
      %dma_wait3A_28 = tpu.memref_slice %arg18[%mul3A_0, %dma_wait3A_27] : memref<10240x128xf32, #tpu.memory_space<vmem_shared>> -> memref<640x128xf32, #tpu.memory_space<vmem_shared>>
      tpu.wait_dma2 semaphore(%run_scoped3A : memref<!tpu.dma_semaphore, #tpu.memory_space<semaphore_mem>>) src(%dma_wait3A_28 : memref<640x128xf32, #tpu.memory_space<vmem_shared>>) dst(%dma_wait3A_26 : memref<640x128xf32, #tpu.memory_space<hbm>>)
      tpu.yield
    }) : () -> ()
    %eq3A = arith.constant 0 : i32
    %eq3A_19 = arith.cmpi eq, %arg0, %eq3A : i32
    %convert_element_type3A = arith.extui %eq3A_19 : i1 to i32
    %cond3A = arith.constant 0 : i32
    %cond3A_20 = arith.cmpi ne, %convert_element_type3A, %cond3A : i32
    scf.if %cond3A_20 {
      %mul3A_21 = arith.constant 80 : i32
      %mul3A_22 = arith.muli %arg1, %mul3A_21 : i32
      %add3A_23 = arith.constant 10240 : i32
      %add3A_24 = arith.addi %add3A_23, %mul3A_22 : i32
      %run_scoped3A = arith.constant 0 : i32
      "tpu.region"() ({
        %run_scoped3A_25 = tpu.sem_alloc : memref<!tpu.dma_semaphore, #tpu.memory_space<semaphore_mem>>
        %dma_start3A = arith.constant 0 : i32
        %dma_start3A_26 = tpu.memref_slice %arg8[%run_scoped3A, %add3A_24, %dma_start3A] : memref<2x11520x128xf32, #tpu.memory_space<hbm>> -> memref<1x80x128xf32, #tpu.memory_space<hbm>>
        %dma_start3A_27 = tpu.memref_squeeze %dma_start3A_26 : memref<1x80x128xf32, #tpu.memory_space<hbm>> -> memref<80x128xf32, #tpu.memory_space<hbm>>
        %dma_start3A_28 = arith.constant 0 : i32
        %dma_start3A_29 = tpu.memref_slice %arg8[%run_scoped3A, %add3A_24, %dma_start3A_28] : memref<2x11520x128xf32, #tpu.memory_space<hbm>> -> memref<1x80x128xf32, #tpu.memory_space<hbm>>
        %dma_start3A_30 = tpu.memref_squeeze %dma_start3A_29 : memref<1x80x128xf32, #tpu.memory_space<hbm>> -> memref<80x128xf32, #tpu.memory_space<hbm>>
        tpu.enqueue_dma source(%arg12 : memref<80x128xf32, #tpu.memory_space<vmem>>) target(%dma_start3A_30 : memref<80x128xf32, #tpu.memory_space<hbm>>) target_semaphore(%run_scoped3A_25 : memref<!tpu.dma_semaphore, #tpu.memory_space<semaphore_mem>>)
        %dma_wait3A = arith.constant 0 : i32
        %dma_wait3A_31 = tpu.memref_slice %arg8[%run_scoped3A, %add3A_24, %dma_wait3A] : memref<2x11520x128xf32, #tpu.memory_space<hbm>> -> memref<1x80x128xf32, #tpu.memory_space<hbm>>
        %dma_wait3A_32 = tpu.memref_squeeze %dma_wait3A_31 : memref<1x80x128xf32, #tpu.memory_space<hbm>> -> memref<80x128xf32, #tpu.memory_space<hbm>>
        %dma_wait3A_33 = arith.constant 0 : i32
        %dma_wait3A_34 = tpu.memref_slice %arg8[%run_scoped3A, %add3A_24, %dma_wait3A_33] : memref<2x11520x128xf32, #tpu.memory_space<hbm>> -> memref<1x80x128xf32, #tpu.memory_space<hbm>>
        %dma_wait3A_35 = tpu.memref_squeeze %dma_wait3A_34 : memref<1x80x128xf32, #tpu.memory_space<hbm>> -> memref<80x128xf32, #tpu.memory_space<hbm>>
        tpu.wait_dma2 semaphore(%run_scoped3A_25 : memref<!tpu.dma_semaphore, #tpu.memory_space<semaphore_mem>>) src(%arg12 : memref<80x128xf32, #tpu.memory_space<vmem>>) dst(%dma_wait3A_35 : memref<80x128xf32, #tpu.memory_space<hbm>>)
        tpu.yield
      }) : () -> ()
    } else {
    }
    return
  }
}

#map = affine_map<(d0, d1) -> (0)>
#map1 = affine_map<(d0, d1) -> (0, 0)>
#map2 = affine_map<(d0, d1) -> (0, 0, 0)>
module attributes {stable_mosaic.version = 14 : i64} {
  func.func @_edge_body(%arg0: i32, %arg1: i32, %arg2: memref<320000xi32, #tpu.memory_space<hbm>>, %arg3: memref<320000xi32, #tpu.memory_space<hbm>>, %arg4: memref<20480x128xf32, #tpu.memory_space<hbm>>, %arg5: memref<10240xf32, #tpu.memory_space<hbm>>, %arg6: memref<10240xf32, #tpu.memory_space<hbm>>, %arg7: memref<10240xf32, #tpu.memory_space<hbm>>, %arg8: memref<2x11520x128xf32, #tpu.memory_space<hbm>>, %arg9: memref<10240xf32, #tpu.memory_space<vmem>>, %arg10: memref<10240xf32, #tpu.memory_space<vmem>>, %arg11: memref<10240xf32, #tpu.memory_space<vmem>>, %arg12: memref<80x128xf32, #tpu.memory_space<vmem>>, %arg13: memref<32xi32, #tpu.memory_space<vmem>>, %arg14: memref<32xi32, #tpu.memory_space<vmem>>, %arg15: memref<32xi32, #tpu.memory_space<vmem>>, %arg16: memref<32xf32, #tpu.memory_space<vmem>>, %arg17: memref<32x128xf32, #tpu.memory_space<vmem>>, %arg18: memref<10240x128xf32, #tpu.memory_space<vmem_shared>>, %arg19: memref<!tpu.dma_semaphore, #tpu.memory_space<semaphore_mem>>) attributes {dimension_semantics = [#tpu.dimension_semantics<core_parallel>, #tpu.dimension_semantics<subcore_parallel>], iteration_bounds = array<i64: 2, 16>, scalar_prefetch = 0 : i64, scratch_operands = 11 : i64, tpu.core_type = #tpu.core_type<sc_vector_subcore>, window_params = [{transform_indices = #map}, {transform_indices = #map}, {transform_indices = #map1}, {transform_indices = #map}, {transform_indices = #map}, {transform_indices = #map}, {transform_indices = #map2}]} {
    "tpu.region"() ({
      %run_scoped3A = tpu.sem_alloc : memref<!tpu.dma_semaphore, #tpu.memory_space<semaphore_mem>>
      tpu.enqueue_dma source(%arg5 : memref<10240xf32, #tpu.memory_space<hbm>>) target(%arg9 : memref<10240xf32, #tpu.memory_space<vmem>>) target_semaphore(%run_scoped3A : memref<!tpu.dma_semaphore, #tpu.memory_space<semaphore_mem>>)
      tpu.wait_dma2 semaphore(%run_scoped3A : memref<!tpu.dma_semaphore, #tpu.memory_space<semaphore_mem>>) src(%arg5 : memref<10240xf32, #tpu.memory_space<hbm>>) dst(%arg9 : memref<10240xf32, #tpu.memory_space<vmem>>)
      tpu.yield
    }) : () -> ()
    "tpu.region"() ({
      %run_scoped3A = tpu.sem_alloc : memref<!tpu.dma_semaphore, #tpu.memory_space<semaphore_mem>>
      tpu.enqueue_dma source(%arg6 : memref<10240xf32, #tpu.memory_space<hbm>>) target(%arg10 : memref<10240xf32, #tpu.memory_space<vmem>>) target_semaphore(%run_scoped3A : memref<!tpu.dma_semaphore, #tpu.memory_space<semaphore_mem>>)
      tpu.wait_dma2 semaphore(%run_scoped3A : memref<!tpu.dma_semaphore, #tpu.memory_space<semaphore_mem>>) src(%arg6 : memref<10240xf32, #tpu.memory_space<hbm>>) dst(%arg10 : memref<10240xf32, #tpu.memory_space<vmem>>)
      tpu.yield
    }) : () -> ()
    "tpu.region"() ({
      %run_scoped3A = tpu.sem_alloc : memref<!tpu.dma_semaphore, #tpu.memory_space<semaphore_mem>>
      tpu.enqueue_dma source(%arg7 : memref<10240xf32, #tpu.memory_space<hbm>>) target(%arg11 : memref<10240xf32, #tpu.memory_space<vmem>>) target_semaphore(%run_scoped3A : memref<!tpu.dma_semaphore, #tpu.memory_space<semaphore_mem>>)
      tpu.wait_dma2 semaphore(%run_scoped3A : memref<!tpu.dma_semaphore, #tpu.memory_space<semaphore_mem>>) src(%arg7 : memref<10240xf32, #tpu.memory_space<hbm>>) dst(%arg11 : memref<10240xf32, #tpu.memory_space<vmem>>)
      tpu.yield
    }) : () -> ()
    %mul3A = arith.constant 640 : i32
    %mul3A_0 = arith.muli %arg1, %mul3A : i32
    %mul3A_1 = arith.constant 10240 : i32
    %mul3A_2 = arith.muli %arg0, %mul3A_1 : i32
    %add3A = arith.addi %mul3A_2, %mul3A_0 : i32
    "tpu.region"() ({
      %run_scoped3A = tpu.sem_alloc : memref<!tpu.dma_semaphore, #tpu.memory_space<semaphore_mem>>
      %dma_start3A = arith.constant 0 : i32
      %dma_start3A_21 = tpu.memref_slice %arg18[%mul3A_0, %dma_start3A] : memref<10240x128xf32, #tpu.memory_space<vmem_shared>> -> memref<640x128xf32, #tpu.memory_space<vmem_shared>>
      %dma_start3A_22 = arith.constant 0 : i32
      %dma_start3A_23 = tpu.memref_slice %arg4[%add3A, %dma_start3A_22] : memref<20480x128xf32, #tpu.memory_space<hbm>> -> memref<640x128xf32, #tpu.memory_space<hbm>>
      tpu.enqueue_dma source(%dma_start3A_23 : memref<640x128xf32, #tpu.memory_space<hbm>>) target(%dma_start3A_21 : memref<640x128xf32, #tpu.memory_space<vmem_shared>>) target_semaphore(%run_scoped3A : memref<!tpu.dma_semaphore, #tpu.memory_space<semaphore_mem>>)
      %dma_wait3A = arith.constant 0 : i32
      %dma_wait3A_24 = tpu.memref_slice %arg18[%mul3A_0, %dma_wait3A] : memref<10240x128xf32, #tpu.memory_space<vmem_shared>> -> memref<640x128xf32, #tpu.memory_space<vmem_shared>>
      %dma_wait3A_25 = arith.constant 0 : i32
      %dma_wait3A_26 = tpu.memref_slice %arg4[%add3A, %dma_wait3A_25] : memref<20480x128xf32, #tpu.memory_space<hbm>> -> memref<640x128xf32, #tpu.memory_space<hbm>>
      tpu.wait_dma2 semaphore(%run_scoped3A : memref<!tpu.dma_semaphore, #tpu.memory_space<semaphore_mem>>) src(%dma_wait3A_26 : memref<640x128xf32, #tpu.memory_space<hbm>>) dst(%dma_wait3A_24 : memref<640x128xf32, #tpu.memory_space<vmem_shared>>)
      tpu.yield
    }) : () -> ()
    %scan3A = arith.constant 0 : i32
    %scan3A_3 = arith.constant 0 : i32
    %scan3A_4 = arith.constant 80 : i32
    %scan3A_5 = arith.addi %scan3A_3, %scan3A_4 : i32
    %scan3A_6 = arith.constant 1 : i32
    scf.for %scan3A_21 = %scan3A_3 to %scan3A_5 step %scan3A_6  : i32 {
      %broadcast_in_dim3A = arith.constant 0.000000e+00 : f32
      %broadcast_in_dim3A_22 = vector.broadcast %broadcast_in_dim3A : f32 to vector<16xf32>
      %swap3A = arith.index_cast %scan3A_21 : i32 to index
      %swap3A_23 = arith.constant 0 : index
      %swap3A_24 = tpu.vector_load %arg12[%swap3A, %swap3A_23] {strides = array<i32>} : memref<80x128xf32, #tpu.memory_space<vmem>>, vector<16xf32>,
      tpu.vector_store %arg12[%swap3A, %swap3A_23], %broadcast_in_dim3A_22 {strides = array<i32>} : memref<80x128xf32, #tpu.memory_space<vmem>>, vector<16xf32>,
      %broadcast_in_dim3A_25 = arith.constant 0.000000e+00 : f32
      %broadcast_in_dim3A_26 = vector.broadcast %broadcast_in_dim3A_25 : f32 to vector<16xf32>
      %swap3A_27 = arith.index_cast %scan3A_21 : i32 to index
      %swap3A_28 = arith.constant 16 : index
      %swap3A_29 = tpu.vector_load %arg12[%swap3A_27, %swap3A_28] {strides = array<i32>} : memref<80x128xf32, #tpu.memory_space<vmem>>, vector<16xf32>,
      tpu.vector_store %arg12[%swap3A_27, %swap3A_28], %broadcast_in_dim3A_26 {strides = array<i32>} : memref<80x128xf32, #tpu.memory_space<vmem>>, vector<16xf32>,
      %broadcast_in_dim3A_30 = arith.constant 0.000000e+00 : f32
      %broadcast_in_dim3A_31 = vector.broadcast %broadcast_in_dim3A_30 : f32 to vector<16xf32>
      %swap3A_32 = arith.index_cast %scan3A_21 : i32 to index
      %swap3A_33 = arith.constant 32 : index
      %swap3A_34 = tpu.vector_load %arg12[%swap3A_32, %swap3A_33] {strides = array<i32>} : memref<80x128xf32, #tpu.memory_space<vmem>>, vector<16xf32>,
      tpu.vector_store %arg12[%swap3A_32, %swap3A_33], %broadcast_in_dim3A_31 {strides = array<i32>} : memref<80x128xf32, #tpu.memory_space<vmem>>, vector<16xf32>,
      %broadcast_in_dim3A_35 = arith.constant 0.000000e+00 : f32
      %broadcast_in_dim3A_36 = vector.broadcast %broadcast_in_dim3A_35 : f32 to vector<16xf32>
      %swap3A_37 = arith.index_cast %scan3A_21 : i32 to index
      %swap3A_38 = arith.constant 48 : index
      %swap3A_39 = tpu.vector_load %arg12[%swap3A_37, %swap3A_38] {strides = array<i32>} : memref<80x128xf32, #tpu.memory_space<vmem>>, vector<16xf32>,
      tpu.vector_store %arg12[%swap3A_37, %swap3A_38], %broadcast_in_dim3A_36 {strides = array<i32>} : memref<80x128xf32, #tpu.memory_space<vmem>>, vector<16xf32>,
      %broadcast_in_dim3A_40 = arith.constant 0.000000e+00 : f32
      %broadcast_in_dim3A_41 = vector.broadcast %broadcast_in_dim3A_40 : f32 to vector<16xf32>
      %swap3A_42 = arith.index_cast %scan3A_21 : i32 to index
      %swap3A_43 = arith.constant 64 : index
      %swap3A_44 = tpu.vector_load %arg12[%swap3A_42, %swap3A_43] {strides = array<i32>} : memref<80x128xf32, #tpu.memory_space<vmem>>, vector<16xf32>,
      tpu.vector_store %arg12[%swap3A_42, %swap3A_43], %broadcast_in_dim3A_41 {strides = array<i32>} : memref<80x128xf32, #tpu.memory_space<vmem>>, vector<16xf32>,
      %broadcast_in_dim3A_45 = arith.constant 0.000000e+00 : f32
      %broadcast_in_dim3A_46 = vector.broadcast %broadcast_in_dim3A_45 : f32 to vector<16xf32>
      %swap3A_47 = arith.index_cast %scan3A_21 : i32 to index
      %swap3A_48 = arith.constant 80 : index
      %swap3A_49 = tpu.vector_load %arg12[%swap3A_47, %swap3A_48] {strides = array<i32>} : memref<80x128xf32, #tpu.memory_space<vmem>>, vector<16xf32>,
      tpu.vector_store %arg12[%swap3A_47, %swap3A_48], %broadcast_in_dim3A_46 {strides = array<i32>} : memref<80x128xf32, #tpu.memory_space<vmem>>, vector<16xf32>,
      %broadcast_in_dim3A_50 = arith.constant 0.000000e+00 : f32
      %broadcast_in_dim3A_51 = vector.broadcast %broadcast_in_dim3A_50 : f32 to vector<16xf32>
      %swap3A_52 = arith.index_cast %scan3A_21 : i32 to index
      %swap3A_53 = arith.constant 96 : index
      %swap3A_54 = tpu.vector_load %arg12[%swap3A_52, %swap3A_53] {strides = array<i32>} : memref<80x128xf32, #tpu.memory_space<vmem>>, vector<16xf32>,
      tpu.vector_store %arg12[%swap3A_52, %swap3A_53], %broadcast_in_dim3A_51 {strides = array<i32>} : memref<80x128xf32, #tpu.memory_space<vmem>>, vector<16xf32>,
      %broadcast_in_dim3A_55 = arith.constant 0.000000e+00 : f32
      %broadcast_in_dim3A_56 = vector.broadcast %broadcast_in_dim3A_55 : f32 to vector<16xf32>
      %swap3A_57 = arith.index_cast %scan3A_21 : i32 to index
      %swap3A_58 = arith.constant 112 : index
      %swap3A_59 = tpu.vector_load %arg12[%swap3A_57, %swap3A_58] {strides = array<i32>} : memref<80x128xf32, #tpu.memory_space<vmem>>, vector<16xf32>,
      tpu.vector_store %arg12[%swap3A_57, %swap3A_58], %broadcast_in_dim3A_56 {strides = array<i32>} : memref<80x128xf32, #tpu.memory_space<vmem>>, vector<16xf32>,
    }
    %scan3A_7 = arith.constant 80 : i32
    %barrier3A = arith.constant 0 : index
    tpu.barrier barrier_id(%barrier3A)
    %mul3A_8 = arith.constant 20000 : i32
    %mul3A_9 = arith.muli %arg1, %mul3A_8 : i32
    %mul3A_10 = arith.constant 10240 : i32
    %mul3A_11 = arith.muli %arg0, %mul3A_10 : i32
    %scan3A_12 = arith.constant 0 : i32
    %scan3A_13 = arith.constant 0 : i32
    %scan3A_14 = arith.constant 625 : i32
    %scan3A_15 = arith.addi %scan3A_13, %scan3A_14 : i32
    %scan3A_16 = arith.constant 1 : i32
    scf.for %scan3A_21 = %scan3A_13 to %scan3A_15 step %scan3A_16  : i32 {
      %mul3A_22 = arith.constant 32 : i32
      %mul3A_23 = arith.muli %scan3A_21, %mul3A_22 : i32
      %add3A_24 = arith.addi %mul3A_9, %mul3A_23 : i32
      "tpu.region"() ({
        %run_scoped3A = tpu.sem_alloc : memref<!tpu.dma_semaphore, #tpu.memory_space<semaphore_mem>>
        %dma_start3A_79 = tpu.memref_slice %arg2[%add3A_24] : memref<320000xi32, #tpu.memory_space<hbm>> -> memref<32xi32, #tpu.memory_space<hbm>>
        %dma_start3A_80 = tpu.memref_slice %arg2[%add3A_24] : memref<320000xi32, #tpu.memory_space<hbm>> -> memref<32xi32, #tpu.memory_space<hbm>>
        tpu.enqueue_dma source(%dma_start3A_80 : memref<32xi32, #tpu.memory_space<hbm>>) target(%arg13 : memref<32xi32, #tpu.memory_space<vmem>>) target_semaphore(%run_scoped3A : memref<!tpu.dma_semaphore, #tpu.memory_space<semaphore_mem>>)
        %dma_wait3A_81 = tpu.memref_slice %arg2[%add3A_24] : memref<320000xi32, #tpu.memory_space<hbm>> -> memref<32xi32, #tpu.memory_space<hbm>>
        %dma_wait3A_82 = tpu.memref_slice %arg2[%add3A_24] : memref<320000xi32, #tpu.memory_space<hbm>> -> memref<32xi32, #tpu.memory_space<hbm>>
        tpu.wait_dma2 semaphore(%run_scoped3A : memref<!tpu.dma_semaphore, #tpu.memory_space<semaphore_mem>>) src(%dma_wait3A_82 : memref<32xi32, #tpu.memory_space<hbm>>) dst(%arg13 : memref<32xi32, #tpu.memory_space<vmem>>)
        tpu.yield
      }) : () -> ()
      "tpu.region"() ({
        %run_scoped3A = tpu.sem_alloc : memref<!tpu.dma_semaphore, #tpu.memory_space<semaphore_mem>>
        %dma_start3A_79 = tpu.memref_slice %arg3[%add3A_24] : memref<320000xi32, #tpu.memory_space<hbm>> -> memref<32xi32, #tpu.memory_space<hbm>>
        %dma_start3A_80 = tpu.memref_slice %arg3[%add3A_24] : memref<320000xi32, #tpu.memory_space<hbm>> -> memref<32xi32, #tpu.memory_space<hbm>>
        tpu.enqueue_dma source(%dma_start3A_80 : memref<32xi32, #tpu.memory_space<hbm>>) target(%arg15 : memref<32xi32, #tpu.memory_space<vmem>>) target_semaphore(%run_scoped3A : memref<!tpu.dma_semaphore, #tpu.memory_space<semaphore_mem>>)
        %dma_wait3A_81 = tpu.memref_slice %arg3[%add3A_24] : memref<320000xi32, #tpu.memory_space<hbm>> -> memref<32xi32, #tpu.memory_space<hbm>>
        %dma_wait3A_82 = tpu.memref_slice %arg3[%add3A_24] : memref<320000xi32, #tpu.memory_space<hbm>> -> memref<32xi32, #tpu.memory_space<hbm>>
        tpu.wait_dma2 semaphore(%run_scoped3A : memref<!tpu.dma_semaphore, #tpu.memory_space<semaphore_mem>>) src(%dma_wait3A_82 : memref<32xi32, #tpu.memory_space<hbm>>) dst(%arg15 : memref<32xi32, #tpu.memory_space<vmem>>)
        tpu.yield
      }) : () -> ()
      %get3A = arith.constant 0 : index
      %get3A_25 = tpu.vector_load %arg13[%get3A] {strides = array<i32>} : memref<32xi32, #tpu.memory_space<vmem>>, vector<16xi32>,
      %get3A_26 = arith.constant 0 : index
      %get3A_27 = tpu.vector_load %arg15[%get3A_26] {strides = array<i32>} : memref<32xi32, #tpu.memory_space<vmem>>, vector<16xi32>,
      %add3A_28 = vector.broadcast %mul3A_11 : i32 to vector<16xi32>
      %add3A_29 = arith.addi %get3A_25, %add3A_28 : vector<16xi32>
      %swap3A = arith.constant 0 : index
      %swap3A_30 = tpu.vector_load %arg14[%swap3A] {strides = array<i32>} : memref<32xi32, #tpu.memory_space<vmem>>, vector<16xi32>,
      tpu.vector_store %arg14[%swap3A], %add3A_29 {strides = array<i32>} : memref<32xi32, #tpu.memory_space<vmem>>, vector<16xi32>,
      %gather3A = tpu.vector_load_idx %arg9[%get3A_25] : memref<10240xf32, #tpu.memory_space<vmem>>[vector<16xi32>], vector<16xf32>,
      %gather3A_31 = tpu.vector_load_idx %arg10[%get3A_27] : memref<10240xf32, #tpu.memory_space<vmem>>[vector<16xi32>], vector<16xf32>,
      %gather3A_32 = tpu.vector_load_idx %arg11[%get3A_27] : memref<10240xf32, #tpu.memory_space<vmem>>[vector<16xi32>], vector<16xf32>,
      %add3A_33 = arith.addf %gather3A, %gather3A_31 : vector<16xf32>
      %mul3A_34 = arith.constant 2.000000e-01 : f32
      %mul3A_35 = vector.broadcast %mul3A_34 : f32 to vector<16xf32>
      %mul3A_36 = arith.mulf %mul3A_35, %add3A_33 : vector<16xf32>
      %max3A = arith.maximumf %add3A_33, %mul3A_36 : vector<16xf32>
      %sub3A = arith.subf %max3A, %gather3A_32 : vector<16xf32>
      %exp3A = math.exp %sub3A : vector<16xf32>
      %swap3A_37 = arith.constant 0 : index
      %swap3A_38 = tpu.vector_load %arg16[%swap3A_37] {strides = array<i32>} : memref<32xf32, #tpu.memory_space<vmem>>, vector<16xf32>,
      tpu.vector_store %arg16[%swap3A_37], %exp3A {strides = array<i32>} : memref<32xf32, #tpu.memory_space<vmem>>, vector<16xf32>,
      %shift_right_logical3A = arith.constant 7 : i32
      %shift_right_logical3A_39 = vector.broadcast %shift_right_logical3A : i32 to vector<16xi32>
      %shift_right_logical3A_40 = arith.shrui %get3A_27, %shift_right_logical3A_39 : vector<16xi32>
      %and3A = arith.constant 127 : i32
      %and3A_41 = vector.broadcast %and3A : i32 to vector<16xi32>
      %and3A_42 = arith.andi %get3A_27, %and3A_41 : vector<16xi32>
      tpu.vector_store_idx %arg12[%shift_right_logical3A_40, %and3A_42], %exp3A {add = true} : memref<80x128xf32, #tpu.memory_space<vmem>>[vector<16xi32>, vector<16xi32>], vector<16xf32>,
      %get3A_43 = arith.constant 16 : index
      %get3A_44 = tpu.vector_load %arg13[%get3A_43] {strides = array<i32>} : memref<32xi32, #tpu.memory_space<vmem>>, vector<16xi32>,
      %get3A_45 = arith.constant 16 : index
      %get3A_46 = tpu.vector_load %arg15[%get3A_45] {strides = array<i32>} : memref<32xi32, #tpu.memory_space<vmem>>, vector<16xi32>,
      %add3A_47 = vector.broadcast %mul3A_11 : i32 to vector<16xi32>
      %add3A_48 = arith.addi %get3A_44, %add3A_47 : vector<16xi32>
      %swap3A_49 = arith.constant 16 : index
      %swap3A_50 = tpu.vector_load %arg14[%swap3A_49] {strides = array<i32>} : memref<32xi32, #tpu.memory_space<vmem>>, vector<16xi32>,
      tpu.vector_store %arg14[%swap3A_49], %add3A_48 {strides = array<i32>} : memref<32xi32, #tpu.memory_space<vmem>>, vector<16xi32>,
      %gather3A_51 = tpu.vector_load_idx %arg9[%get3A_44] : memref<10240xf32, #tpu.memory_space<vmem>>[vector<16xi32>], vector<16xf32>,
      %gather3A_52 = tpu.vector_load_idx %arg10[%get3A_46] : memref<10240xf32, #tpu.memory_space<vmem>>[vector<16xi32>], vector<16xf32>,
      %gather3A_53 = tpu.vector_load_idx %arg11[%get3A_46] : memref<10240xf32, #tpu.memory_space<vmem>>[vector<16xi32>], vector<16xf32>,
      %add3A_54 = arith.addf %gather3A_51, %gather3A_52 : vector<16xf32>
      %mul3A_55 = arith.constant 2.000000e-01 : f32
      %mul3A_56 = vector.broadcast %mul3A_55 : f32 to vector<16xf32>
      %mul3A_57 = arith.mulf %mul3A_56, %add3A_54 : vector<16xf32>
      %max3A_58 = arith.maximumf %add3A_54, %mul3A_57 : vector<16xf32>
      %sub3A_59 = arith.subf %max3A_58, %gather3A_53 : vector<16xf32>
      %exp3A_60 = math.exp %sub3A_59 : vector<16xf32>
      %swap3A_61 = arith.constant 16 : index
      %swap3A_62 = tpu.vector_load %arg16[%swap3A_61] {strides = array<i32>} : memref<32xf32, #tpu.memory_space<vmem>>, vector<16xf32>,
      tpu.vector_store %arg16[%swap3A_61], %exp3A_60 {strides = array<i32>} : memref<32xf32, #tpu.memory_space<vmem>>, vector<16xf32>,
      %shift_right_logical3A_63 = arith.constant 7 : i32
      %shift_right_logical3A_64 = vector.broadcast %shift_right_logical3A_63 : i32 to vector<16xi32>
      %shift_right_logical3A_65 = arith.shrui %get3A_46, %shift_right_logical3A_64 : vector<16xi32>
      %and3A_66 = arith.constant 127 : i32
      %and3A_67 = vector.broadcast %and3A_66 : i32 to vector<16xi32>
      %and3A_68 = arith.andi %get3A_46, %and3A_67 : vector<16xi32>
      tpu.vector_store_idx %arg12[%shift_right_logical3A_65, %and3A_68], %exp3A_60 {add = true} : memref<80x128xf32, #tpu.memory_space<vmem>>[vector<16xi32>, vector<16xi32>], vector<16xf32>,
      %dma_start3A = arith.constant 0 : i32
      %dma_start3A_69 = arith.constant 0 : i32
      %dma_start3A_70 = tpu.memref_slice %arg4[%dma_start3A, %dma_start3A_69] : memref<20480x128xf32, #tpu.memory_space<hbm>> -> memref<20480x128xf32, #tpu.memory_space<hbm>>
      tpu.enqueue_indirect_dma source(%dma_start3A_70 : memref<20480x128xf32, #tpu.memory_space<hbm>>) target(%arg17 : memref<32x128xf32, #tpu.memory_space<vmem>>) offsets(%arg14 : memref<32xi32, #tpu.memory_space<vmem>>) semaphore(%arg19 : memref<!tpu.dma_semaphore, #tpu.memory_space<semaphore_mem>>)
      %dma_wait3A = arith.constant 0 : i32
      %dma_wait3A_71 = arith.constant 0 : i32
      %dma_wait3A_72 = tpu.memref_slice %arg4[%dma_wait3A, %dma_wait3A_71] : memref<20480x128xf32, #tpu.memory_space<hbm>> -> memref<20480x128xf32, #tpu.memory_space<hbm>>
      tpu.wait_indirect_dma semaphore(%arg19 : memref<!tpu.dma_semaphore, #tpu.memory_space<semaphore_mem>>) src(%dma_wait3A_72 : memref<20480x128xf32, #tpu.memory_space<hbm>>) dst(%arg17 : memref<32x128xf32, #tpu.memory_space<vmem>>)
      %scan3A_73 = arith.constant 0 : i32
      %scan3A_74 = arith.constant 0 : i32
      %scan3A_75 = arith.constant 32 : i32
      %scan3A_76 = arith.addi %scan3A_74, %scan3A_75 : i32
      %scan3A_77 = arith.constant 2 : i32
      scf.for %scan3A_79 = %scan3A_74 to %scan3A_76 step %scan3A_77  : i32 {
        %broadcast_in_dim3A = arith.constant 0 : i32
        %broadcast_in_dim3A_80 = vector.broadcast %broadcast_in_dim3A : i32 to vector<16xi32>
        %add3A_81 = vector.broadcast %scan3A_79 : i32 to vector<16xi32>
        %add3A_82 = arith.addi %broadcast_in_dim3A_80, %add3A_81 : vector<16xi32>
        %gather3A_83 = tpu.vector_load_idx %arg16[%add3A_82] : memref<32xf32, #tpu.memory_space<vmem>>[vector<16xi32>], vector<16xf32>,
        %get3A_84 = arith.index_cast %scan3A_79 : i32 to index
        %get3A_85 = arith.constant 0 : index
        %get3A_86 = tpu.vector_load %arg17[%get3A_84, %get3A_85] {strides = array<i32>} : memref<32x128xf32, #tpu.memory_space<vmem>>, vector<16xf32>,
        %mul3A_87 = arith.mulf %get3A_86, %gather3A_83 : vector<16xf32>
        %swap3A_88 = arith.index_cast %scan3A_79 : i32 to index
        %swap3A_89 = arith.constant 0 : index
        %swap3A_90 = tpu.vector_load %arg17[%swap3A_88, %swap3A_89] {strides = array<i32>} : memref<32x128xf32, #tpu.memory_space<vmem>>, vector<16xf32>,
        tpu.vector_store %arg17[%swap3A_88, %swap3A_89], %mul3A_87 {strides = array<i32>} : memref<32x128xf32, #tpu.memory_space<vmem>>, vector<16xf32>,
        %get3A_91 = arith.index_cast %scan3A_79 : i32 to index
        %get3A_92 = arith.constant 16 : index
        %get3A_93 = tpu.vector_load %arg17[%get3A_91, %get3A_92] {strides = array<i32>} : memref<32x128xf32, #tpu.memory_space<vmem>>, vector<16xf32>,
        %mul3A_94 = arith.mulf %get3A_93, %gather3A_83 : vector<16xf32>
        %swap3A_95 = arith.index_cast %scan3A_79 : i32 to index
        %swap3A_96 = arith.constant 16 : index
        %swap3A_97 = tpu.vector_load %arg17[%swap3A_95, %swap3A_96] {strides = array<i32>} : memref<32x128xf32, #tpu.memory_space<vmem>>, vector<16xf32>,
        tpu.vector_store %arg17[%swap3A_95, %swap3A_96], %mul3A_94 {strides = array<i32>} : memref<32x128xf32, #tpu.memory_space<vmem>>, vector<16xf32>,
        %get3A_98 = arith.index_cast %scan3A_79 : i32 to index
        %get3A_99 = arith.constant 32 : index
        %get3A_100 = tpu.vector_load %arg17[%get3A_98, %get3A_99] {strides = array<i32>} : memref<32x128xf32, #tpu.memory_space<vmem>>, vector<16xf32>,
        %mul3A_101 = arith.mulf %get3A_100, %gather3A_83 : vector<16xf32>
        %swap3A_102 = arith.index_cast %scan3A_79 : i32 to index
        %swap3A_103 = arith.constant 32 : index
        %swap3A_104 = tpu.vector_load %arg17[%swap3A_102, %swap3A_103] {strides = array<i32>} : memref<32x128xf32, #tpu.memory_space<vmem>>, vector<16xf32>,
        tpu.vector_store %arg17[%swap3A_102, %swap3A_103], %mul3A_101 {strides = array<i32>} : memref<32x128xf32, #tpu.memory_space<vmem>>, vector<16xf32>,
        %get3A_105 = arith.index_cast %scan3A_79 : i32 to index
        %get3A_106 = arith.constant 48 : index
        %get3A_107 = tpu.vector_load %arg17[%get3A_105, %get3A_106] {strides = array<i32>} : memref<32x128xf32, #tpu.memory_space<vmem>>, vector<16xf32>,
        %mul3A_108 = arith.mulf %get3A_107, %gather3A_83 : vector<16xf32>
        %swap3A_109 = arith.index_cast %scan3A_79 : i32 to index
        %swap3A_110 = arith.constant 48 : index
        %swap3A_111 = tpu.vector_load %arg17[%swap3A_109, %swap3A_110] {strides = array<i32>} : memref<32x128xf32, #tpu.memory_space<vmem>>, vector<16xf32>,
        tpu.vector_store %arg17[%swap3A_109, %swap3A_110], %mul3A_108 {strides = array<i32>} : memref<32x128xf32, #tpu.memory_space<vmem>>, vector<16xf32>,
        %get3A_112 = arith.index_cast %scan3A_79 : i32 to index
        %get3A_113 = arith.constant 64 : index
        %get3A_114 = tpu.vector_load %arg17[%get3A_112, %get3A_113] {strides = array<i32>} : memref<32x128xf32, #tpu.memory_space<vmem>>, vector<16xf32>,
        %mul3A_115 = arith.mulf %get3A_114, %gather3A_83 : vector<16xf32>
        %swap3A_116 = arith.index_cast %scan3A_79 : i32 to index
        %swap3A_117 = arith.constant 64 : index
        %swap3A_118 = tpu.vector_load %arg17[%swap3A_116, %swap3A_117] {strides = array<i32>} : memref<32x128xf32, #tpu.memory_space<vmem>>, vector<16xf32>,
        tpu.vector_store %arg17[%swap3A_116, %swap3A_117], %mul3A_115 {strides = array<i32>} : memref<32x128xf32, #tpu.memory_space<vmem>>, vector<16xf32>,
        %get3A_119 = arith.index_cast %scan3A_79 : i32 to index
        %get3A_120 = arith.constant 80 : index
        %get3A_121 = tpu.vector_load %arg17[%get3A_119, %get3A_120] {strides = array<i32>} : memref<32x128xf32, #tpu.memory_space<vmem>>, vector<16xf32>,
        %mul3A_122 = arith.mulf %get3A_121, %gather3A_83 : vector<16xf32>
        %swap3A_123 = arith.index_cast %scan3A_79 : i32 to index
        %swap3A_124 = arith.constant 80 : index
        %swap3A_125 = tpu.vector_load %arg17[%swap3A_123, %swap3A_124] {strides = array<i32>} : memref<32x128xf32, #tpu.memory_space<vmem>>, vector<16xf32>,
        tpu.vector_store %arg17[%swap3A_123, %swap3A_124], %mul3A_122 {strides = array<i32>} : memref<32x128xf32, #tpu.memory_space<vmem>>, vector<16xf32>,
        %get3A_126 = arith.index_cast %scan3A_79 : i32 to index
        %get3A_127 = arith.constant 96 : index
        %get3A_128 = tpu.vector_load %arg17[%get3A_126, %get3A_127] {strides = array<i32>} : memref<32x128xf32, #tpu.memory_space<vmem>>, vector<16xf32>,
        %mul3A_129 = arith.mulf %get3A_128, %gather3A_83 : vector<16xf32>
        %swap3A_130 = arith.index_cast %scan3A_79 : i32 to index
        %swap3A_131 = arith.constant 96 : index
        %swap3A_132 = tpu.vector_load %arg17[%swap3A_130, %swap3A_131] {strides = array<i32>} : memref<32x128xf32, #tpu.memory_space<vmem>>, vector<16xf32>,
        tpu.vector_store %arg17[%swap3A_130, %swap3A_131], %mul3A_129 {strides = array<i32>} : memref<32x128xf32, #tpu.memory_space<vmem>>, vector<16xf32>,
        %get3A_133 = arith.index_cast %scan3A_79 : i32 to index
        %get3A_134 = arith.constant 112 : index
        %get3A_135 = tpu.vector_load %arg17[%get3A_133, %get3A_134] {strides = array<i32>} : memref<32x128xf32, #tpu.memory_space<vmem>>, vector<16xf32>,
        %mul3A_136 = arith.mulf %get3A_135, %gather3A_83 : vector<16xf32>
        %swap3A_137 = arith.index_cast %scan3A_79 : i32 to index
        %swap3A_138 = arith.constant 112 : index
        %swap3A_139 = tpu.vector_load %arg17[%swap3A_137, %swap3A_138] {strides = array<i32>} : memref<32x128xf32, #tpu.memory_space<vmem>>, vector<16xf32>,
        tpu.vector_store %arg17[%swap3A_137, %swap3A_138], %mul3A_136 {strides = array<i32>} : memref<32x128xf32, #tpu.memory_space<vmem>>, vector<16xf32>,
        %scan3A_140 = arith.constant 1 : i32
        %scan3A_141 = arith.addi %scan3A_79, %scan3A_140 : i32
        %broadcast_in_dim3A_142 = arith.constant 0 : i32
        %broadcast_in_dim3A_143 = vector.broadcast %broadcast_in_dim3A_142 : i32 to vector<16xi32>
        %add3A_144 = vector.broadcast %scan3A_141 : i32 to vector<16xi32>
        %add3A_145 = arith.addi %broadcast_in_dim3A_143, %add3A_144 : vector<16xi32>
        %gather3A_146 = tpu.vector_load_idx %arg16[%add3A_145] : memref<32xf32, #tpu.memory_space<vmem>>[vector<16xi32>], vector<16xf32>,
        %get3A_147 = arith.index_cast %scan3A_141 : i32 to index
        %get3A_148 = arith.constant 0 : index
        %get3A_149 = tpu.vector_load %arg17[%get3A_147, %get3A_148] {strides = array<i32>} : memref<32x128xf32, #tpu.memory_space<vmem>>, vector<16xf32>,
        %mul3A_150 = arith.mulf %get3A_149, %gather3A_146 : vector<16xf32>
        %swap3A_151 = arith.index_cast %scan3A_141 : i32 to index
        %swap3A_152 = arith.constant 0 : index
        %swap3A_153 = tpu.vector_load %arg17[%swap3A_151, %swap3A_152] {strides = array<i32>} : memref<32x128xf32, #tpu.memory_space<vmem>>, vector<16xf32>,
        tpu.vector_store %arg17[%swap3A_151, %swap3A_152], %mul3A_150 {strides = array<i32>} : memref<32x128xf32, #tpu.memory_space<vmem>>, vector<16xf32>,
        %get3A_154 = arith.index_cast %scan3A_141 : i32 to index
        %get3A_155 = arith.constant 16 : index
        %get3A_156 = tpu.vector_load %arg17[%get3A_154, %get3A_155] {strides = array<i32>} : memref<32x128xf32, #tpu.memory_space<vmem>>, vector<16xf32>,
        %mul3A_157 = arith.mulf %get3A_156, %gather3A_146 : vector<16xf32>
        %swap3A_158 = arith.index_cast %scan3A_141 : i32 to index
        %swap3A_159 = arith.constant 16 : index
        %swap3A_160 = tpu.vector_load %arg17[%swap3A_158, %swap3A_159] {strides = array<i32>} : memref<32x128xf32, #tpu.memory_space<vmem>>, vector<16xf32>,
        tpu.vector_store %arg17[%swap3A_158, %swap3A_159], %mul3A_157 {strides = array<i32>} : memref<32x128xf32, #tpu.memory_space<vmem>>, vector<16xf32>,
        %get3A_161 = arith.index_cast %scan3A_141 : i32 to index
        %get3A_162 = arith.constant 32 : index
        %get3A_163 = tpu.vector_load %arg17[%get3A_161, %get3A_162] {strides = array<i32>} : memref<32x128xf32, #tpu.memory_space<vmem>>, vector<16xf32>,
        %mul3A_164 = arith.mulf %get3A_163, %gather3A_146 : vector<16xf32>
        %swap3A_165 = arith.index_cast %scan3A_141 : i32 to index
        %swap3A_166 = arith.constant 32 : index
        %swap3A_167 = tpu.vector_load %arg17[%swap3A_165, %swap3A_166] {strides = array<i32>} : memref<32x128xf32, #tpu.memory_space<vmem>>, vector<16xf32>,
        tpu.vector_store %arg17[%swap3A_165, %swap3A_166], %mul3A_164 {strides = array<i32>} : memref<32x128xf32, #tpu.memory_space<vmem>>, vector<16xf32>,
        %get3A_168 = arith.index_cast %scan3A_141 : i32 to index
        %get3A_169 = arith.constant 48 : index
        %get3A_170 = tpu.vector_load %arg17[%get3A_168, %get3A_169] {strides = array<i32>} : memref<32x128xf32, #tpu.memory_space<vmem>>, vector<16xf32>,
        %mul3A_171 = arith.mulf %get3A_170, %gather3A_146 : vector<16xf32>
        %swap3A_172 = arith.index_cast %scan3A_141 : i32 to index
        %swap3A_173 = arith.constant 48 : index
        %swap3A_174 = tpu.vector_load %arg17[%swap3A_172, %swap3A_173] {strides = array<i32>} : memref<32x128xf32, #tpu.memory_space<vmem>>, vector<16xf32>,
        tpu.vector_store %arg17[%swap3A_172, %swap3A_173], %mul3A_171 {strides = array<i32>} : memref<32x128xf32, #tpu.memory_space<vmem>>, vector<16xf32>,
        %get3A_175 = arith.index_cast %scan3A_141 : i32 to index
        %get3A_176 = arith.constant 64 : index
        %get3A_177 = tpu.vector_load %arg17[%get3A_175, %get3A_176] {strides = array<i32>} : memref<32x128xf32, #tpu.memory_space<vmem>>, vector<16xf32>,
        %mul3A_178 = arith.mulf %get3A_177, %gather3A_146 : vector<16xf32>
        %swap3A_179 = arith.index_cast %scan3A_141 : i32 to index
        %swap3A_180 = arith.constant 64 : index
        %swap3A_181 = tpu.vector_load %arg17[%swap3A_179, %swap3A_180] {strides = array<i32>} : memref<32x128xf32, #tpu.memory_space<vmem>>, vector<16xf32>,
        tpu.vector_store %arg17[%swap3A_179, %swap3A_180], %mul3A_178 {strides = array<i32>} : memref<32x128xf32, #tpu.memory_space<vmem>>, vector<16xf32>,
        %get3A_182 = arith.index_cast %scan3A_141 : i32 to index
        %get3A_183 = arith.constant 80 : index
        %get3A_184 = tpu.vector_load %arg17[%get3A_182, %get3A_183] {strides = array<i32>} : memref<32x128xf32, #tpu.memory_space<vmem>>, vector<16xf32>,
        %mul3A_185 = arith.mulf %get3A_184, %gather3A_146 : vector<16xf32>
        %swap3A_186 = arith.index_cast %scan3A_141 : i32 to index
        %swap3A_187 = arith.constant 80 : index
        %swap3A_188 = tpu.vector_load %arg17[%swap3A_186, %swap3A_187] {strides = array<i32>} : memref<32x128xf32, #tpu.memory_space<vmem>>, vector<16xf32>,
        tpu.vector_store %arg17[%swap3A_186, %swap3A_187], %mul3A_185 {strides = array<i32>} : memref<32x128xf32, #tpu.memory_space<vmem>>, vector<16xf32>,
        %get3A_189 = arith.index_cast %scan3A_141 : i32 to index
        %get3A_190 = arith.constant 96 : index
        %get3A_191 = tpu.vector_load %arg17[%get3A_189, %get3A_190] {strides = array<i32>} : memref<32x128xf32, #tpu.memory_space<vmem>>, vector<16xf32>,
        %mul3A_192 = arith.mulf %get3A_191, %gather3A_146 : vector<16xf32>
        %swap3A_193 = arith.index_cast %scan3A_141 : i32 to index
        %swap3A_194 = arith.constant 96 : index
        %swap3A_195 = tpu.vector_load %arg17[%swap3A_193, %swap3A_194] {strides = array<i32>} : memref<32x128xf32, #tpu.memory_space<vmem>>, vector<16xf32>,
        tpu.vector_store %arg17[%swap3A_193, %swap3A_194], %mul3A_192 {strides = array<i32>} : memref<32x128xf32, #tpu.memory_space<vmem>>, vector<16xf32>,
        %get3A_196 = arith.index_cast %scan3A_141 : i32 to index
        %get3A_197 = arith.constant 112 : index
        %get3A_198 = tpu.vector_load %arg17[%get3A_196, %get3A_197] {strides = array<i32>} : memref<32x128xf32, #tpu.memory_space<vmem>>, vector<16xf32>,
        %mul3A_199 = arith.mulf %get3A_198, %gather3A_146 : vector<16xf32>
        %swap3A_200 = arith.index_cast %scan3A_141 : i32 to index
        %swap3A_201 = arith.constant 112 : index
        %swap3A_202 = tpu.vector_load %arg17[%swap3A_200, %swap3A_201] {strides = array<i32>} : memref<32x128xf32, #tpu.memory_space<vmem>>, vector<16xf32>,
        tpu.vector_store %arg17[%swap3A_200, %swap3A_201], %mul3A_199 {strides = array<i32>} : memref<32x128xf32, #tpu.memory_space<vmem>>, vector<16xf32>,
      }
      %scan3A_78 = arith.constant 32 : i32
      "tpu.region"() ({
        %run_scoped3A = tpu.sem_alloc : memref<!tpu.dma_semaphore, #tpu.memory_space<semaphore_mem>>
        %dma_start3A_79 = arith.constant 0 : i32
        %dma_start3A_80 = arith.constant 0 : i32
        %dma_start3A_81 = tpu.memref_slice %arg18[%dma_start3A_79, %dma_start3A_80] : memref<10240x128xf32, #tpu.memory_space<vmem_shared>> -> memref<10240x128xf32, #tpu.memory_space<vmem_shared>>
        tpu.enqueue_indirect_dma source(%arg17 : memref<32x128xf32, #tpu.memory_space<vmem>>) target(%dma_start3A_81 : memref<10240x128xf32, #tpu.memory_space<vmem_shared>>) offsets(%arg15 : memref<32xi32, #tpu.memory_space<vmem>>) semaphore(%run_scoped3A : memref<!tpu.dma_semaphore, #tpu.memory_space<semaphore_mem>>) {add = true}
        %dma_wait3A_82 = arith.constant 0 : i32
        %dma_wait3A_83 = arith.constant 0 : i32
        %dma_wait3A_84 = tpu.memref_slice %arg18[%dma_wait3A_82, %dma_wait3A_83] : memref<10240x128xf32, #tpu.memory_space<vmem_shared>> -> memref<10240x128xf32, #tpu.memory_space<vmem_shared>>
        tpu.wait_indirect_dma semaphore(%run_scoped3A : memref<!tpu.dma_semaphore, #tpu.memory_space<semaphore_mem>>) src(%arg17 : memref<32x128xf32, #tpu.memory_space<vmem>>) dst(%dma_wait3A_84 : memref<10240x128xf32, #tpu.memory_space<vmem_shared>>)
        tpu.yield
      }) : () -> ()
    }
    %scan3A_17 = arith.constant 625 : i32
    %barrier3A_18 = arith.constant 0 : index
    tpu.barrier barrier_id(%barrier3A_18)
    "tpu.region"() ({
      %run_scoped3A = tpu.sem_alloc : memref<!tpu.dma_semaphore, #tpu.memory_space<semaphore_mem>>
      %dma_start3A = arith.constant 0 : i32
      %dma_start3A_21 = tpu.memref_slice %arg8[%arg0, %mul3A_0, %dma_start3A] : memref<2x11520x128xf32, #tpu.memory_space<hbm>> -> memref<1x640x128xf32, #tpu.memory_space<hbm>>
      %dma_start3A_22 = tpu.memref_squeeze %dma_start3A_21 : memref<1x640x128xf32, #tpu.memory_space<hbm>> -> memref<640x128xf32, #tpu.memory_space<hbm>>
      %dma_start3A_23 = arith.constant 0 : i32
      %dma_start3A_24 = tpu.memref_slice %arg18[%mul3A_0, %dma_start3A_23] : memref<10240x128xf32, #tpu.memory_space<vmem_shared>> -> memref<640x128xf32, #tpu.memory_space<vmem_shared>>
      tpu.enqueue_dma source(%dma_start3A_24 : memref<640x128xf32, #tpu.memory_space<vmem_shared>>) target(%dma_start3A_22 : memref<640x128xf32, #tpu.memory_space<hbm>>) target_semaphore(%run_scoped3A : memref<!tpu.dma_semaphore, #tpu.memory_space<semaphore_mem>>)
      %dma_wait3A = arith.constant 0 : i32
      %dma_wait3A_25 = tpu.memref_slice %arg8[%arg0, %mul3A_0, %dma_wait3A] : memref<2x11520x128xf32, #tpu.memory_space<hbm>> -> memref<1x640x128xf32, #tpu.memory_space<hbm>>
      %dma_wait3A_26 = tpu.memref_squeeze %dma_wait3A_25 : memref<1x640x128xf32, #tpu.memory_space<hbm>> -> memref<640x128xf32, #tpu.memory_space<hbm>>
      %dma_wait3A_27 = arith.constant 0 : i32
      %dma_wait3A_28 = tpu.memref_slice %arg18[%mul3A_0, %dma_wait3A_27] : memref<10240x128xf32, #tpu.memory_space<vmem_shared>> -> memref<640x128xf32, #tpu.memory_space<vmem_shared>>
      tpu.wait_dma2 semaphore(%run_scoped3A : memref<!tpu.dma_semaphore, #tpu.memory_space<semaphore_mem>>) src(%dma_wait3A_28 : memref<640x128xf32, #tpu.memory_space<vmem_shared>>) dst(%dma_wait3A_26 : memref<640x128xf32, #tpu.memory_space<hbm>>)
      tpu.yield
    }) : () -> ()
    %eq3A = arith.constant 0 : i32
    %eq3A_19 = arith.cmpi eq, %arg0, %eq3A : i32
    %convert_element_type3A = arith.extui %eq3A_19 : i1 to i32
    %cond3A = arith.constant 0 : i32
    %cond3A_20 = arith.cmpi ne, %convert_element_type3A, %cond3A : i32
    scf.if %cond3A_20 {
      %mul3A_21 = arith.constant 80 : i32
      %mul3A_22 = arith.muli %arg1, %mul3A_21 : i32
      %add3A_23 = arith.constant 10240 : i32
      %add3A_24 = arith.addi %add3A_23, %mul3A_22 : i32
      %run_scoped3A = arith.constant 0 : i32
      "tpu.region"() ({
        %run_scoped3A_25 = tpu.sem_alloc : memref<!tpu.dma_semaphore, #tpu.memory_space<semaphore_mem>>
        %dma_start3A = arith.constant 0 : i32
        %dma_start3A_26 = tpu.memref_slice %arg8[%run_scoped3A, %add3A_24, %dma_start3A] : memref<2x11520x128xf32, #tpu.memory_space<hbm>> -> memref<1x80x128xf32, #tpu.memory_space<hbm>>
        %dma_start3A_27 = tpu.memref_squeeze %dma_start3A_26 : memref<1x80x128xf32, #tpu.memory_space<hbm>> -> memref<80x128xf32, #tpu.memory_space<hbm>>
        %dma_start3A_28 = arith.constant 0 : i32
        %dma_start3A_29 = tpu.memref_slice %arg8[%run_scoped3A, %add3A_24, %dma_start3A_28] : memref<2x11520x128xf32, #tpu.memory_space<hbm>> -> memref<1x80x128xf32, #tpu.memory_space<hbm>>
        %dma_start3A_30 = tpu.memref_squeeze %dma_start3A_29 : memref<1x80x128xf32, #tpu.memory_space<hbm>> -> memref<80x128xf32, #tpu.memory_space<hbm>>
        tpu.enqueue_dma source(%arg12 : memref<80x128xf32, #tpu.memory_space<vmem>>) target(%dma_start3A_30 : memref<80x128xf32, #tpu.memory_space<hbm>>) target_semaphore(%run_scoped3A_25 : memref<!tpu.dma_semaphore, #tpu.memory_space<semaphore_mem>>)
        %dma_wait3A = arith.constant 0 : i32
        %dma_wait3A_31 = tpu.memref_slice %arg8[%run_scoped3A, %add3A_24, %dma_wait3A] : memref<2x11520x128xf32, #tpu.memory_space<hbm>> -> memref<1x80x128xf32, #tpu.memory_space<hbm>>
        %dma_wait3A_32 = tpu.memref_squeeze %dma_wait3A_31 : memref<1x80x128xf32, #tpu.memory_space<hbm>> -> memref<80x128xf32, #tpu.memory_space<hbm>>
        %dma_wait3A_33 = arith.constant 0 : i32
        %dma_wait3A_34 = tpu.memref_slice %arg8[%run_scoped3A, %add3A_24, %dma_wait3A_33] : memref<2x11520x128xf32, #tpu.memory_space<hbm>> -> memref<1x80x128xf32, #tpu.memory_space<hbm>>
        %dma_wait3A_35 = tpu.memref_squeeze %dma_wait3A_34 : memref<1x80x128xf32, #tpu.memory_space<hbm>> -> memref<80x128xf32, #tpu.memory_space<hbm>>
        tpu.wait_dma2 semaphore(%run_scoped3A_25 : memref<!tpu.dma_semaphore, #tpu.memory_space<semaphore_mem>>) src(%arg12 : memref<80x128xf32, #tpu.memory_space<vmem>>) dst(%dma_wait3A_35 : memref<80x128xf32, #tpu.memory_space<hbm>>)
        tpu.yield
      }) : () -> ()
    } else {
    }
    return
  }
}

#map = affine_map<(d0, d1) -> (0)>
#map1 = affine_map<(d0, d1) -> (0, 0)>
#map2 = affine_map<(d0, d1) -> (0, 0, 0)>
module attributes {stable_mosaic.version = 14 : i64} {
  func.func @_edge_body(%arg0: i32, %arg1: i32, %arg2: memref<320000xi32, #tpu.memory_space<hbm>>, %arg3: memref<320000xi32, #tpu.memory_space<hbm>>, %arg4: memref<20480x128xf32, #tpu.memory_space<hbm>>, %arg5: memref<10240xf32, #tpu.memory_space<hbm>>, %arg6: memref<10240xf32, #tpu.memory_space<hbm>>, %arg7: memref<10240xf32, #tpu.memory_space<hbm>>, %arg8: memref<2x11520x128xf32, #tpu.memory_space<hbm>>, %arg9: memref<10240xf32, #tpu.memory_space<vmem>>, %arg10: memref<10240xf32, #tpu.memory_space<vmem>>, %arg11: memref<10240xf32, #tpu.memory_space<vmem>>, %arg12: memref<80x128xf32, #tpu.memory_space<vmem>>, %arg13: memref<32xi32, #tpu.memory_space<vmem>>, %arg14: memref<32xi32, #tpu.memory_space<vmem>>, %arg15: memref<32xi32, #tpu.memory_space<vmem>>, %arg16: memref<32xf32, #tpu.memory_space<vmem>>, %arg17: memref<32x128xf32, #tpu.memory_space<vmem>>, %arg18: memref<10240x128xf32, #tpu.memory_space<vmem_shared>>, %arg19: memref<!tpu.dma_semaphore, #tpu.memory_space<semaphore_mem>>) attributes {dimension_semantics = [#tpu.dimension_semantics<core_parallel>, #tpu.dimension_semantics<subcore_parallel>], iteration_bounds = array<i64: 2, 16>, scalar_prefetch = 0 : i64, scratch_operands = 11 : i64, tpu.core_type = #tpu.core_type<sc_vector_subcore>, window_params = [{transform_indices = #map}, {transform_indices = #map}, {transform_indices = #map1}, {transform_indices = #map}, {transform_indices = #map}, {transform_indices = #map}, {transform_indices = #map2}]} {
    "tpu.region"() ({
      %run_scoped3A = tpu.sem_alloc : memref<!tpu.dma_semaphore, #tpu.memory_space<semaphore_mem>>
      tpu.enqueue_dma source(%arg5 : memref<10240xf32, #tpu.memory_space<hbm>>) target(%arg9 : memref<10240xf32, #tpu.memory_space<vmem>>) target_semaphore(%run_scoped3A : memref<!tpu.dma_semaphore, #tpu.memory_space<semaphore_mem>>)
      tpu.wait_dma2 semaphore(%run_scoped3A : memref<!tpu.dma_semaphore, #tpu.memory_space<semaphore_mem>>) src(%arg5 : memref<10240xf32, #tpu.memory_space<hbm>>) dst(%arg9 : memref<10240xf32, #tpu.memory_space<vmem>>)
      tpu.yield
    }) : () -> ()
    "tpu.region"() ({
      %run_scoped3A = tpu.sem_alloc : memref<!tpu.dma_semaphore, #tpu.memory_space<semaphore_mem>>
      tpu.enqueue_dma source(%arg6 : memref<10240xf32, #tpu.memory_space<hbm>>) target(%arg10 : memref<10240xf32, #tpu.memory_space<vmem>>) target_semaphore(%run_scoped3A : memref<!tpu.dma_semaphore, #tpu.memory_space<semaphore_mem>>)
      tpu.wait_dma2 semaphore(%run_scoped3A : memref<!tpu.dma_semaphore, #tpu.memory_space<semaphore_mem>>) src(%arg6 : memref<10240xf32, #tpu.memory_space<hbm>>) dst(%arg10 : memref<10240xf32, #tpu.memory_space<vmem>>)
      tpu.yield
    }) : () -> ()
    "tpu.region"() ({
      %run_scoped3A = tpu.sem_alloc : memref<!tpu.dma_semaphore, #tpu.memory_space<semaphore_mem>>
      tpu.enqueue_dma source(%arg7 : memref<10240xf32, #tpu.memory_space<hbm>>) target(%arg11 : memref<10240xf32, #tpu.memory_space<vmem>>) target_semaphore(%run_scoped3A : memref<!tpu.dma_semaphore, #tpu.memory_space<semaphore_mem>>)
      tpu.wait_dma2 semaphore(%run_scoped3A : memref<!tpu.dma_semaphore, #tpu.memory_space<semaphore_mem>>) src(%arg7 : memref<10240xf32, #tpu.memory_space<hbm>>) dst(%arg11 : memref<10240xf32, #tpu.memory_space<vmem>>)
      tpu.yield
    }) : () -> ()
    %mul3A = arith.constant 640 : i32
    %mul3A_0 = arith.muli %arg1, %mul3A : i32
    %mul3A_1 = arith.constant 10240 : i32
    %mul3A_2 = arith.muli %arg0, %mul3A_1 : i32
    %add3A = arith.addi %mul3A_2, %mul3A_0 : i32
    "tpu.region"() ({
      %run_scoped3A = tpu.sem_alloc : memref<!tpu.dma_semaphore, #tpu.memory_space<semaphore_mem>>
      %dma_start3A = arith.constant 0 : i32
      %dma_start3A_21 = tpu.memref_slice %arg18[%mul3A_0, %dma_start3A] : memref<10240x128xf32, #tpu.memory_space<vmem_shared>> -> memref<640x128xf32, #tpu.memory_space<vmem_shared>>
      %dma_start3A_22 = arith.constant 0 : i32
      %dma_start3A_23 = tpu.memref_slice %arg4[%add3A, %dma_start3A_22] : memref<20480x128xf32, #tpu.memory_space<hbm>> -> memref<640x128xf32, #tpu.memory_space<hbm>>
      tpu.enqueue_dma source(%dma_start3A_23 : memref<640x128xf32, #tpu.memory_space<hbm>>) target(%dma_start3A_21 : memref<640x128xf32, #tpu.memory_space<vmem_shared>>) target_semaphore(%run_scoped3A : memref<!tpu.dma_semaphore, #tpu.memory_space<semaphore_mem>>)
      %dma_wait3A = arith.constant 0 : i32
      %dma_wait3A_24 = tpu.memref_slice %arg18[%mul3A_0, %dma_wait3A] : memref<10240x128xf32, #tpu.memory_space<vmem_shared>> -> memref<640x128xf32, #tpu.memory_space<vmem_shared>>
      %dma_wait3A_25 = arith.constant 0 : i32
      %dma_wait3A_26 = tpu.memref_slice %arg4[%add3A, %dma_wait3A_25] : memref<20480x128xf32, #tpu.memory_space<hbm>> -> memref<640x128xf32, #tpu.memory_space<hbm>>
      tpu.wait_dma2 semaphore(%run_scoped3A : memref<!tpu.dma_semaphore, #tpu.memory_space<semaphore_mem>>) src(%dma_wait3A_26 : memref<640x128xf32, #tpu.memory_space<hbm>>) dst(%dma_wait3A_24 : memref<640x128xf32, #tpu.memory_space<vmem_shared>>)
      tpu.yield
    }) : () -> ()
    %scan3A = arith.constant 0 : i32
    %scan3A_3 = arith.constant 0 : i32
    %scan3A_4 = arith.constant 80 : i32
    %scan3A_5 = arith.addi %scan3A_3, %scan3A_4 : i32
    %scan3A_6 = arith.constant 1 : i32
    scf.for %scan3A_21 = %scan3A_3 to %scan3A_5 step %scan3A_6  : i32 {
      %broadcast_in_dim3A = arith.constant 0.000000e+00 : f32
      %broadcast_in_dim3A_22 = vector.broadcast %broadcast_in_dim3A : f32 to vector<16xf32>
      %swap3A = arith.index_cast %scan3A_21 : i32 to index
      %swap3A_23 = arith.constant 0 : index
      %swap3A_24 = tpu.vector_load %arg12[%swap3A, %swap3A_23] {strides = array<i32>} : memref<80x128xf32, #tpu.memory_space<vmem>>, vector<16xf32>,
      tpu.vector_store %arg12[%swap3A, %swap3A_23], %broadcast_in_dim3A_22 {strides = array<i32>} : memref<80x128xf32, #tpu.memory_space<vmem>>, vector<16xf32>,
      %broadcast_in_dim3A_25 = arith.constant 0.000000e+00 : f32
      %broadcast_in_dim3A_26 = vector.broadcast %broadcast_in_dim3A_25 : f32 to vector<16xf32>
      %swap3A_27 = arith.index_cast %scan3A_21 : i32 to index
      %swap3A_28 = arith.constant 16 : index
      %swap3A_29 = tpu.vector_load %arg12[%swap3A_27, %swap3A_28] {strides = array<i32>} : memref<80x128xf32, #tpu.memory_space<vmem>>, vector<16xf32>,
      tpu.vector_store %arg12[%swap3A_27, %swap3A_28], %broadcast_in_dim3A_26 {strides = array<i32>} : memref<80x128xf32, #tpu.memory_space<vmem>>, vector<16xf32>,
      %broadcast_in_dim3A_30 = arith.constant 0.000000e+00 : f32
      %broadcast_in_dim3A_31 = vector.broadcast %broadcast_in_dim3A_30 : f32 to vector<16xf32>
      %swap3A_32 = arith.index_cast %scan3A_21 : i32 to index
      %swap3A_33 = arith.constant 32 : index
      %swap3A_34 = tpu.vector_load %arg12[%swap3A_32, %swap3A_33] {strides = array<i32>} : memref<80x128xf32, #tpu.memory_space<vmem>>, vector<16xf32>,
      tpu.vector_store %arg12[%swap3A_32, %swap3A_33], %broadcast_in_dim3A_31 {strides = array<i32>} : memref<80x128xf32, #tpu.memory_space<vmem>>, vector<16xf32>,
      %broadcast_in_dim3A_35 = arith.constant 0.000000e+00 : f32
      %broadcast_in_dim3A_36 = vector.broadcast %broadcast_in_dim3A_35 : f32 to vector<16xf32>
      %swap3A_37 = arith.index_cast %scan3A_21 : i32 to index
      %swap3A_38 = arith.constant 48 : index
      %swap3A_39 = tpu.vector_load %arg12[%swap3A_37, %swap3A_38] {strides = array<i32>} : memref<80x128xf32, #tpu.memory_space<vmem>>, vector<16xf32>,
      tpu.vector_store %arg12[%swap3A_37, %swap3A_38], %broadcast_in_dim3A_36 {strides = array<i32>} : memref<80x128xf32, #tpu.memory_space<vmem>>, vector<16xf32>,
      %broadcast_in_dim3A_40 = arith.constant 0.000000e+00 : f32
      %broadcast_in_dim3A_41 = vector.broadcast %broadcast_in_dim3A_40 : f32 to vector<16xf32>
      %swap3A_42 = arith.index_cast %scan3A_21 : i32 to index
      %swap3A_43 = arith.constant 64 : index
      %swap3A_44 = tpu.vector_load %arg12[%swap3A_42, %swap3A_43] {strides = array<i32>} : memref<80x128xf32, #tpu.memory_space<vmem>>, vector<16xf32>,
      tpu.vector_store %arg12[%swap3A_42, %swap3A_43], %broadcast_in_dim3A_41 {strides = array<i32>} : memref<80x128xf32, #tpu.memory_space<vmem>>, vector<16xf32>,
      %broadcast_in_dim3A_45 = arith.constant 0.000000e+00 : f32
      %broadcast_in_dim3A_46 = vector.broadcast %broadcast_in_dim3A_45 : f32 to vector<16xf32>
      %swap3A_47 = arith.index_cast %scan3A_21 : i32 to index
      %swap3A_48 = arith.constant 80 : index
      %swap3A_49 = tpu.vector_load %arg12[%swap3A_47, %swap3A_48] {strides = array<i32>} : memref<80x128xf32, #tpu.memory_space<vmem>>, vector<16xf32>,
      tpu.vector_store %arg12[%swap3A_47, %swap3A_48], %broadcast_in_dim3A_46 {strides = array<i32>} : memref<80x128xf32, #tpu.memory_space<vmem>>, vector<16xf32>,
      %broadcast_in_dim3A_50 = arith.constant 0.000000e+00 : f32
      %broadcast_in_dim3A_51 = vector.broadcast %broadcast_in_dim3A_50 : f32 to vector<16xf32>
      %swap3A_52 = arith.index_cast %scan3A_21 : i32 to index
      %swap3A_53 = arith.constant 96 : index
      %swap3A_54 = tpu.vector_load %arg12[%swap3A_52, %swap3A_53] {strides = array<i32>} : memref<80x128xf32, #tpu.memory_space<vmem>>, vector<16xf32>,
      tpu.vector_store %arg12[%swap3A_52, %swap3A_53], %broadcast_in_dim3A_51 {strides = array<i32>} : memref<80x128xf32, #tpu.memory_space<vmem>>, vector<16xf32>,
      %broadcast_in_dim3A_55 = arith.constant 0.000000e+00 : f32
      %broadcast_in_dim3A_56 = vector.broadcast %broadcast_in_dim3A_55 : f32 to vector<16xf32>
      %swap3A_57 = arith.index_cast %scan3A_21 : i32 to index
      %swap3A_58 = arith.constant 112 : index
      %swap3A_59 = tpu.vector_load %arg12[%swap3A_57, %swap3A_58] {strides = array<i32>} : memref<80x128xf32, #tpu.memory_space<vmem>>, vector<16xf32>,
      tpu.vector_store %arg12[%swap3A_57, %swap3A_58], %broadcast_in_dim3A_56 {strides = array<i32>} : memref<80x128xf32, #tpu.memory_space<vmem>>, vector<16xf32>,
    }
    %scan3A_7 = arith.constant 80 : i32
    %barrier3A = arith.constant 0 : index
    tpu.barrier barrier_id(%barrier3A)
    %mul3A_8 = arith.constant 20000 : i32
    %mul3A_9 = arith.muli %arg1, %mul3A_8 : i32
    %mul3A_10 = arith.constant 10240 : i32
    %mul3A_11 = arith.muli %arg0, %mul3A_10 : i32
    %scan3A_12 = arith.constant 0 : i32
    %scan3A_13 = arith.constant 0 : i32
    %scan3A_14 = arith.constant 625 : i32
    %scan3A_15 = arith.addi %scan3A_13, %scan3A_14 : i32
    %scan3A_16 = arith.constant 1 : i32
    scf.for %scan3A_21 = %scan3A_13 to %scan3A_15 step %scan3A_16  : i32 {
      %mul3A_22 = arith.constant 32 : i32
      %mul3A_23 = arith.muli %scan3A_21, %mul3A_22 : i32
      %add3A_24 = arith.addi %mul3A_9, %mul3A_23 : i32
      "tpu.region"() ({
        %run_scoped3A = tpu.sem_alloc : memref<!tpu.dma_semaphore, #tpu.memory_space<semaphore_mem>>
        %dma_start3A_79 = tpu.memref_slice %arg2[%add3A_24] : memref<320000xi32, #tpu.memory_space<hbm>> -> memref<32xi32, #tpu.memory_space<hbm>>
        %dma_start3A_80 = tpu.memref_slice %arg2[%add3A_24] : memref<320000xi32, #tpu.memory_space<hbm>> -> memref<32xi32, #tpu.memory_space<hbm>>
        tpu.enqueue_dma source(%dma_start3A_80 : memref<32xi32, #tpu.memory_space<hbm>>) target(%arg13 : memref<32xi32, #tpu.memory_space<vmem>>) target_semaphore(%run_scoped3A : memref<!tpu.dma_semaphore, #tpu.memory_space<semaphore_mem>>)
        %dma_wait3A_81 = tpu.memref_slice %arg2[%add3A_24] : memref<320000xi32, #tpu.memory_space<hbm>> -> memref<32xi32, #tpu.memory_space<hbm>>
        %dma_wait3A_82 = tpu.memref_slice %arg2[%add3A_24] : memref<320000xi32, #tpu.memory_space<hbm>> -> memref<32xi32, #tpu.memory_space<hbm>>
        tpu.wait_dma2 semaphore(%run_scoped3A : memref<!tpu.dma_semaphore, #tpu.memory_space<semaphore_mem>>) src(%dma_wait3A_82 : memref<32xi32, #tpu.memory_space<hbm>>) dst(%arg13 : memref<32xi32, #tpu.memory_space<vmem>>)
        tpu.yield
      }) : () -> ()
      "tpu.region"() ({
        %run_scoped3A = tpu.sem_alloc : memref<!tpu.dma_semaphore, #tpu.memory_space<semaphore_mem>>
        %dma_start3A_79 = tpu.memref_slice %arg3[%add3A_24] : memref<320000xi32, #tpu.memory_space<hbm>> -> memref<32xi32, #tpu.memory_space<hbm>>
        %dma_start3A_80 = tpu.memref_slice %arg3[%add3A_24] : memref<320000xi32, #tpu.memory_space<hbm>> -> memref<32xi32, #tpu.memory_space<hbm>>
        tpu.enqueue_dma source(%dma_start3A_80 : memref<32xi32, #tpu.memory_space<hbm>>) target(%arg15 : memref<32xi32, #tpu.memory_space<vmem>>) target_semaphore(%run_scoped3A : memref<!tpu.dma_semaphore, #tpu.memory_space<semaphore_mem>>)
        %dma_wait3A_81 = tpu.memref_slice %arg3[%add3A_24] : memref<320000xi32, #tpu.memory_space<hbm>> -> memref<32xi32, #tpu.memory_space<hbm>>
        %dma_wait3A_82 = tpu.memref_slice %arg3[%add3A_24] : memref<320000xi32, #tpu.memory_space<hbm>> -> memref<32xi32, #tpu.memory_space<hbm>>
        tpu.wait_dma2 semaphore(%run_scoped3A : memref<!tpu.dma_semaphore, #tpu.memory_space<semaphore_mem>>) src(%dma_wait3A_82 : memref<32xi32, #tpu.memory_space<hbm>>) dst(%arg15 : memref<32xi32, #tpu.memory_space<vmem>>)
        tpu.yield
      }) : () -> ()
      %get3A = arith.constant 0 : index
      %get3A_25 = tpu.vector_load %arg13[%get3A] {strides = array<i32>} : memref<32xi32, #tpu.memory_space<vmem>>, vector<16xi32>,
      %get3A_26 = arith.constant 0 : index
      %get3A_27 = tpu.vector_load %arg15[%get3A_26] {strides = array<i32>} : memref<32xi32, #tpu.memory_space<vmem>>, vector<16xi32>,
      %add3A_28 = vector.broadcast %mul3A_11 : i32 to vector<16xi32>
      %add3A_29 = arith.addi %get3A_25, %add3A_28 : vector<16xi32>
      %swap3A = arith.constant 0 : index
      %swap3A_30 = tpu.vector_load %arg14[%swap3A] {strides = array<i32>} : memref<32xi32, #tpu.memory_space<vmem>>, vector<16xi32>,
      tpu.vector_store %arg14[%swap3A], %add3A_29 {strides = array<i32>} : memref<32xi32, #tpu.memory_space<vmem>>, vector<16xi32>,
      %gather3A = tpu.vector_load_idx %arg9[%get3A_25] : memref<10240xf32, #tpu.memory_space<vmem>>[vector<16xi32>], vector<16xf32>,
      %gather3A_31 = tpu.vector_load_idx %arg10[%get3A_27] : memref<10240xf32, #tpu.memory_space<vmem>>[vector<16xi32>], vector<16xf32>,
      %gather3A_32 = tpu.vector_load_idx %arg11[%get3A_27] : memref<10240xf32, #tpu.memory_space<vmem>>[vector<16xi32>], vector<16xf32>,
      %add3A_33 = arith.addf %gather3A, %gather3A_31 : vector<16xf32>
      %mul3A_34 = arith.constant 2.000000e-01 : f32
      %mul3A_35 = vector.broadcast %mul3A_34 : f32 to vector<16xf32>
      %mul3A_36 = arith.mulf %mul3A_35, %add3A_33 : vector<16xf32>
      %max3A = arith.maximumf %add3A_33, %mul3A_36 : vector<16xf32>
      %sub3A = arith.subf %max3A, %gather3A_32 : vector<16xf32>
      %exp3A = math.exp %sub3A : vector<16xf32>
      %swap3A_37 = arith.constant 0 : index
      %swap3A_38 = tpu.vector_load %arg16[%swap3A_37] {strides = array<i32>} : memref<32xf32, #tpu.memory_space<vmem>>, vector<16xf32>,
      tpu.vector_store %arg16[%swap3A_37], %exp3A {strides = array<i32>} : memref<32xf32, #tpu.memory_space<vmem>>, vector<16xf32>,
      %shift_right_logical3A = arith.constant 7 : i32
      %shift_right_logical3A_39 = vector.broadcast %shift_right_logical3A : i32 to vector<16xi32>
      %shift_right_logical3A_40 = arith.shrui %get3A_27, %shift_right_logical3A_39 : vector<16xi32>
      %and3A = arith.constant 127 : i32
      %and3A_41 = vector.broadcast %and3A : i32 to vector<16xi32>
      %and3A_42 = arith.andi %get3A_27, %and3A_41 : vector<16xi32>
      tpu.vector_store_idx %arg12[%shift_right_logical3A_40, %and3A_42], %exp3A {add = true} : memref<80x128xf32, #tpu.memory_space<vmem>>[vector<16xi32>, vector<16xi32>], vector<16xf32>,
      %get3A_43 = arith.constant 16 : index
      %get3A_44 = tpu.vector_load %arg13[%get3A_43] {strides = array<i32>} : memref<32xi32, #tpu.memory_space<vmem>>, vector<16xi32>,
      %get3A_45 = arith.constant 16 : index
      %get3A_46 = tpu.vector_load %arg15[%get3A_45] {strides = array<i32>} : memref<32xi32, #tpu.memory_space<vmem>>, vector<16xi32>,
      %add3A_47 = vector.broadcast %mul3A_11 : i32 to vector<16xi32>
      %add3A_48 = arith.addi %get3A_44, %add3A_47 : vector<16xi32>
      %swap3A_49 = arith.constant 16 : index
      %swap3A_50 = tpu.vector_load %arg14[%swap3A_49] {strides = array<i32>} : memref<32xi32, #tpu.memory_space<vmem>>, vector<16xi32>,
      tpu.vector_store %arg14[%swap3A_49], %add3A_48 {strides = array<i32>} : memref<32xi32, #tpu.memory_space<vmem>>, vector<16xi32>,
      %gather3A_51 = tpu.vector_load_idx %arg9[%get3A_44] : memref<10240xf32, #tpu.memory_space<vmem>>[vector<16xi32>], vector<16xf32>,
      %gather3A_52 = tpu.vector_load_idx %arg10[%get3A_46] : memref<10240xf32, #tpu.memory_space<vmem>>[vector<16xi32>], vector<16xf32>,
      %gather3A_53 = tpu.vector_load_idx %arg11[%get3A_46] : memref<10240xf32, #tpu.memory_space<vmem>>[vector<16xi32>], vector<16xf32>,
      %add3A_54 = arith.addf %gather3A_51, %gather3A_52 : vector<16xf32>
      %mul3A_55 = arith.constant 2.000000e-01 : f32
      %mul3A_56 = vector.broadcast %mul3A_55 : f32 to vector<16xf32>
      %mul3A_57 = arith.mulf %mul3A_56, %add3A_54 : vector<16xf32>
      %max3A_58 = arith.maximumf %add3A_54, %mul3A_57 : vector<16xf32>
      %sub3A_59 = arith.subf %max3A_58, %gather3A_53 : vector<16xf32>
      %exp3A_60 = math.exp %sub3A_59 : vector<16xf32>
      %swap3A_61 = arith.constant 16 : index
      %swap3A_62 = tpu.vector_load %arg16[%swap3A_61] {strides = array<i32>} : memref<32xf32, #tpu.memory_space<vmem>>, vector<16xf32>,
      tpu.vector_store %arg16[%swap3A_61], %exp3A_60 {strides = array<i32>} : memref<32xf32, #tpu.memory_space<vmem>>, vector<16xf32>,
      %shift_right_logical3A_63 = arith.constant 7 : i32
      %shift_right_logical3A_64 = vector.broadcast %shift_right_logical3A_63 : i32 to vector<16xi32>
      %shift_right_logical3A_65 = arith.shrui %get3A_46, %shift_right_logical3A_64 : vector<16xi32>
      %and3A_66 = arith.constant 127 : i32
      %and3A_67 = vector.broadcast %and3A_66 : i32 to vector<16xi32>
      %and3A_68 = arith.andi %get3A_46, %and3A_67 : vector<16xi32>
      tpu.vector_store_idx %arg12[%shift_right_logical3A_65, %and3A_68], %exp3A_60 {add = true} : memref<80x128xf32, #tpu.memory_space<vmem>>[vector<16xi32>, vector<16xi32>], vector<16xf32>,
      %dma_start3A = arith.constant 0 : i32
      %dma_start3A_69 = arith.constant 0 : i32
      %dma_start3A_70 = tpu.memref_slice %arg4[%dma_start3A, %dma_start3A_69] : memref<20480x128xf32, #tpu.memory_space<hbm>> -> memref<20480x128xf32, #tpu.memory_space<hbm>>
      tpu.enqueue_indirect_dma source(%dma_start3A_70 : memref<20480x128xf32, #tpu.memory_space<hbm>>) target(%arg17 : memref<32x128xf32, #tpu.memory_space<vmem>>) offsets(%arg14 : memref<32xi32, #tpu.memory_space<vmem>>) semaphore(%arg19 : memref<!tpu.dma_semaphore, #tpu.memory_space<semaphore_mem>>)
      %dma_wait3A = arith.constant 0 : i32
      %dma_wait3A_71 = arith.constant 0 : i32
      %dma_wait3A_72 = tpu.memref_slice %arg4[%dma_wait3A, %dma_wait3A_71] : memref<20480x128xf32, #tpu.memory_space<hbm>> -> memref<20480x128xf32, #tpu.memory_space<hbm>>
      tpu.wait_indirect_dma semaphore(%arg19 : memref<!tpu.dma_semaphore, #tpu.memory_space<semaphore_mem>>) src(%dma_wait3A_72 : memref<20480x128xf32, #tpu.memory_space<hbm>>) dst(%arg17 : memref<32x128xf32, #tpu.memory_space<vmem>>)
      %scan3A_73 = arith.constant 0 : i32
      %scan3A_74 = arith.constant 0 : i32
      %scan3A_75 = arith.constant 32 : i32
      %scan3A_76 = arith.addi %scan3A_74, %scan3A_75 : i32
      %scan3A_77 = arith.constant 2 : i32
      scf.for %scan3A_79 = %scan3A_74 to %scan3A_76 step %scan3A_77  : i32 {
        %broadcast_in_dim3A = arith.constant 0 : i32
        %broadcast_in_dim3A_80 = vector.broadcast %broadcast_in_dim3A : i32 to vector<16xi32>
        %add3A_81 = vector.broadcast %scan3A_79 : i32 to vector<16xi32>
        %add3A_82 = arith.addi %broadcast_in_dim3A_80, %add3A_81 : vector<16xi32>
        %gather3A_83 = tpu.vector_load_idx %arg16[%add3A_82] : memref<32xf32, #tpu.memory_space<vmem>>[vector<16xi32>], vector<16xf32>,
        %get3A_84 = arith.index_cast %scan3A_79 : i32 to index
        %get3A_85 = arith.constant 0 : index
        %get3A_86 = tpu.vector_load %arg17[%get3A_84, %get3A_85] {strides = array<i32>} : memref<32x128xf32, #tpu.memory_space<vmem>>, vector<16xf32>,
        %mul3A_87 = arith.mulf %get3A_86, %gather3A_83 : vector<16xf32>
        %swap3A_88 = arith.index_cast %scan3A_79 : i32 to index
        %swap3A_89 = arith.constant 0 : index
        %swap3A_90 = tpu.vector_load %arg17[%swap3A_88, %swap3A_89] {strides = array<i32>} : memref<32x128xf32, #tpu.memory_space<vmem>>, vector<16xf32>,
        tpu.vector_store %arg17[%swap3A_88, %swap3A_89], %mul3A_87 {strides = array<i32>} : memref<32x128xf32, #tpu.memory_space<vmem>>, vector<16xf32>,
        %get3A_91 = arith.index_cast %scan3A_79 : i32 to index
        %get3A_92 = arith.constant 16 : index
        %get3A_93 = tpu.vector_load %arg17[%get3A_91, %get3A_92] {strides = array<i32>} : memref<32x128xf32, #tpu.memory_space<vmem>>, vector<16xf32>,
        %mul3A_94 = arith.mulf %get3A_93, %gather3A_83 : vector<16xf32>
        %swap3A_95 = arith.index_cast %scan3A_79 : i32 to index
        %swap3A_96 = arith.constant 16 : index
        %swap3A_97 = tpu.vector_load %arg17[%swap3A_95, %swap3A_96] {strides = array<i32>} : memref<32x128xf32, #tpu.memory_space<vmem>>, vector<16xf32>,
        tpu.vector_store %arg17[%swap3A_95, %swap3A_96], %mul3A_94 {strides = array<i32>} : memref<32x128xf32, #tpu.memory_space<vmem>>, vector<16xf32>,
        %get3A_98 = arith.index_cast %scan3A_79 : i32 to index
        %get3A_99 = arith.constant 32 : index
        %get3A_100 = tpu.vector_load %arg17[%get3A_98, %get3A_99] {strides = array<i32>} : memref<32x128xf32, #tpu.memory_space<vmem>>, vector<16xf32>,
        %mul3A_101 = arith.mulf %get3A_100, %gather3A_83 : vector<16xf32>
        %swap3A_102 = arith.index_cast %scan3A_79 : i32 to index
        %swap3A_103 = arith.constant 32 : index
        %swap3A_104 = tpu.vector_load %arg17[%swap3A_102, %swap3A_103] {strides = array<i32>} : memref<32x128xf32, #tpu.memory_space<vmem>>, vector<16xf32>,
        tpu.vector_store %arg17[%swap3A_102, %swap3A_103], %mul3A_101 {strides = array<i32>} : memref<32x128xf32, #tpu.memory_space<vmem>>, vector<16xf32>,
        %get3A_105 = arith.index_cast %scan3A_79 : i32 to index
        %get3A_106 = arith.constant 48 : index
        %get3A_107 = tpu.vector_load %arg17[%get3A_105, %get3A_106] {strides = array<i32>} : memref<32x128xf32, #tpu.memory_space<vmem>>, vector<16xf32>,
        %mul3A_108 = arith.mulf %get3A_107, %gather3A_83 : vector<16xf32>
        %swap3A_109 = arith.index_cast %scan3A_79 : i32 to index
        %swap3A_110 = arith.constant 48 : index
        %swap3A_111 = tpu.vector_load %arg17[%swap3A_109, %swap3A_110] {strides = array<i32>} : memref<32x128xf32, #tpu.memory_space<vmem>>, vector<16xf32>,
        tpu.vector_store %arg17[%swap3A_109, %swap3A_110], %mul3A_108 {strides = array<i32>} : memref<32x128xf32, #tpu.memory_space<vmem>>, vector<16xf32>,
        %get3A_112 = arith.index_cast %scan3A_79 : i32 to index
        %get3A_113 = arith.constant 64 : index
        %get3A_114 = tpu.vector_load %arg17[%get3A_112, %get3A_113] {strides = array<i32>} : memref<32x128xf32, #tpu.memory_space<vmem>>, vector<16xf32>,
        %mul3A_115 = arith.mulf %get3A_114, %gather3A_83 : vector<16xf32>
        %swap3A_116 = arith.index_cast %scan3A_79 : i32 to index
        %swap3A_117 = arith.constant 64 : index
        %swap3A_118 = tpu.vector_load %arg17[%swap3A_116, %swap3A_117] {strides = array<i32>} : memref<32x128xf32, #tpu.memory_space<vmem>>, vector<16xf32>,
        tpu.vector_store %arg17[%swap3A_116, %swap3A_117], %mul3A_115 {strides = array<i32>} : memref<32x128xf32, #tpu.memory_space<vmem>>, vector<16xf32>,
        %get3A_119 = arith.index_cast %scan3A_79 : i32 to index
        %get3A_120 = arith.constant 80 : index
        %get3A_121 = tpu.vector_load %arg17[%get3A_119, %get3A_120] {strides = array<i32>} : memref<32x128xf32, #tpu.memory_space<vmem>>, vector<16xf32>,
        %mul3A_122 = arith.mulf %get3A_121, %gather3A_83 : vector<16xf32>
        %swap3A_123 = arith.index_cast %scan3A_79 : i32 to index
        %swap3A_124 = arith.constant 80 : index
        %swap3A_125 = tpu.vector_load %arg17[%swap3A_123, %swap3A_124] {strides = array<i32>} : memref<32x128xf32, #tpu.memory_space<vmem>>, vector<16xf32>,
        tpu.vector_store %arg17[%swap3A_123, %swap3A_124], %mul3A_122 {strides = array<i32>} : memref<32x128xf32, #tpu.memory_space<vmem>>, vector<16xf32>,
        %get3A_126 = arith.index_cast %scan3A_79 : i32 to index
        %get3A_127 = arith.constant 96 : index
        %get3A_128 = tpu.vector_load %arg17[%get3A_126, %get3A_127] {strides = array<i32>} : memref<32x128xf32, #tpu.memory_space<vmem>>, vector<16xf32>,
        %mul3A_129 = arith.mulf %get3A_128, %gather3A_83 : vector<16xf32>
        %swap3A_130 = arith.index_cast %scan3A_79 : i32 to index
        %swap3A_131 = arith.constant 96 : index
        %swap3A_132 = tpu.vector_load %arg17[%swap3A_130, %swap3A_131] {strides = array<i32>} : memref<32x128xf32, #tpu.memory_space<vmem>>, vector<16xf32>,
        tpu.vector_store %arg17[%swap3A_130, %swap3A_131], %mul3A_129 {strides = array<i32>} : memref<32x128xf32, #tpu.memory_space<vmem>>, vector<16xf32>,
        %get3A_133 = arith.index_cast %scan3A_79 : i32 to index
        %get3A_134 = arith.constant 112 : index
        %get3A_135 = tpu.vector_load %arg17[%get3A_133, %get3A_134] {strides = array<i32>} : memref<32x128xf32, #tpu.memory_space<vmem>>, vector<16xf32>,
        %mul3A_136 = arith.mulf %get3A_135, %gather3A_83 : vector<16xf32>
        %swap3A_137 = arith.index_cast %scan3A_79 : i32 to index
        %swap3A_138 = arith.constant 112 : index
        %swap3A_139 = tpu.vector_load %arg17[%swap3A_137, %swap3A_138] {strides = array<i32>} : memref<32x128xf32, #tpu.memory_space<vmem>>, vector<16xf32>,
        tpu.vector_store %arg17[%swap3A_137, %swap3A_138], %mul3A_136 {strides = array<i32>} : memref<32x128xf32, #tpu.memory_space<vmem>>, vector<16xf32>,
        %scan3A_140 = arith.constant 1 : i32
        %scan3A_141 = arith.addi %scan3A_79, %scan3A_140 : i32
        %broadcast_in_dim3A_142 = arith.constant 0 : i32
        %broadcast_in_dim3A_143 = vector.broadcast %broadcast_in_dim3A_142 : i32 to vector<16xi32>
        %add3A_144 = vector.broadcast %scan3A_141 : i32 to vector<16xi32>
        %add3A_145 = arith.addi %broadcast_in_dim3A_143, %add3A_144 : vector<16xi32>
        %gather3A_146 = tpu.vector_load_idx %arg16[%add3A_145] : memref<32xf32, #tpu.memory_space<vmem>>[vector<16xi32>], vector<16xf32>,
        %get3A_147 = arith.index_cast %scan3A_141 : i32 to index
        %get3A_148 = arith.constant 0 : index
        %get3A_149 = tpu.vector_load %arg17[%get3A_147, %get3A_148] {strides = array<i32>} : memref<32x128xf32, #tpu.memory_space<vmem>>, vector<16xf32>,
        %mul3A_150 = arith.mulf %get3A_149, %gather3A_146 : vector<16xf32>
        %swap3A_151 = arith.index_cast %scan3A_141 : i32 to index
        %swap3A_152 = arith.constant 0 : index
        %swap3A_153 = tpu.vector_load %arg17[%swap3A_151, %swap3A_152] {strides = array<i32>} : memref<32x128xf32, #tpu.memory_space<vmem>>, vector<16xf32>,
        tpu.vector_store %arg17[%swap3A_151, %swap3A_152], %mul3A_150 {strides = array<i32>} : memref<32x128xf32, #tpu.memory_space<vmem>>, vector<16xf32>,
        %get3A_154 = arith.index_cast %scan3A_141 : i32 to index
        %get3A_155 = arith.constant 16 : index
        %get3A_156 = tpu.vector_load %arg17[%get3A_154, %get3A_155] {strides = array<i32>} : memref<32x128xf32, #tpu.memory_space<vmem>>, vector<16xf32>,
        %mul3A_157 = arith.mulf %get3A_156, %gather3A_146 : vector<16xf32>
        %swap3A_158 = arith.index_cast %scan3A_141 : i32 to index
        %swap3A_159 = arith.constant 16 : index
        %swap3A_160 = tpu.vector_load %arg17[%swap3A_158, %swap3A_159] {strides = array<i32>} : memref<32x128xf32, #tpu.memory_space<vmem>>, vector<16xf32>,
        tpu.vector_store %arg17[%swap3A_158, %swap3A_159], %mul3A_157 {strides = array<i32>} : memref<32x128xf32, #tpu.memory_space<vmem>>, vector<16xf32>,
        %get3A_161 = arith.index_cast %scan3A_141 : i32 to index
        %get3A_162 = arith.constant 32 : index
        %get3A_163 = tpu.vector_load %arg17[%get3A_161, %get3A_162] {strides = array<i32>} : memref<32x128xf32, #tpu.memory_space<vmem>>, vector<16xf32>,
        %mul3A_164 = arith.mulf %get3A_163, %gather3A_146 : vector<16xf32>
        %swap3A_165 = arith.index_cast %scan3A_141 : i32 to index
        %swap3A_166 = arith.constant 32 : index
        %swap3A_167 = tpu.vector_load %arg17[%swap3A_165, %swap3A_166] {strides = array<i32>} : memref<32x128xf32, #tpu.memory_space<vmem>>, vector<16xf32>,
        tpu.vector_store %arg17[%swap3A_165, %swap3A_166], %mul3A_164 {strides = array<i32>} : memref<32x128xf32, #tpu.memory_space<vmem>>, vector<16xf32>,
        %get3A_168 = arith.index_cast %scan3A_141 : i32 to index
        %get3A_169 = arith.constant 48 : index
        %get3A_170 = tpu.vector_load %arg17[%get3A_168, %get3A_169] {strides = array<i32>} : memref<32x128xf32, #tpu.memory_space<vmem>>, vector<16xf32>,
        %mul3A_171 = arith.mulf %get3A_170, %gather3A_146 : vector<16xf32>
        %swap3A_172 = arith.index_cast %scan3A_141 : i32 to index
        %swap3A_173 = arith.constant 48 : index
        %swap3A_174 = tpu.vector_load %arg17[%swap3A_172, %swap3A_173] {strides = array<i32>} : memref<32x128xf32, #tpu.memory_space<vmem>>, vector<16xf32>,
        tpu.vector_store %arg17[%swap3A_172, %swap3A_173], %mul3A_171 {strides = array<i32>} : memref<32x128xf32, #tpu.memory_space<vmem>>, vector<16xf32>,
        %get3A_175 = arith.index_cast %scan3A_141 : i32 to index
        %get3A_176 = arith.constant 64 : index
        %get3A_177 = tpu.vector_load %arg17[%get3A_175, %get3A_176] {strides = array<i32>} : memref<32x128xf32, #tpu.memory_space<vmem>>, vector<16xf32>,
        %mul3A_178 = arith.mulf %get3A_177, %gather3A_146 : vector<16xf32>
        %swap3A_179 = arith.index_cast %scan3A_141 : i32 to index
        %swap3A_180 = arith.constant 64 : index
        %swap3A_181 = tpu.vector_load %arg17[%swap3A_179, %swap3A_180] {strides = array<i32>} : memref<32x128xf32, #tpu.memory_space<vmem>>, vector<16xf32>,
        tpu.vector_store %arg17[%swap3A_179, %swap3A_180], %mul3A_178 {strides = array<i32>} : memref<32x128xf32, #tpu.memory_space<vmem>>, vector<16xf32>,
        %get3A_182 = arith.index_cast %scan3A_141 : i32 to index
        %get3A_183 = arith.constant 80 : index
        %get3A_184 = tpu.vector_load %arg17[%get3A_182, %get3A_183] {strides = array<i32>} : memref<32x128xf32, #tpu.memory_space<vmem>>, vector<16xf32>,
        %mul3A_185 = arith.mulf %get3A_184, %gather3A_146 : vector<16xf32>
        %swap3A_186 = arith.index_cast %scan3A_141 : i32 to index
        %swap3A_187 = arith.constant 80 : index
        %swap3A_188 = tpu.vector_load %arg17[%swap3A_186, %swap3A_187] {strides = array<i32>} : memref<32x128xf32, #tpu.memory_space<vmem>>, vector<16xf32>,
        tpu.vector_store %arg17[%swap3A_186, %swap3A_187], %mul3A_185 {strides = array<i32>} : memref<32x128xf32, #tpu.memory_space<vmem>>, vector<16xf32>,
        %get3A_189 = arith.index_cast %scan3A_141 : i32 to index
        %get3A_190 = arith.constant 96 : index
        %get3A_191 = tpu.vector_load %arg17[%get3A_189, %get3A_190] {strides = array<i32>} : memref<32x128xf32, #tpu.memory_space<vmem>>, vector<16xf32>,
        %mul3A_192 = arith.mulf %get3A_191, %gather3A_146 : vector<16xf32>
        %swap3A_193 = arith.index_cast %scan3A_141 : i32 to index
        %swap3A_194 = arith.constant 96 : index
        %swap3A_195 = tpu.vector_load %arg17[%swap3A_193, %swap3A_194] {strides = array<i32>} : memref<32x128xf32, #tpu.memory_space<vmem>>, vector<16xf32>,
        tpu.vector_store %arg17[%swap3A_193, %swap3A_194], %mul3A_192 {strides = array<i32>} : memref<32x128xf32, #tpu.memory_space<vmem>>, vector<16xf32>,
        %get3A_196 = arith.index_cast %scan3A_141 : i32 to index
        %get3A_197 = arith.constant 112 : index
        %get3A_198 = tpu.vector_load %arg17[%get3A_196, %get3A_197] {strides = array<i32>} : memref<32x128xf32, #tpu.memory_space<vmem>>, vector<16xf32>,
        %mul3A_199 = arith.mulf %get3A_198, %gather3A_146 : vector<16xf32>
        %swap3A_200 = arith.index_cast %scan3A_141 : i32 to index
        %swap3A_201 = arith.constant 112 : index
        %swap3A_202 = tpu.vector_load %arg17[%swap3A_200, %swap3A_201] {strides = array<i32>} : memref<32x128xf32, #tpu.memory_space<vmem>>, vector<16xf32>,
        tpu.vector_store %arg17[%swap3A_200, %swap3A_201], %mul3A_199 {strides = array<i32>} : memref<32x128xf32, #tpu.memory_space<vmem>>, vector<16xf32>,
      }
      %scan3A_78 = arith.constant 32 : i32
      "tpu.region"() ({
        %run_scoped3A = tpu.sem_alloc : memref<!tpu.dma_semaphore, #tpu.memory_space<semaphore_mem>>
        %dma_start3A_79 = arith.constant 0 : i32
        %dma_start3A_80 = arith.constant 0 : i32
        %dma_start3A_81 = tpu.memref_slice %arg18[%dma_start3A_79, %dma_start3A_80] : memref<10240x128xf32, #tpu.memory_space<vmem_shared>> -> memref<10240x128xf32, #tpu.memory_space<vmem_shared>>
        tpu.enqueue_indirect_dma source(%arg17 : memref<32x128xf32, #tpu.memory_space<vmem>>) target(%dma_start3A_81 : memref<10240x128xf32, #tpu.memory_space<vmem_shared>>) offsets(%arg15 : memref<32xi32, #tpu.memory_space<vmem>>) semaphore(%run_scoped3A : memref<!tpu.dma_semaphore, #tpu.memory_space<semaphore_mem>>) {add = true}
        %dma_wait3A_82 = arith.constant 0 : i32
        %dma_wait3A_83 = arith.constant 0 : i32
        %dma_wait3A_84 = tpu.memref_slice %arg18[%dma_wait3A_82, %dma_wait3A_83] : memref<10240x128xf32, #tpu.memory_space<vmem_shared>> -> memref<10240x128xf32, #tpu.memory_space<vmem_shared>>
        tpu.wait_indirect_dma semaphore(%run_scoped3A : memref<!tpu.dma_semaphore, #tpu.memory_space<semaphore_mem>>) src(%arg17 : memref<32x128xf32, #tpu.memory_space<vmem>>) dst(%dma_wait3A_84 : memref<10240x128xf32, #tpu.memory_space<vmem_shared>>)
        tpu.yield
      }) : () -> ()
    }
    %scan3A_17 = arith.constant 625 : i32
    %barrier3A_18 = arith.constant 0 : index
    tpu.barrier barrier_id(%barrier3A_18)
    "tpu.region"() ({
      %run_scoped3A = tpu.sem_alloc : memref<!tpu.dma_semaphore, #tpu.memory_space<semaphore_mem>>
      %dma_start3A = arith.constant 0 : i32
      %dma_start3A_21 = tpu.memref_slice %arg8[%arg0, %mul3A_0, %dma_start3A] : memref<2x11520x128xf32, #tpu.memory_space<hbm>> -> memref<1x640x128xf32, #tpu.memory_space<hbm>>
      %dma_start3A_22 = tpu.memref_squeeze %dma_start3A_21 : memref<1x640x128xf32, #tpu.memory_space<hbm>> -> memref<640x128xf32, #tpu.memory_space<hbm>>
      %dma_start3A_23 = arith.constant 0 : i32
      %dma_start3A_24 = tpu.memref_slice %arg18[%mul3A_0, %dma_start3A_23] : memref<10240x128xf32, #tpu.memory_space<vmem_shared>> -> memref<640x128xf32, #tpu.memory_space<vmem_shared>>
      tpu.enqueue_dma source(%dma_start3A_24 : memref<640x128xf32, #tpu.memory_space<vmem_shared>>) target(%dma_start3A_22 : memref<640x128xf32, #tpu.memory_space<hbm>>) target_semaphore(%run_scoped3A : memref<!tpu.dma_semaphore, #tpu.memory_space<semaphore_mem>>)
      %dma_wait3A = arith.constant 0 : i32
      %dma_wait3A_25 = tpu.memref_slice %arg8[%arg0, %mul3A_0, %dma_wait3A] : memref<2x11520x128xf32, #tpu.memory_space<hbm>> -> memref<1x640x128xf32, #tpu.memory_space<hbm>>
      %dma_wait3A_26 = tpu.memref_squeeze %dma_wait3A_25 : memref<1x640x128xf32, #tpu.memory_space<hbm>> -> memref<640x128xf32, #tpu.memory_space<hbm>>
      %dma_wait3A_27 = arith.constant 0 : i32
      %dma_wait3A_28 = tpu.memref_slice %arg18[%mul3A_0, %dma_wait3A_27] : memref<10240x128xf32, #tpu.memory_space<vmem_shared>> -> memref<640x128xf32, #tpu.memory_space<vmem_shared>>
      tpu.wait_dma2 semaphore(%run_scoped3A : memref<!tpu.dma_semaphore, #tpu.memory_space<semaphore_mem>>) src(%dma_wait3A_28 : memref<640x128xf32, #tpu.memory_space<vmem_shared>>) dst(%dma_wait3A_26 : memref<640x128xf32, #tpu.memory_space<hbm>>)
      tpu.yield
    }) : () -> ()
    %eq3A = arith.constant 0 : i32
    %eq3A_19 = arith.cmpi eq, %arg0, %eq3A : i32
    %convert_element_type3A = arith.extui %eq3A_19 : i1 to i32
    %cond3A = arith.constant 0 : i32
    %cond3A_20 = arith.cmpi ne, %convert_element_type3A, %cond3A : i32
    scf.if %cond3A_20 {
      %mul3A_21 = arith.constant 80 : i32
      %mul3A_22 = arith.muli %arg1, %mul3A_21 : i32
      %add3A_23 = arith.constant 10240 : i32
      %add3A_24 = arith.addi %add3A_23, %mul3A_22 : i32
      %run_scoped3A = arith.constant 0 : i32
      "tpu.region"() ({
        %run_scoped3A_25 = tpu.sem_alloc : memref<!tpu.dma_semaphore, #tpu.memory_space<semaphore_mem>>
        %dma_start3A = arith.constant 0 : i32
        %dma_start3A_26 = tpu.memref_slice %arg8[%run_scoped3A, %add3A_24, %dma_start3A] : memref<2x11520x128xf32, #tpu.memory_space<hbm>> -> memref<1x80x128xf32, #tpu.memory_space<hbm>>
        %dma_start3A_27 = tpu.memref_squeeze %dma_start3A_26 : memref<1x80x128xf32, #tpu.memory_space<hbm>> -> memref<80x128xf32, #tpu.memory_space<hbm>>
        %dma_start3A_28 = arith.constant 0 : i32
        %dma_start3A_29 = tpu.memref_slice %arg8[%run_scoped3A, %add3A_24, %dma_start3A_28] : memref<2x11520x128xf32, #tpu.memory_space<hbm>> -> memref<1x80x128xf32, #tpu.memory_space<hbm>>
        %dma_start3A_30 = tpu.memref_squeeze %dma_start3A_29 : memref<1x80x128xf32, #tpu.memory_space<hbm>> -> memref<80x128xf32, #tpu.memory_space<hbm>>
        tpu.enqueue_dma source(%arg12 : memref<80x128xf32, #tpu.memory_space<vmem>>) target(%dma_start3A_30 : memref<80x128xf32, #tpu.memory_space<hbm>>) target_semaphore(%run_scoped3A_25 : memref<!tpu.dma_semaphore, #tpu.memory_space<semaphore_mem>>)
        %dma_wait3A = arith.constant 0 : i32
        %dma_wait3A_31 = tpu.memref_slice %arg8[%run_scoped3A, %add3A_24, %dma_wait3A] : memref<2x11520x128xf32, #tpu.memory_space<hbm>> -> memref<1x80x128xf32, #tpu.memory_space<hbm>>
        %dma_wait3A_32 = tpu.memref_squeeze %dma_wait3A_31 : memref<1x80x128xf32, #tpu.memory_space<hbm>> -> memref<80x128xf32, #tpu.memory_space<hbm>>
        %dma_wait3A_33 = arith.constant 0 : i32
        %dma_wait3A_34 = tpu.memref_slice %arg8[%run_scoped3A, %add3A_24, %dma_wait3A_33] : memref<2x11520x128xf32, #tpu.memory_space<hbm>> -> memref<1x80x128xf32, #tpu.memory_space<hbm>>
        %dma_wait3A_35 = tpu.memref_squeeze %dma_wait3A_34 : memref<1x80x128xf32, #tpu.memory_space<hbm>> -> memref<80x128xf32, #tpu.memory_space<hbm>>
        tpu.wait_dma2 semaphore(%run_scoped3A_25 : memref<!tpu.dma_semaphore, #tpu.memory_space<semaphore_mem>>) src(%arg12 : memref<80x128xf32, #tpu.memory_space<vmem>>) dst(%dma_wait3A_35 : memref<80x128xf32, #tpu.memory_space<hbm>>)
        tpu.yield
      }) : () -> ()
    } else {
    }
    return
  }
}

module attributes {stable_mosaic.version = 14 : i64} {
  func.func @_dense_body_first(%arg0: i32, %arg1: memref<16x1024xf32, #tpu.memory_space<vmem>>, %arg2: memref<256xf32, #tpu.memory_space<vmem>>, %arg3: memref<1024x128xf32, #tpu.memory_space<vmem>>, %arg4: memref<128x256xf32, #tpu.memory_space<vmem>>, %arg5: memref<256xf32, #tpu.memory_space<vmem>>, %arg6: memref<256xf32, #tpu.memory_space<vmem>>, %arg7: memref<2x1024x128xf32, #tpu.memory_space<vmem>>, %arg8: memref<10240xf32, #tpu.memory_space<vmem>>, %arg9: memref<10240xf32, #tpu.memory_space<vmem>>, %arg10: memref<10240xf32, #tpu.memory_space<vmem>>) attributes {dimension_semantics = [#tpu.dimension_semantics<arbitrary>], iteration_bounds = array<i64: 10>, scalar_prefetch = 0 : i64, scratch_operands = 0 : i64, tpu.core_type = #tpu.core_type<tc>, window_params = [{transform_indices = @transform_0, window_bounds = array<i64: 16, 1024>}, {pipeline_mode = #tpu.pipeline_mode<synchronous>, transform_indices = @transform_1, window_bounds = array<i64: 256>}, {transform_indices = @transform_2, window_bounds = array<i64: 1024, 128>}, {pipeline_mode = #tpu.pipeline_mode<synchronous>, transform_indices = @transform_3, window_bounds = array<i64: 128, 256>}, {pipeline_mode = #tpu.pipeline_mode<synchronous>, transform_indices = @transform_4, window_bounds = array<i64: 256>}, {pipeline_mode = #tpu.pipeline_mode<synchronous>, transform_indices = @transform_5, window_bounds = array<i64: 256>}, {transform_indices = @transform_6, window_bounds = array<i64: 2, 1024, 128>}, {pipeline_mode = #tpu.pipeline_mode<synchronous>, transform_indices = @transform_7, window_bounds = array<i64: 10240>}, {pipeline_mode = #tpu.pipeline_mode<synchronous>, transform_indices = @transform_8, window_bounds = array<i64: 10240>}, {pipeline_mode = #tpu.pipeline_mode<synchronous>, transform_indices = @transform_9, window_bounds = array<i64: 10240>}]} {
    %get3A = arith.constant 0 : index
    %get3A_0 = arith.constant 0 : index
    %get3A_1 = vector.load %arg3[%get3A, %get3A_0] : memref<1024x128xf32, #tpu.memory_space<vmem>>, vector<1024x128xf32>
    %get3A_2 = arith.constant 0 : index
    %get3A_3 = arith.constant 0 : index
    %get3A_4 = vector.load %arg4[%get3A_2, %get3A_3] : memref<128x256xf32, #tpu.memory_space<vmem>>, vector<128x256xf32>
    %dot_general3A = arith.constant dense<0.000000e+00> : vector<1024x256xf32>
    %dot_general3A_5 = tpu.matmul %get3A_1, %get3A_4, %dot_general3A {dimension_numbers = #tpu.dot_dimension_numbers<[1], [0], [0], [1], [0, 0, 1, 1], [], []>, transpose_lhs_hint = false} : vector<1024x128xf32>, vector<128x256xf32>, vector<1024x256xf32> -> vector<1024x256xf32>
    %slice3A = vector.extract_strided_slice %dot_general3A_5 {offsets = [0, 0], sizes = [1024, 128], strides = [1, 1]} : vector<1024x256xf32> to vector<1024x128xf32>
    %swap3A = arith.constant 0 : index
    %swap3A_6 = arith.constant 0 : index
    %swap3A_7 = arith.constant 0 : index
    %swap3A_8 = vector.load %arg7[%swap3A, %swap3A_6, %swap3A_7] : memref<2x1024x128xf32, #tpu.memory_space<vmem>>, vector<1x1024x128xf32>
    %swap3A_9 = vector.shape_cast %swap3A_8 : vector<1x1024x128xf32> to vector<1024x128xf32>
    %swap3A_10 = vector.shape_cast %slice3A : vector<1024x128xf32> to vector<1x1024x128xf32>
    tpu.vector_store %arg7[%swap3A, %swap3A_6, %swap3A_7], %swap3A_10 {strides = array<i32>} : memref<2x1024x128xf32, #tpu.memory_space<vmem>>, vector<1x1024x128xf32>,
    %slice3A_11 = vector.extract_strided_slice %dot_general3A_5 {offsets = [0, 128], sizes = [1024, 128], strides = [1, 1]} : vector<1024x256xf32> to vector<1024x128xf32>
    %swap3A_12 = arith.constant 1 : index
    %swap3A_13 = arith.constant 0 : index
    %swap3A_14 = arith.constant 0 : index
    %swap3A_15 = vector.load %arg7[%swap3A_12, %swap3A_13, %swap3A_14] : memref<2x1024x128xf32, #tpu.memory_space<vmem>>, vector<1x1024x128xf32>
    %swap3A_16 = vector.shape_cast %swap3A_15 : vector<1x1024x128xf32> to vector<1024x128xf32>
    %swap3A_17 = vector.shape_cast %slice3A_11 : vector<1024x128xf32> to vector<1x1024x128xf32>
    tpu.vector_store %arg7[%swap3A_12, %swap3A_13, %swap3A_14], %swap3A_17 {strides = array<i32>} : memref<2x1024x128xf32, #tpu.memory_space<vmem>>, vector<1x1024x128xf32>,
    %get3A_18 = arith.constant 0 : index
    %get3A_19 = vector.load %arg5[%get3A_18] : memref<256xf32, #tpu.memory_space<vmem>>, vector<256xf32>
    %broadcast_in_dim3A = vector.shape_cast %get3A_19 : vector<256xf32> to vector<1x256xf32>
    %mul3A = vector.broadcast %broadcast_in_dim3A : vector<1x256xf32> to vector<1024x256xf32>
    %mul3A_20 = arith.mulf %dot_general3A_5, %mul3A : vector<1024x256xf32>
    %reduce_sum3A = arith.constant dense<0.000000e+00> : vector<1024xf32>
    %reduce_sum3A_21 = vector.multi_reduction <add>, %mul3A_20, %reduce_sum3A [1] : vector<1024x256xf32> to vector<1024xf32>
    %get3A_22 = arith.constant 0 : index
    %get3A_23 = vector.load %arg6[%get3A_22] : memref<256xf32, #tpu.memory_space<vmem>>, vector<256xf32>
    %broadcast_in_dim3A_24 = vector.shape_cast %get3A_23 : vector<256xf32> to vector<1x256xf32>
    %mul3A_25 = vector.broadcast %broadcast_in_dim3A_24 : vector<1x256xf32> to vector<1024x256xf32>
    %mul3A_26 = arith.mulf %dot_general3A_5, %mul3A_25 : vector<1024x256xf32>
    %reduce_sum3A_27 = arith.constant dense<0.000000e+00> : vector<1024xf32>
    %reduce_sum3A_28 = vector.multi_reduction <add>, %mul3A_26, %reduce_sum3A_27 [1] : vector<1024x256xf32> to vector<1024xf32>
    %mul3A_29 = arith.constant 1024 : i32
    %mul3A_30 = arith.muli %arg0, %mul3A_29 : i32
    %swap3A_31 = arith.index_cast %mul3A_30 : i32 to index
    %swap3A_32 = vector.load %arg8[%swap3A_31] : memref<10240xf32, #tpu.memory_space<vmem>>, vector<1024xf32>
    tpu.vector_store %arg8[%swap3A_31], %reduce_sum3A_21 {strides = array<i32>} : memref<10240xf32, #tpu.memory_space<vmem>>, vector<1024xf32>,
    %swap3A_33 = arith.index_cast %mul3A_30 : i32 to index
    %swap3A_34 = vector.load %arg9[%swap3A_33] : memref<10240xf32, #tpu.memory_space<vmem>>, vector<1024xf32>
    tpu.vector_store %arg9[%swap3A_33], %reduce_sum3A_28 {strides = array<i32>} : memref<10240xf32, #tpu.memory_space<vmem>>, vector<1024xf32>,
    %add3A = arith.addf %reduce_sum3A_21, %reduce_sum3A_28 : vector<1024xf32>
    %mul3A_35 = arith.constant 2.000000e-01 : f32
    %mul3A_36 = vector.broadcast %mul3A_35 : f32 to vector<1024xf32>
    %mul3A_37 = arith.mulf %mul3A_36, %add3A : vector<1024xf32>
    %max3A = arith.maximumf %add3A, %mul3A_37 : vector<1024xf32>
    %swap3A_38 = arith.index_cast %mul3A_30 : i32 to index
    %swap3A_39 = vector.load %arg10[%swap3A_38] : memref<10240xf32, #tpu.memory_space<vmem>>, vector<1024xf32>
    tpu.vector_store %arg10[%swap3A_38], %max3A {strides = array<i32>} : memref<10240xf32, #tpu.memory_space<vmem>>, vector<1024xf32>,
    return
  }
  func.func @transform_0(%arg0: i32) -> (i32, i32) {
    %c0_i32 = arith.constant 0 : i32
    %c0_i32_0 = arith.constant 0 : i32
    return %c0_i32, %arg0 : i32, i32
  }
  func.func @transform_1(%arg0: i32) -> i32 {
    %c0_i32 = arith.constant 0 : i32
    %c0_i32_0 = arith.constant 0 : i32
    return %c0_i32 : i32
  }
  func.func @transform_2(%arg0: i32) -> (i32, i32) {
    %c0_i32 = arith.constant 0 : i32
    %c0_i32_0 = arith.constant 0 : i32
    return %arg0, %c0_i32 : i32, i32
  }
  func.func @transform_3(%arg0: i32) -> (i32, i32) {
    %c0_i32 = arith.constant 0 : i32
    %c0_i32_0 = arith.constant 0 : i32
    %c0_i32_1 = arith.constant 0 : i32
    return %c0_i32, %c0_i32_0 : i32, i32
  }
  func.func @transform_4(%arg0: i32) -> i32 {
    %c0_i32 = arith.constant 0 : i32
    %c0_i32_0 = arith.constant 0 : i32
    return %c0_i32 : i32
  }
  func.func @transform_5(%arg0: i32) -> i32 {
    %c0_i32 = arith.constant 0 : i32
    %c0_i32_0 = arith.constant 0 : i32
    return %c0_i32 : i32
  }
  func.func @transform_6(%arg0: i32) -> (i32, i32, i32) {
    %c0_i32 = arith.constant 0 : i32
    %c0_i32_0 = arith.constant 0 : i32
    %c0_i32_1 = arith.constant 0 : i32
    return %c0_i32, %arg0, %c0_i32_0 : i32, i32, i32
  }
  func.func @transform_7(%arg0: i32) -> i32 {
    %c0_i32 = arith.constant 0 : i32
    %c0_i32_0 = arith.constant 0 : i32
    return %c0_i32 : i32
  }
  func.func @transform_8(%arg0: i32) -> i32 {
    %c0_i32 = arith.constant 0 : i32
    %c0_i32_0 = arith.constant 0 : i32
    return %c0_i32 : i32
  }
  func.func @transform_9(%arg0: i32) -> i32 {
    %c0_i32 = arith.constant 0 : i32
    %c0_i32_0 = arith.constant 0 : i32
    return %c0_i32 : i32
  }
}

module attributes {stable_mosaic.version = 14 : i64} {
  func.func @_dense_body_mid(%arg0: i32, %arg1: memref<16x1024xf32, #tpu.memory_space<vmem>>, %arg2: memref<256xf32, #tpu.memory_space<vmem>>, %arg3: memref<1x1024x128xf32, #tpu.memory_space<vmem>>, %arg4: memref<1x1024x128xf32, #tpu.memory_space<vmem>>, %arg5: memref<256x256xf32, #tpu.memory_space<vmem>>, %arg6: memref<256xf32, #tpu.memory_space<vmem>>, %arg7: memref<256xf32, #tpu.memory_space<vmem>>, %arg8: memref<2x1024x128xf32, #tpu.memory_space<vmem>>, %arg9: memref<10240xf32, #tpu.memory_space<vmem>>, %arg10: memref<10240xf32, #tpu.memory_space<vmem>>, %arg11: memref<10240xf32, #tpu.memory_space<vmem>>) attributes {dimension_semantics = [#tpu.dimension_semantics<arbitrary>], iteration_bounds = array<i64: 10>, scalar_prefetch = 0 : i64, scratch_operands = 0 : i64, tpu.core_type = #tpu.core_type<tc>, window_params = [{transform_indices = @transform_0, window_bounds = array<i64: 16, 1024>}, {pipeline_mode = #tpu.pipeline_mode<synchronous>, transform_indices = @transform_1, window_bounds = array<i64: 256>}, {transform_indices = @transform_2, window_bounds = array<i64: 1, 1024, 128>}, {transform_indices = @transform_3, window_bounds = array<i64: 1, 1024, 128>}, {pipeline_mode = #tpu.pipeline_mode<synchronous>, transform_indices = @transform_4, window_bounds = array<i64: 256, 256>}, {pipeline_mode = #tpu.pipeline_mode<synchronous>, transform_indices = @transform_5, window_bounds = array<i64: 256>}, {pipeline_mode = #tpu.pipeline_mode<synchronous>, transform_indices = @transform_6, window_bounds = array<i64: 256>}, {transform_indices = @transform_7, window_bounds = array<i64: 2, 1024, 128>}, {pipeline_mode = #tpu.pipeline_mode<synchronous>, transform_indices = @transform_8, window_bounds = array<i64: 10240>}, {pipeline_mode = #tpu.pipeline_mode<synchronous>, transform_indices = @transform_9, window_bounds = array<i64: 10240>}, {pipeline_mode = #tpu.pipeline_mode<synchronous>, transform_indices = @transform_10, window_bounds = array<i64: 10240>}]} {
    %get3A = arith.constant 0 : index
    %get3A_0 = arith.constant 0 : index
    %get3A_1 = arith.constant 0 : index
    %get3A_2 = vector.load %arg3[%get3A, %get3A_0, %get3A_1] : memref<1x1024x128xf32, #tpu.memory_space<vmem>>, vector<1x1024x128xf32>
    %get3A_3 = vector.shape_cast %get3A_2 : vector<1x1024x128xf32> to vector<1024x128xf32>
    %get3A_4 = arith.constant 0 : index
    %get3A_5 = arith.constant 0 : index
    %get3A_6 = arith.constant 0 : index
    %get3A_7 = vector.load %arg4[%get3A_4, %get3A_5, %get3A_6] : memref<1x1024x128xf32, #tpu.memory_space<vmem>>, vector<1x1024x128xf32>
    %get3A_8 = vector.shape_cast %get3A_7 : vector<1x1024x128xf32> to vector<1024x128xf32>
    %concatenate3A = tpu.concatenate %get3A_3, %get3A_8 in 1 : vector<1024x128xf32>, vector<1024x128xf32> -> vector<1024x256xf32>
    %get3A_9 = arith.constant 0 : index
    %get3A_10 = arith.constant 0 : index
    %get3A_11 = vector.load %arg1[%get3A_9, %get3A_10] : memref<16x1024xf32, #tpu.memory_space<vmem>>, vector<16x1024xf32>
    %reduce_sum3A = arith.constant dense<0.000000e+00> : vector<1024xf32>
    %reduce_sum3A_12 = vector.multi_reduction <add>, %get3A_11, %reduce_sum3A [0] : vector<16x1024xf32> to vector<1024xf32>
    %add3A = arith.constant 1.000000e+00 : f32
    %add3A_13 = vector.broadcast %add3A : f32 to vector<1024xf32>
    %add3A_14 = arith.addf %reduce_sum3A_12, %add3A_13 : vector<1024xf32>
    %broadcast_in_dim3A = vector.shape_cast %add3A_14 : vector<1024xf32> to vector<1024x1xf32>
    %div3A = vector.broadcast %broadcast_in_dim3A : vector<1024x1xf32> to vector<1024x256xf32>
    %div3A_15 = arith.divf %concatenate3A, %div3A : vector<1024x256xf32>
    %get3A_16 = arith.constant 0 : index
    %get3A_17 = vector.load %arg2[%get3A_16] : memref<256xf32, #tpu.memory_space<vmem>>, vector<256xf32>
    %broadcast_in_dim3A_18 = vector.shape_cast %get3A_17 : vector<256xf32> to vector<1x256xf32>
    %add3A_19 = vector.broadcast %broadcast_in_dim3A_18 : vector<1x256xf32> to vector<1024x256xf32>
    %add3A_20 = arith.addf %div3A_15, %add3A_19 : vector<1024x256xf32>
    %max3A = arith.constant 0.000000e+00 : f32
    %max3A_21 = vector.broadcast %max3A : f32 to vector<1024x256xf32>
    %max3A_22 = arith.maximumf %add3A_20, %max3A_21 : vector<1024x256xf32>
    %get3A_23 = arith.constant 0 : index
    %get3A_24 = arith.constant 0 : index
    %get3A_25 = vector.load %arg5[%get3A_23, %get3A_24] : memref<256x256xf32, #tpu.memory_space<vmem>>, vector<256x256xf32>
    %dot_general3A = arith.constant dense<0.000000e+00> : vector<1024x256xf32>
    %dot_general3A_26 = tpu.matmul %max3A_22, %get3A_25, %dot_general3A {dimension_numbers = #tpu.dot_dimension_numbers<[1], [0], [0], [1], [0, 0, 1, 1], [], []>, transpose_lhs_hint = false} : vector<1024x256xf32>, vector<256x256xf32>, vector<1024x256xf32> -> vector<1024x256xf32>
    %slice3A = vector.extract_strided_slice %dot_general3A_26 {offsets = [0, 0], sizes = [1024, 128], strides = [1, 1]} : vector<1024x256xf32> to vector<1024x128xf32>
    %swap3A = arith.constant 0 : index
    %swap3A_27 = arith.constant 0 : index
    %swap3A_28 = arith.constant 0 : index
    %swap3A_29 = vector.load %arg8[%swap3A, %swap3A_27, %swap3A_28] : memref<2x1024x128xf32, #tpu.memory_space<vmem>>, vector<1x1024x128xf32>
    %swap3A_30 = vector.shape_cast %swap3A_29 : vector<1x1024x128xf32> to vector<1024x128xf32>
    %swap3A_31 = vector.shape_cast %slice3A : vector<1024x128xf32> to vector<1x1024x128xf32>
    tpu.vector_store %arg8[%swap3A, %swap3A_27, %swap3A_28], %swap3A_31 {strides = array<i32>} : memref<2x1024x128xf32, #tpu.memory_space<vmem>>, vector<1x1024x128xf32>,
    %slice3A_32 = vector.extract_strided_slice %dot_general3A_26 {offsets = [0, 128], sizes = [1024, 128], strides = [1, 1]} : vector<1024x256xf32> to vector<1024x128xf32>
    %swap3A_33 = arith.constant 1 : index
    %swap3A_34 = arith.constant 0 : index
    %swap3A_35 = arith.constant 0 : index
    %swap3A_36 = vector.load %arg8[%swap3A_33, %swap3A_34, %swap3A_35] : memref<2x1024x128xf32, #tpu.memory_space<vmem>>, vector<1x1024x128xf32>
    %swap3A_37 = vector.shape_cast %swap3A_36 : vector<1x1024x128xf32> to vector<1024x128xf32>
    %swap3A_38 = vector.shape_cast %slice3A_32 : vector<1024x128xf32> to vector<1x1024x128xf32>
    tpu.vector_store %arg8[%swap3A_33, %swap3A_34, %swap3A_35], %swap3A_38 {strides = array<i32>} : memref<2x1024x128xf32, #tpu.memory_space<vmem>>, vector<1x1024x128xf32>,
    %get3A_39 = arith.constant 0 : index
    %get3A_40 = vector.load %arg6[%get3A_39] : memref<256xf32, #tpu.memory_space<vmem>>, vector<256xf32>
    %broadcast_in_dim3A_41 = vector.shape_cast %get3A_40 : vector<256xf32> to vector<1x256xf32>
    %mul3A = vector.broadcast %broadcast_in_dim3A_41 : vector<1x256xf32> to vector<1024x256xf32>
    %mul3A_42 = arith.mulf %dot_general3A_26, %mul3A : vector<1024x256xf32>
    %reduce_sum3A_43 = arith.constant dense<0.000000e+00> : vector<1024xf32>
    %reduce_sum3A_44 = vector.multi_reduction <add>, %mul3A_42, %reduce_sum3A_43 [1] : vector<1024x256xf32> to vector<1024xf32>
    %get3A_45 = arith.constant 0 : index
    %get3A_46 = vector.load %arg7[%get3A_45] : memref<256xf32, #tpu.memory_space<vmem>>, vector<256xf32>
    %broadcast_in_dim3A_47 = vector.shape_cast %get3A_46 : vector<256xf32> to vector<1x256xf32>
    %mul3A_48 = vector.broadcast %broadcast_in_dim3A_47 : vector<1x256xf32> to vector<1024x256xf32>
    %mul3A_49 = arith.mulf %dot_general3A_26, %mul3A_48 : vector<1024x256xf32>
    %reduce_sum3A_50 = arith.constant dense<0.000000e+00> : vector<1024xf32>
    %reduce_sum3A_51 = vector.multi_reduction <add>, %mul3A_49, %reduce_sum3A_50 [1] : vector<1024x256xf32> to vector<1024xf32>
    %mul3A_52 = arith.constant 1024 : i32
    %mul3A_53 = arith.muli %arg0, %mul3A_52 : i32
    %swap3A_54 = arith.index_cast %mul3A_53 : i32 to index
    %swap3A_55 = vector.load %arg9[%swap3A_54] : memref<10240xf32, #tpu.memory_space<vmem>>, vector<1024xf32>
    tpu.vector_store %arg9[%swap3A_54], %reduce_sum3A_44 {strides = array<i32>} : memref<10240xf32, #tpu.memory_space<vmem>>, vector<1024xf32>,
    %swap3A_56 = arith.index_cast %mul3A_53 : i32 to index
    %swap3A_57 = vector.load %arg10[%swap3A_56] : memref<10240xf32, #tpu.memory_space<vmem>>, vector<1024xf32>
    tpu.vector_store %arg10[%swap3A_56], %reduce_sum3A_51 {strides = array<i32>} : memref<10240xf32, #tpu.memory_space<vmem>>, vector<1024xf32>,
    %add3A_58 = arith.addf %reduce_sum3A_44, %reduce_sum3A_51 : vector<1024xf32>
    %mul3A_59 = arith.constant 2.000000e-01 : f32
    %mul3A_60 = vector.broadcast %mul3A_59 : f32 to vector<1024xf32>
    %mul3A_61 = arith.mulf %mul3A_60, %add3A_58 : vector<1024xf32>
    %max3A_62 = arith.maximumf %add3A_58, %mul3A_61 : vector<1024xf32>
    %swap3A_63 = arith.index_cast %mul3A_53 : i32 to index
    %swap3A_64 = vector.load %arg11[%swap3A_63] : memref<10240xf32, #tpu.memory_space<vmem>>, vector<1024xf32>
    tpu.vector_store %arg11[%swap3A_63], %max3A_62 {strides = array<i32>} : memref<10240xf32, #tpu.memory_space<vmem>>, vector<1024xf32>,
    return
  }
  func.func @transform_0(%arg0: i32) -> (i32, i32) {
    %c0_i32 = arith.constant 0 : i32
    %c0_i32_0 = arith.constant 0 : i32
    return %c0_i32, %arg0 : i32, i32
  }
  func.func @transform_1(%arg0: i32) -> i32 {
    %c0_i32 = arith.constant 0 : i32
    %c0_i32_0 = arith.constant 0 : i32
    return %c0_i32 : i32
  }
  func.func @transform_2(%arg0: i32) -> (i32, i32, i32) {
    %c0_i32 = arith.constant 0 : i32
    %c0_i32_0 = arith.constant 0 : i32
    %c0_i32_1 = arith.constant 0 : i32
    return %c0_i32, %arg0, %c0_i32_0 : i32, i32, i32
  }
  func.func @transform_3(%arg0: i32) -> (i32, i32, i32) {
    %c1_i32 = arith.constant 1 : i32
    %c0_i32 = arith.constant 0 : i32
    %c0_i32_0 = arith.constant 0 : i32
    return %c1_i32, %arg0, %c0_i32 : i32, i32, i32
  }
  func.func @transform_4(%arg0: i32) -> (i32, i32) {
    %c0_i32 = arith.constant 0 : i32
    %c0_i32_0 = arith.constant 0 : i32
    %c0_i32_1 = arith.constant 0 : i32
    return %c0_i32, %c0_i32_0 : i32, i32
  }
  func.func @transform_5(%arg0: i32) -> i32 {
    %c0_i32 = arith.constant 0 : i32
    %c0_i32_0 = arith.constant 0 : i32
    return %c0_i32 : i32
  }
  func.func @transform_6(%arg0: i32) -> i32 {
    %c0_i32 = arith.constant 0 : i32
    %c0_i32_0 = arith.constant 0 : i32
    return %c0_i32 : i32
  }
  func.func @transform_7(%arg0: i32) -> (i32, i32, i32) {
    %c0_i32 = arith.constant 0 : i32
    %c0_i32_0 = arith.constant 0 : i32
    %c0_i32_1 = arith.constant 0 : i32
    return %c0_i32, %arg0, %c0_i32_0 : i32, i32, i32
  }
  func.func @transform_8(%arg0: i32) -> i32 {
    %c0_i32 = arith.constant 0 : i32
    %c0_i32_0 = arith.constant 0 : i32
    return %c0_i32 : i32
  }
  func.func @transform_9(%arg0: i32) -> i32 {
    %c0_i32 = arith.constant 0 : i32
    %c0_i32_0 = arith.constant 0 : i32
    return %c0_i32 : i32
  }
  func.func @transform_10(%arg0: i32) -> i32 {
    %c0_i32 = arith.constant 0 : i32
    %c0_i32_0 = arith.constant 0 : i32
    return %c0_i32 : i32
  }
}

module attributes {stable_mosaic.version = 14 : i64} {
  func.func @_head_body(%arg0: i32, %arg1: memref<1x1024x128xf32, #tpu.memory_space<vmem>>, %arg2: memref<1x1024x128xf32, #tpu.memory_space<vmem>>, %arg3: memref<16x1024xf32, #tpu.memory_space<vmem>>, %arg4: memref<256xf32, #tpu.memory_space<vmem>>, %arg5: memref<10240xi32, #tpu.memory_space<vmem>>, %arg6: memref<256x256xf32, #tpu.memory_space<vmem>>, %arg7: memref<256xf32, #tpu.memory_space<vmem>>, %arg8: memref<256x256xf32, #tpu.memory_space<vmem>>, %arg9: memref<256xf32, #tpu.memory_space<vmem>>, %arg10: memref<256x128xf32, #tpu.memory_space<vmem>>, %arg11: memref<128xf32, #tpu.memory_space<vmem>>, %arg12: memref<64x128xf32, #tpu.memory_space<vmem>>, %arg13: memref<64x256xf32, #tpu.memory_space<vmem>>, %arg14: memref<64xf32, #tpu.memory_space<vmem>>) attributes {dimension_semantics = [#tpu.dimension_semantics<arbitrary>], iteration_bounds = array<i64: 10>, scalar_prefetch = 0 : i64, scratch_operands = 2 : i64, tpu.core_type = #tpu.core_type<tc>, window_params = [{transform_indices = @transform_0, window_bounds = array<i64: 1, 1024, 128>}, {transform_indices = @transform_1, window_bounds = array<i64: 1, 1024, 128>}, {transform_indices = @transform_2, window_bounds = array<i64: 16, 1024>}, {pipeline_mode = #tpu.pipeline_mode<synchronous>, transform_indices = @transform_3, window_bounds = array<i64: 256>}, {pipeline_mode = #tpu.pipeline_mode<synchronous>, transform_indices = @transform_4, window_bounds = array<i64: 10240>}, {pipeline_mode = #tpu.pipeline_mode<synchronous>, transform_indices = @transform_5, window_bounds = array<i64: 256, 256>}, {pipeline_mode = #tpu.pipeline_mode<synchronous>, transform_indices = @transform_6, window_bounds = array<i64: 256>}, {pipeline_mode = #tpu.pipeline_mode<synchronous>, transform_indices = @transform_7, window_bounds = array<i64: 256, 256>}, {pipeline_mode = #tpu.pipeline_mode<synchronous>, transform_indices = @transform_8, window_bounds = array<i64: 256>}, {pipeline_mode = #tpu.pipeline_mode<synchronous>, transform_indices = @transform_9, window_bounds = array<i64: 256, 128>}, {pipeline_mode = #tpu.pipeline_mode<synchronous>, transform_indices = @transform_10, window_bounds = array<i64: 128>}, {pipeline_mode = #tpu.pipeline_mode<synchronous>, transform_indices = @transform_11, window_bounds = array<i64: 64, 128>}]} {
    %eq3A = arith.constant 0 : i32
    %eq3A_0 = arith.cmpi eq, %arg0, %eq3A : i32
    %convert_element_type3A = arith.extui %eq3A_0 : i1 to i32
    %cond3A = arith.constant 0 : i32
    %cond3A_1 = arith.cmpi ne, %convert_element_type3A, %cond3A : i32
    scf.if %cond3A_1 {
      %broadcast_in_dim3A_52 = arith.constant 0.000000e+00 : f32
      %broadcast_in_dim3A_53 = vector.broadcast %broadcast_in_dim3A_52 : f32 to vector<64x256xf32>
      %swap3A_54 = arith.constant 0 : index
      %swap3A_55 = arith.constant 0 : index
      %swap3A_56 = vector.load %arg13[%swap3A_54, %swap3A_55] : memref<64x256xf32, #tpu.memory_space<vmem>>, vector<64x256xf32>
      tpu.vector_store %arg13[%swap3A_54, %swap3A_55], %broadcast_in_dim3A_53 {strides = array<i32>} : memref<64x256xf32, #tpu.memory_space<vmem>>, vector<64x256xf32>,
      %broadcast_in_dim3A_57 = arith.constant 0.000000e+00 : f32
      %broadcast_in_dim3A_58 = vector.broadcast %broadcast_in_dim3A_57 : f32 to vector<64xf32>
      %swap3A_59 = arith.constant 0 : index
      %swap3A_60 = vector.load %arg14[%swap3A_59] : memref<64xf32, #tpu.memory_space<vmem>>, vector<64xf32>
      tpu.vector_store %arg14[%swap3A_59], %broadcast_in_dim3A_58 {strides = array<i32>} : memref<64xf32, #tpu.memory_space<vmem>>, vector<64xf32>,
    } else {
    }
    %get3A = arith.constant 0 : index
    %get3A_2 = arith.constant 0 : index
    %get3A_3 = arith.constant 0 : index
    %get3A_4 = vector.load %arg1[%get3A, %get3A_2, %get3A_3] : memref<1x1024x128xf32, #tpu.memory_space<vmem>>, vector<1x1024x128xf32>
    %get3A_5 = vector.shape_cast %get3A_4 : vector<1x1024x128xf32> to vector<1024x128xf32>
    %get3A_6 = arith.constant 0 : index
    %get3A_7 = arith.constant 0 : index
    %get3A_8 = arith.constant 0 : index
    %get3A_9 = vector.load %arg2[%get3A_6, %get3A_7, %get3A_8] : memref<1x1024x128xf32, #tpu.memory_space<vmem>>, vector<1x1024x128xf32>
    %get3A_10 = vector.shape_cast %get3A_9 : vector<1x1024x128xf32> to vector<1024x128xf32>
    %concatenate3A = tpu.concatenate %get3A_5, %get3A_10 in 1 : vector<1024x128xf32>, vector<1024x128xf32> -> vector<1024x256xf32>
    %get3A_11 = arith.constant 0 : index
    %get3A_12 = arith.constant 0 : index
    %get3A_13 = vector.load %arg3[%get3A_11, %get3A_12] : memref<16x1024xf32, #tpu.memory_space<vmem>>, vector<16x1024xf32>
    %reduce_sum3A = arith.constant dense<0.000000e+00> : vector<1024xf32>
    %reduce_sum3A_14 = vector.multi_reduction <add>, %get3A_13, %reduce_sum3A [0] : vector<16x1024xf32> to vector<1024xf32>
    %add3A = arith.constant 1.000000e+00 : f32
    %add3A_15 = vector.broadcast %add3A : f32 to vector<1024xf32>
    %add3A_16 = arith.addf %reduce_sum3A_14, %add3A_15 : vector<1024xf32>
    %broadcast_in_dim3A = vector.shape_cast %add3A_16 : vector<1024xf32> to vector<1024x1xf32>
    %div3A = vector.broadcast %broadcast_in_dim3A : vector<1024x1xf32> to vector<1024x256xf32>
    %div3A_17 = arith.divf %concatenate3A, %div3A : vector<1024x256xf32>
    %get3A_18 = arith.constant 0 : index
    %get3A_19 = vector.load %arg4[%get3A_18] : memref<256xf32, #tpu.memory_space<vmem>>, vector<256xf32>
    %broadcast_in_dim3A_20 = vector.shape_cast %get3A_19 : vector<256xf32> to vector<1x256xf32>
    %add3A_21 = vector.broadcast %broadcast_in_dim3A_20 : vector<1x256xf32> to vector<1024x256xf32>
    %add3A_22 = arith.addf %div3A_17, %add3A_21 : vector<1024x256xf32>
    %max3A = arith.constant 0.000000e+00 : f32
    %max3A_23 = vector.broadcast %max3A : f32 to vector<1024x256xf32>
    %max3A_24 = arith.maximumf %add3A_22, %max3A_23 : vector<1024x256xf32>
    %mul3A = arith.constant 1024 : i32
    %mul3A_25 = arith.muli %arg0, %mul3A : i32
    %get3A_26 = arith.index_cast %mul3A_25 : i32 to index
    %get3A_27 = vector.load %arg5[%get3A_26] : memref<10240xi32, #tpu.memory_space<vmem>>, vector<1024xi32>
    %iota3A = tpu.iota {dimensions = array<i32: 0>} : vector<64x1024xi32>
    %broadcast_in_dim3A_28 = vector.shape_cast %get3A_27 : vector<1024xi32> to vector<1x1024xi32>
    %eq3A_29 = vector.broadcast %broadcast_in_dim3A_28 : vector<1x1024xi32> to vector<64x1024xi32>
    %eq3A_30 = arith.cmpi eq, %iota3A, %eq3A_29 : vector<64x1024xi32>
    %convert_element_type3A_31 = arith.extui %eq3A_30 : vector<64x1024xi1> to vector<64x1024xi32>
    %convert_element_type3A_32 = arith.sitofp %convert_element_type3A_31 : vector<64x1024xi32> to vector<64x1024xf32>
    %get3A_33 = arith.constant 0 : index
    %get3A_34 = arith.constant 0 : index
    %get3A_35 = vector.load %arg13[%get3A_33, %get3A_34] : memref<64x256xf32, #tpu.memory_space<vmem>>, vector<64x256xf32>
    %dot_general3A = arith.constant dense<0.000000e+00> : vector<64x256xf32>
    %dot_general3A_36 = tpu.matmul %convert_element_type3A_32, %max3A_24, %dot_general3A {dimension_numbers = #tpu.dot_dimension_numbers<[1], [0], [0], [1], [0, 0, 1, 1], [], []>, transpose_lhs_hint = false} : vector<64x1024xf32>, vector<1024x256xf32>, vector<64x256xf32> -> vector<64x256xf32>
    %add3A_37 = arith.addf %get3A_35, %dot_general3A_36 : vector<64x256xf32>
    %swap3A = arith.constant 0 : index
    %swap3A_38 = arith.constant 0 : index
    %swap3A_39 = vector.load %arg13[%swap3A, %swap3A_38] : memref<64x256xf32, #tpu.memory_space<vmem>>, vector<64x256xf32>
    tpu.vector_store %arg13[%swap3A, %swap3A_38], %add3A_37 {strides = array<i32>} : memref<64x256xf32, #tpu.memory_space<vmem>>, vector<64x256xf32>,
    %get3A_40 = arith.constant 0 : index
    %get3A_41 = vector.load %arg14[%get3A_40] : memref<64xf32, #tpu.memory_space<vmem>>, vector<64xf32>
    %reduce_sum3A_42 = arith.constant dense<0.000000e+00> : vector<64xf32>
    %reduce_sum3A_43 = vector.multi_reduction <add>, %convert_element_type3A_32, %reduce_sum3A_42 [1] : vector<64x1024xf32> to vector<64xf32>
    %add3A_44 = arith.addf %get3A_41, %reduce_sum3A_43 : vector<64xf32>
    %swap3A_45 = arith.constant 0 : index
    %swap3A_46 = vector.load %arg14[%swap3A_45] : memref<64xf32, #tpu.memory_space<vmem>>, vector<64xf32>
    tpu.vector_store %arg14[%swap3A_45], %add3A_44 {strides = array<i32>} : memref<64xf32, #tpu.memory_space<vmem>>, vector<64xf32>,
    %eq3A_47 = arith.constant 9 : i32
    %eq3A_48 = arith.cmpi eq, %arg0, %eq3A_47 : i32
    %convert_element_type3A_49 = arith.extui %eq3A_48 : i1 to i32
    %cond3A_50 = arith.constant 0 : i32
    %cond3A_51 = arith.cmpi ne, %convert_element_type3A_49, %cond3A_50 : i32
    scf.if %cond3A_51 {
      %get3A_52 = arith.constant 0 : index
      %get3A_53 = arith.constant 0 : index
      %get3A_54 = vector.load %arg13[%get3A_52, %get3A_53] : memref<64x256xf32, #tpu.memory_space<vmem>>, vector<64x256xf32>
      %get3A_55 = arith.constant 0 : index
      %get3A_56 = vector.load %arg14[%get3A_55] : memref<64xf32, #tpu.memory_space<vmem>>, vector<64xf32>
      %max3A_57 = arith.constant 1.000000e+00 : f32
      %max3A_58 = vector.broadcast %max3A_57 : f32 to vector<64xf32>
      %max3A_59 = arith.maximumf %get3A_56, %max3A_58 : vector<64xf32>
      %broadcast_in_dim3A_60 = vector.shape_cast %max3A_59 : vector<64xf32> to vector<64x1xf32>
      %div3A_61 = vector.broadcast %broadcast_in_dim3A_60 : vector<64x1xf32> to vector<64x256xf32>
      %div3A_62 = arith.divf %get3A_54, %div3A_61 : vector<64x256xf32>
      %get3A_63 = arith.constant 0 : index
      %get3A_64 = arith.constant 0 : index
      %get3A_65 = vector.load %arg6[%get3A_63, %get3A_64] : memref<256x256xf32, #tpu.memory_space<vmem>>, vector<256x256xf32>
      %dot_general3A_66 = arith.constant dense<0.000000e+00> : vector<64x256xf32>
      %dot_general3A_67 = tpu.matmul %div3A_62, %get3A_65, %dot_general3A_66 {dimension_numbers = #tpu.dot_dimension_numbers<[1], [0], [0], [1], [0, 0, 1, 1], [], []>, transpose_lhs_hint = false} : vector<64x256xf32>, vector<256x256xf32>, vector<64x256xf32> -> vector<64x256xf32>
      %get3A_68 = arith.constant 0 : index
      %get3A_69 = vector.load %arg7[%get3A_68] : memref<256xf32, #tpu.memory_space<vmem>>, vector<256xf32>
      %broadcast_in_dim3A_70 = vector.shape_cast %get3A_69 : vector<256xf32> to vector<1x256xf32>
      %add3A_71 = vector.broadcast %broadcast_in_dim3A_70 : vector<1x256xf32> to vector<64x256xf32>
      %add3A_72 = arith.addf %dot_general3A_67, %add3A_71 : vector<64x256xf32>
      %max3A_73 = arith.constant 0.000000e+00 : f32
      %max3A_74 = vector.broadcast %max3A_73 : f32 to vector<64x256xf32>
      %max3A_75 = arith.maximumf %add3A_72, %max3A_74 : vector<64x256xf32>
      %get3A_76 = arith.constant 0 : index
      %get3A_77 = arith.constant 0 : index
      %get3A_78 = vector.load %arg8[%get3A_76, %get3A_77] : memref<256x256xf32, #tpu.memory_space<vmem>>, vector<256x256xf32>
      %dot_general3A_79 = arith.constant dense<0.000000e+00> : vector<64x256xf32>
      %dot_general3A_80 = tpu.matmul %max3A_75, %get3A_78, %dot_general3A_79 {dimension_numbers = #tpu.dot_dimension_numbers<[1], [0], [0], [1], [0, 0, 1, 1], [], []>, transpose_lhs_hint = false} : vector<64x256xf32>, vector<256x256xf32>, vector<64x256xf32> -> vector<64x256xf32>
      %get3A_81 = arith.constant 0 : index
      %get3A_82 = vector.load %arg9[%get3A_81] : memref<256xf32, #tpu.memory_space<vmem>>, vector<256xf32>
      %broadcast_in_dim3A_83 = vector.shape_cast %get3A_82 : vector<256xf32> to vector<1x256xf32>
      %add3A_84 = vector.broadcast %broadcast_in_dim3A_83 : vector<1x256xf32> to vector<64x256xf32>
      %add3A_85 = arith.addf %dot_general3A_80, %add3A_84 : vector<64x256xf32>
      %max3A_86 = arith.constant 0.000000e+00 : f32
      %max3A_87 = vector.broadcast %max3A_86 : f32 to vector<64x256xf32>
      %max3A_88 = arith.maximumf %add3A_85, %max3A_87 : vector<64x256xf32>
      %get3A_89 = arith.constant 0 : index
      %get3A_90 = arith.constant 0 : index
      %get3A_91 = vector.load %arg10[%get3A_89, %get3A_90] : memref<256x128xf32, #tpu.memory_space<vmem>>, vector<256x128xf32>
      %dot_general3A_92 = arith.constant dense<0.000000e+00> : vector<64x128xf32>
      %dot_general3A_93 = tpu.matmul %max3A_88, %get3A_91, %dot_general3A_92 {dimension_numbers = #tpu.dot_dimension_numbers<[1], [0], [0], [1], [0, 0, 1, 1], [], []>, transpose_lhs_hint = false} : vector<64x256xf32>, vector<256x128xf32>, vector<64x128xf32> -> vector<64x128xf32>
      %get3A_94 = arith.constant 0 : index
      %get3A_95 = vector.load %arg11[%get3A_94] : memref<128xf32, #tpu.memory_space<vmem>>, vector<128xf32>
      %broadcast_in_dim3A_96 = vector.shape_cast %get3A_95 : vector<128xf32> to vector<1x128xf32>
      %add3A_97 = vector.broadcast %broadcast_in_dim3A_96 : vector<1x128xf32> to vector<64x128xf32>
      %add3A_98 = arith.addf %dot_general3A_93, %add3A_97 : vector<64x128xf32>
      %swap3A_99 = arith.constant 0 : index
      %swap3A_100 = arith.constant 0 : index
      %swap3A_101 = vector.load %arg12[%swap3A_99, %swap3A_100] : memref<64x128xf32, #tpu.memory_space<vmem>>, vector<64x128xf32>
      tpu.vector_store %arg12[%swap3A_99, %swap3A_100], %add3A_98 {strides = array<i32>} : memref<64x128xf32, #tpu.memory_space<vmem>>, vector<64x128xf32>,
    } else {
    }
    return
  }
  func.func @transform_0(%arg0: i32) -> (i32, i32, i32) {
    %c0_i32 = arith.constant 0 : i32
    %c0_i32_0 = arith.constant 0 : i32
    %c0_i32_1 = arith.constant 0 : i32
    return %c0_i32, %arg0, %c0_i32_0 : i32, i32, i32
  }
  func.func @transform_1(%arg0: i32) -> (i32, i32, i32) {
    %c1_i32 = arith.constant 1 : i32
    %c0_i32 = arith.constant 0 : i32
    %c0_i32_0 = arith.constant 0 : i32
    return %c1_i32, %arg0, %c0_i32 : i32, i32, i32
  }
  func.func @transform_2(%arg0: i32) -> (i32, i32) {
    %c0_i32 = arith.constant 0 : i32
    %c0_i32_0 = arith.constant 0 : i32
    return %c0_i32, %arg0 : i32, i32
  }
  func.func @transform_3(%arg0: i32) -> i32 {
    %c0_i32 = arith.constant 0 : i32
    %c0_i32_0 = arith.constant 0 : i32
    return %c0_i32 : i32
  }
  func.func @transform_4(%arg0: i32) -> i32 {
    %c0_i32 = arith.constant 0 : i32
    %c0_i32_0 = arith.constant 0 : i32
    return %c0_i32 : i32
  }
  func.func @transform_5(%arg0: i32) -> (i32, i32) {
    %c0_i32 = arith.constant 0 : i32
    %c0_i32_0 = arith.constant 0 : i32
    %c0_i32_1 = arith.constant 0 : i32
    return %c0_i32, %c0_i32_0 : i32, i32
  }
  func.func @transform_6(%arg0: i32) -> i32 {
    %c0_i32 = arith.constant 0 : i32
    %c0_i32_0 = arith.constant 0 : i32
    return %c0_i32 : i32
  }
  func.func @transform_7(%arg0: i32) -> (i32, i32) {
    %c0_i32 = arith.constant 0 : i32
    %c0_i32_0 = arith.constant 0 : i32
    %c0_i32_1 = arith.constant 0 : i32
    return %c0_i32, %c0_i32_0 : i32, i32
  }
  func.func @transform_8(%arg0: i32) -> i32 {
    %c0_i32 = arith.constant 0 : i32
    %c0_i32_0 = arith.constant 0 : i32
    return %c0_i32 : i32
  }
  func.func @transform_9(%arg0: i32) -> (i32, i32) {
    %c0_i32 = arith.constant 0 : i32
    %c0_i32_0 = arith.constant 0 : i32
    %c0_i32_1 = arith.constant 0 : i32
    return %c0_i32, %c0_i32_0 : i32, i32
  }
  func.func @transform_10(%arg0: i32) -> i32 {
    %c0_i32 = arith.constant 0 : i32
    %c0_i32_0 = arith.constant 0 : i32
    return %c0_i32 : i32
  }
  func.func @transform_11(%arg0: i32) -> (i32, i32) {
    %c0_i32 = arith.constant 0 : i32
    %c0_i32_0 = arith.constant 0 : i32
    %c0_i32_1 = arith.constant 0 : i32
    return %c0_i32, %c0_i32_0 : i32, i32
  }
}

</mosaic_0001>

<sc_bundles>
// kernel: kernel.12.cloned.1.call-start
scs
__scs_entry_jumppad:
0x0: {  	(pc) =	sbr.rel $0x88, $3  }
0x1: {  	(tag) =	ssettag $0x0;
	lr =	simm.s32 $0x1  }
0x2: {  	[smem:$0x3F8C] =	sst lr;
	_ =	strace $0xD0000000  }
0x3: {  	_ = 	snop  }
0x4: {  	_ = 	snop  }
0x5: {  	_ = 	snop  }
0x6: {  	_ = 	snop  }
0x7: {  	_ = 	snop  }
__scs_overlays_trampoline_lowered:
0x8: {  	[smem:$0x3F9B] =	sst s0  }
0x9: {  	[smem:$0x3F9C] =	sst s1  }
0xa: {  	[smem:$0x3F9D] =	sst s2  }
0xb: {  	[smem:$0x3F9E] =	sst s3  }
0xc: {  	[smem:$0x3F9F] =	sst s4  }
0xd: {  	[smem:$0x3FA0] =	sst s5  }
0xe: {  	[smem:$0x3FA1] =	sst s6  }
0xf: {  	[smem:$0x3FA2] =	sst s7  }
0x10: {  	[smem:$0x3FA3] =	sst s8  }
0x11: {  	[smem:$0x3FA4] =	sst s9;
	s0 =	simm.s32 @!p0 $0x0  }
0x12: {  	s1 =	sld [smem:$0x3F8A];
	s0 =	simm.s32 @p0 $0x1  }
0x13: {  	[smem:$0x3FA5] =	sst s0;
	s0 =	simm.s32 @!p1 $0x0  }
0x14: {  	s2 =	sld [smem:$0x3F89];
	s0 =	simm.s32 @p1 $0x1  }
0x15: {  	[smem:$0x3FA6] =	sst s0;
	s0 =	simm.s32 @!p2 $0x0  }
0x16: {  	s3 =	sld [smem:$0x3FDB];
	s0 =	simm.s32 @p2 $0x1  }
0x17: {  	s4 =	simm.s32 $0x1BF5;
	[smem:$0x3FA8] =	sst s0  }
0x18: {  	s0 =	sld [smem:$0x3F8B];
	_ =	swait.ge [sflag:s4], $0x0  }
0x19: {  	s7 =	sld [smem:$0x3F8C]  }
0x1a: {  	s8 =	sadd.s32 $0xFFFFE003, lr  }
0x1b: {  	s9 =	sadd.s32 $0xFFFFFEF7, lr;
	s5 =	simm.s32 $0xFFFFFFFF;
	p2 =	slt.u32 s8, $0xFFFFF086  }
0x1c: {  	p1 =	slt.u32 s9, $0xF7A;
	s5 =	simm.s32 @!p2 $0x0  }
0x1d: {  	s5 =	simm.s32 @p1 $0x1;
	p0 =	seq.s32 s7, s2  }
0x1e: {  	s7 =	smul.u32 @!p0 $0xF7A, s2;
	p2 =	seq.s32 @!p0 s5, $0x0  }
0x1f: {  	s9 =	smul.u32 $0xF7A, s1;
	s8 =	simm.s32 @!p0 $0x1BF5;
	p2 =	por !p2, p0  }
0x20: {  	[sflag:s8] =	ssyncset.s32 @!p0 $0xFFFFF086;
	s6 =	sadd.s32 @!p0 s3, s7;
	s7 =	simm.s32 @!p0 $0x108  }
0x21: {  	s3 =	sadd.s32 s3, s9;
	s6 =	sadd.s32 @!p0 $0x88, s6;
	s7 =	simm.s32 @p2 $0x1082  }
0x22: {  	[simem:s7], [sflag:s8] =	dma.local @!p0 [hbm:s6], $0xF7A  }
0x23: {  	s9 =	sor.u32 $0xD0000000, s2;
	s6 =	simm.s32 $0x108;
	_ =	swait.ge @!p0 [sflag:s8], $0x0  }
0x24: {  	s3 =	sadd.s32 $0x88, s3;
	s6 =	simm.s32 @!p1 $0x1082;
	[sflag:s4] =	ssyncset.s32 $0xFFFFF086  }
0x25: {  	[simem:s6], [sflag:s4] =	dma.local [hbm:s3], $0xF7A  }
0x26: {  	[smem:$0x3F8C] =	sst s1;
	(tag) =	ssettag s2;
	_ =	strace s9  }
0x27: {  	s1 =	sld [smem:$0x3F9C]  }
0x28: {  	s2 =	sld [smem:$0x3F9D]  }
0x29: {  	s4 =	sld [smem:$0x3F9F]  }
0x2a: {  	p0 =	seq.s32 s5, $0x0;
	s5 =	sld [smem:$0x3FA0]  }
0x2b: {  	s6 =	sld [smem:$0x3FA1]  }
0x2c: {  	s7 =	sld [smem:$0x3FA2]  }
0x2d: {  	s3 =	simm.s32 $0x108;
	s8 =	sld [smem:$0x3FA3]  }
0x2e: {  	s3 =	simm.s32 @!p0 $0x1082;
	s9 =	sld [smem:$0x3FA4]  }
0x2f: {  	lr =	sadd.s32 s0, s3;
	s0 =	sld [smem:$0x3F9B]  }
0x30: {  	s3 =	sld [smem:$0x3F9E]  }
0x31: {  	[smem:$0x3FA7] =	sst s10  }
0x32: {  	s10 =	sld [smem:$0x3FA5];
	_ =	sdelay $0x3  }
0x33: {  	p0 =	seq.s32 s10, $0x1;
	s10 =	sld [smem:$0x3FA7];
	_ =	sdelay $0x3  }
0x34: {  	[smem:$0x3FA7] =	sst s10  }
0x35: {  	s10 =	sld [smem:$0x3FA6];
	_ =	sdelay $0x3  }
0x36: {  	p1 =	seq.s32 s10, $0x1;
	s10 =	sld [smem:$0x3FA7];
	_ =	sdelay $0x3  }
0x37: {  	[smem:$0x3FA7] =	sst s10  }
0x38: {  	s10 =	sld [smem:$0x3FA8]  }
0x39: {  	_ = 	snop;
	(pc) =	sbr.ind lr, $3  }
0x3a: {  	_ = 	snop  }
0x3b: {  	_ = 	snop  }
0x3c: {  	p2 =	seq.s32 s10, $0x1;
	s10 =	sld [smem:$0x3FA7]  }
0x3d: {  	_ =	shalt  }
0x3e: {  	_ =	shalt  }
0x3f: {  	_ =	shalt  }
0x40: {  	_ =	shalt  }
0x41: {  	_ =	shalt  }
0x42: {  	_ =	shalt  }
0x43: {  	_ =	shalt  }
0x44: {  	_ =	shalt  }
0x45: {  	_ =	shalt  }
0x46: {  	_ =	shalt  }
0x47: {  	_ =	shalt  }
0x48: {  	_ =	shalt  }
0x49: {  	_ =	shalt  }
0x4a: {  	_ =	shalt  }
0x4b: {  	_ =	shalt  }
0x4c: {  	_ =	shalt  }
0x4d: {  	_ =	shalt  }
0x4e: {  	_ =	shalt  }
0x4f: {  	_ =	shalt  }
0x50: {  	_ =	shalt  }
0x51: {  	_ =	shalt  }
0x52: {  	_ =	shalt  }
0x53: {  	_ =	shalt  }
0x54: {  	_ =	shalt  }
0x55: {  	_ =	shalt  }
0x56: {  	_ =	shalt  }
0x57: {  	_ =	shalt  }
0x58: {  	_ =	shalt  }
0x59: {  	_ =	shalt  }
0x5a: {  	_ =	shalt  }
0x5b: {  	_ =	shalt  }
0x5c: {  	_ =	shalt  }
0x5d: {  	_ =	shalt  }
0x5e: {  	_ =	shalt  }
0x5f: {  	_ =	shalt  }
0x60: {  	_ =	shalt  }
0x61: {  	_ =	shalt  }
0x62: {  	_ =	shalt  }
0x63: {  	_ =	shalt  }
0x64: {  	_ =	shalt  }
0x65: {  	_ =	shalt  }
0x66: {  	_ =	shalt  }
0x67: {  	_ =	shalt  }
0x68: {  	_ =	shalt  }
0x69: {  	_ =	shalt  }
0x6a: {  	_ =	shalt  }
0x6b: {  	_ =	shalt  }
0x6c: {  	_ =	shalt  }
0x6d: {  	_ =	shalt  }
0x6e: {  	_ =	shalt  }
0x6f: {  	_ =	shalt  }
0x70: {  	_ =	shalt  }
0x71: {  	_ =	shalt  }
0x72: {  	_ =	shalt  }
0x73: {  	_ =	shalt  }
0x74: {  	_ =	shalt  }
0x75: {  	_ =	shalt  }
0x76: {  	_ =	shalt  }
0x77: {  	_ =	shalt  }
0x78: {  	_ =	shalt  }
0x79: {  	_ =	shalt  }
0x7a: {  	_ =	shalt  }
0x7b: {  	_ =	shalt  }
0x7c: {  	_ =	shalt  }
0x7d: {  	_ =	shalt  }
0x7e: {  	_ =	shalt  }
0x7f: {  	_ =	shalt  }
0x80: {  	_ =	shalt  }
0x81: {  	_ =	shalt  }
0x82: {  	_ =	shalt  }
0x83: {  	_ =	shalt  }
0x84: {  	_ =	shalt  }
0x85: {  	_ =	shalt  }
0x86: {  	_ =	shalt  }
0x87: {  	_ =	shalt  }
.Lfunc_end0:
.L_simem_size_0:
called_computation.1_lowered:
.L_overlay_start_0:
0x88: {  	s2 =	sld [smem:$0x3FD9]  }
0x89: {  	s3 =	sld [smem:$0x3FFE];
	_ =	sdelay $0x1  }
0x8a: {  	s1 =	srdreg.scid  }
0x8b: {  	s0 =	sand.u32 $0x1, s1  }
0x8c: {  	s16 =	sshll.u32 s0, $0xA;
	s2 =	sadd.s32 s3, s2  }
0x8d: {  	s2 =	sadd.s32 s2, s16  }
0x8e: {  	[smem:$0x3FB3] =	sst s2  }
0x8f: {  	_ = 	snop  }
0x90: {  	(tm) =	ssettm $0x1  }
0x91: {  	s17 =	sld [smem:$0x3FFB];
	_ =	sdelay $0x3  }
0x92: {  	_ =	strace s17  }
0x93: {  	s2 =	sld [smem:$0x3FFC];
	_ =	sdelay $0x3  }
0x94: {  	_ =	strace s2  }
0x95: {  	s2 =	sld [smem:$0x3FFD];
	_ =	sdelay $0x3  }
0x96: {  	_ =	strace s2  }
0x97: {  	_ =	strace $0x8FFFFFFF  }
0x98: {  	s18 =	sld [smem:$0x3FDB];
	_ =	sdelay $0x1  }
0x99: {  	s19 =	simm.s32 $_scs_section_size  }
0x9a: {  	s4 =	simm.s32 $_size__tile_overlayer_lowered;
	s5 =	simm.s32 $_tile_overlayer_lowered  }
0x9b: {  	s22 =	simm.s32 $0x1BFF;
	s21 =	sshll.u32 s5, $0x1;
	s2 =	sadd.s32 s19, s18  }
0x9c: {  	s6 =	simm.s32 $0x0;
	s20 =	sshll.u32 s4, $0x1;
	s4 =	sadd.s32 s21, s2  }
0x9d: {  	[timem:s6], [sflag:s22] =	dma.local [hbm:s4], s20  }
0x9e: {  	_ =	swait.ge [sflag:s22], s20  }
0x9f: {  	s3 =	ssub.s32 $0x0, s20;
	[sflag:s22] =	ssyncset.done $0x0  }
0xa0: {  	[sflag:s22] =	ssyncadd.s32 s3;
	_ =	sdelay $0x1  }
0xa1: {  	s23 =	simm.s32 $0x1B8B  }
0xa2: {  	_ =	swait.ge [sflag:s23], $0x1  }
0xa3: {  	[sflag:s23] =	ssyncset.done $0x0  }
0xa4: {  	s25 =	simm.s32 $0x1B8E;
	s24 =	sld [smem:$0x3FFE];
	[sflag:s23] =	ssyncadd.s32 $0xFFFFFFFF  }
0xa5: {  	s26 =	simm.s32 $execute0_lowered;
	[smem:$0x3FD2] =	sst s25  }
0xa6: {  	s4 =	sshll.u32 s26, $0x1;
	_ =	strace $0x80000049;
	[dreg:$0x1] =	wrdreg $0xFFFFFFFF  }
0xa7: {  	s28 =	simm.s32 $_size_execute0_lowered;
	s2 =	sadd.s32 s2, s4;
	[dreg:$0x0] =	wrdreg $0x0  }
0xa8: {  	s4 =	sshll.u32 s28, $0x1;
	[dreg:$0x2] =	wrdreg s2  }
0xa9: {  	[dreg:$0x3] =	wrdreg s4  }
0xaa: {  	[dreg:$0x4] =	wrdreg $0xC0  }
0xab: {  	_ =	task [dreg:s6], $0x5FFFF  }
0xac: {  	[dreg:$0x1] =	wrdreg $0xFFFFFFFF  }
0xad: {  	[dreg:$0x0] =	wrdreg $0x60  }
0xae: {  	[dreg:$0x2] =	wrdreg s24  }
0xaf: {  	[dreg:$0x3] =	wrdreg $0xB2000  }
0xb0: {  	[dreg:$0x4] =	wrdreg $0x9  }
0xb1: {  	_ =	task.clear_ibuf [dreg:s6], $0x5FFFF;
	_ =	strace $0x90000049  }
0xb2: {  	s29 =	simm.s32 $0x9;
	_ =	strace $0x8000004B  }
0xb3: {  	_ =	swait.ge [sflag:s29], $0x1  }
0xb4: {  	[sflag:s29] =	ssyncadd.s32 $0xFFFFFFFF  }
0xb5: {  	_ =	strace $0x9000004B  }
0xb6: {  	_ =	sfence  }
0xb7: {  	s30 =	sld [smem:$0x0];
	_ =	sdelay $0x2  }
0xb8: {  	s31 =	sshll.u32 s1, $0xD;
	s1 =	sshrl.u32 s1, $0x2  }
0xb9: {  	s3 =	sand.u32 $0x4000, s31;
	s1 =	sadd.s32 s1, s30  }
0xba: {  	s0 =	sor.u32 s3, s0;
	s1 =	sshll.u32 s1, $0x11  }
0xbb: {  	s0 =	sor.u32 s1, s0  }
0xbc: {  	s0 =	sadd.s32 $0x8F2B, s0  }
0xbd: {  	[sflag:s0] =	ssyncadd.remote.s32 $0x1  }
0xbe: {  	_ =	sfence.sel $0xFFFF  }
0xbf: {  	[dreg:$0x0] =	wrdreg $0xFFFFFFFF;
	(pc) =	sbr.abs _section_cstart, $3  }
0xc0: {  	[dreg:$0x1] =	wrdreg $0xFFFFFFFF  }
0xc1: {  	_ =	task.clear_ibuf [dreg:s6], $0x2FFFF;
	_ =	strace $0x9FFFFFFF  }
0xc2: {  	(tm) =	ssettm $0x7FFFFFFF  }
0xc3: {  	_ =	shalt  }
tec
execute0_lowered:
.L_overlay_start_1:
0x0: {  	(tag) =	ssettag $0x1  }
0x1: {  	s0 =	rddreg [dreg:$0x0]  }
0x2: {  	s1 =	rddreg [dreg:$0x1];
	s2 =	simm.s32 $0x0;
	s3 =	srdreg.scid  }
0x3: {  	s18 =	stileid.u32;
	s16 =	simm.s32 $0x2800;
	s17 =	simm.s32 $0x5000  }
0x4: {  	s20 =	simm.s32 $0xA000;
	s21 =	simm.s32 $0xA100;
	s22 =	simm.s32 $0x7800  }
0x5: {  	s23 =	simm.s32 $0x20;
	s28 =	simm.s32 $0xA180;
	s29 =	simm.s32 $0x0  }
0x6: {  	s30 =	simm.s32 $0x0;
	[smem:$0x7FF] =	sst s2;
	s8 =	smul.u32 $0x50000, s18  }
0x7: {  	s3 =	sand.u32 $0x1, s3;
	s4 =	sadd.s32 $0xEA00, s0;
	s10 =	smul.u32 $0x280, s18  }
0x8: {  	s5 =	sadd.s32 $0x4C00, s0;
	s6 =	sadd.s32 $0x18800, s0;
	s14 =	smul.u32 $0x14000, s18  }
0x9: {  	s9 =	sadd.s32 $0x68800, s0;
	s24 =	sadd.s32 $0x68E00, s0;
	s26 =	smul.u32 $0x500, s18  }
0xa: {  	s31 =	sshll.u32 s18, $0x6;
	_ =	strace $0x8000004A;
	[dreg:$0x3] =	wrdreg s9  }
0xb: {  	s7 =	smul.u32 $0x2800, s3;
	[dreg:$0x4] =	wrdreg s24;
	s9 =	sadd.s32 $0x69400, s0  }
0xc: {  	s11 =	ssub.s32 $0x2, s3;
	s12 =	smul.u32 $0x168000, s3;
	s0 =	sadd.s32 $0x69A00, s0  }
0xd: {  	p0 =	sne.s32 s3, $0x0;
	s24 =	simm.s32 $0xA080;
	s13 =	sshrl.u32 s11, $0x1  }
0xe: {  	s8 =	sshrl.u32 s8, $0x2;
	s15 =	ssub.s32 s11, s13;
	s10 =	sadd.s32 s10, s7  }
0xf: {  	s25 =	sadd.s32 s14, s12;
	s8 =	sadd.s32 s8, s1;
	s11 =	smul.u32 $0x4E20, s18  }
0x10: {  	s18 =	sor.u32 $0x1C02, s31;
	s10 =	sshll.u32 s10, $0x4;
	s12 =	sshrl.u32 s25, $0x3  }
0x11: {  	s14 =	smax.u32 s15, $0x1;
	s15 =	simm.s32 $0x2;
	s19 =	sshrl.u32 s8, $0x3  }
0x12: {  	s25 =	simm.s32 $0xA200;
	s12 =	sadd.s32 s0, s12;
	s0 =	sadd.s32 s26, s0  }
0x13: {  	v1 =	vimm.f32 $0.0e+00;
	v0 =	vmov s7;
	s10 =	sadd.s32 s6, s10;
	s26 =	simm.s32 $0x1;
	s13 =	sadd.s32 $0x28000, s0  }
.LBB2_1:
0x14: {  	s0 =	rddreg [dreg:$0x3]  }
0x15: {  	[tilespmem:s2], [sflag:$0x2] =	stream.linear.gather [hbm4b:s0+s2], $0x2800, $0x38;
	[tilespmem:$0x1F200] =	vst v63  }
0x16: {  	_ =	swait.ge [sflag:s15], $0x2800  }
0x17: {  	[sflag:s15] =	ssyncset.done $0x0  }
0x18: {  	s31 =	rddreg [dreg:$0x4];
	[sflag:s15] =	ssyncadd.s32 $0xFFFFD800  }
0x19: {  	[tilespmem:s16], [sflag:$0x2] =	stream.linear.gather [hbm4b:s31+s2], $0x2800, $0x38;
	[tilespmem:$0x1F200] =	vst v63  }
0x1a: {  	_ =	swait.ge [sflag:s15], $0x2800  }
0x1b: {  	[sflag:s15] =	ssyncset.done $0x0  }
0x1c: {  	[sflag:s15] =	ssyncadd.s32 $0xFFFFD800  }
0x1d: {  	[tilespmem:s17], [sflag:$0x2] =	stream.linear.gather [hbm4b:s9+s2], $0x2800, $0x38;
	[tilespmem:$0x1F200] =	vst v63  }
0x1e: {  	_ =	swait.ge [sflag:s15], $0x2800  }
0x1f: {  	[sflag:s15] =	ssyncset.done $0x0  }
0x20: {  	[sflag:s15] =	ssyncadd.s32 $0xFFFFD800  }
0x21: {  	[spmem:s19], [sflag:s18] =	dma.local [hbm:s10], $0x2800  }
0x22: {  	_ =	swait.ge [sflag:s15], $0x2800  }
0x23: {  	[sflag:s15] =	ssyncset.done $0x0  }
0x24: {  	s3 =	simm.s32 $0x200;
	s0 =	simm.s32 $0x0;
	[sflag:s15] =	ssyncadd.s32 $0xFFFFD800  }
.LBB2_2:
0x25: {  	p1 =	sne.s32 s3, $0x9E00;
	[tilespmem:s0+$0x7870] =	vst v1  }
0x26: {  	[tilespmem:s0+$0x7800] =	vst v1  }
0x27: {  	[tilespmem:s0+$0x7810] =	vst v1  }
.Ltmp0:
0x28: {  	[tilespmem:s0+$0x7820] =	vst v1;
	(pc) =	sbr.rel @p1 .LBB2_2-.Ltmp0, $4  }
0x29: {  	[tilespmem:s0+$0x7830] =	vst v1  }
0x2a: {  	[tilespmem:s0+$0x7840] =	vst v1  }
0x2b: {  	[tilespmem:s0+$0x7850] =	vst v1  }
0x2c: {  	[tilespmem:s0+$0x7860] =	vst v1;
	s0 =	sshra.s32 s3, $0x2;
	s3 =	sadd.s32 $0x200, s3  }
0x2d: {  	[tilespmem:s0+$0x7870] =	vst v1  }
0x2e: {  	[tilespmem:s0+$0x7800] =	vst v1  }
0x2f: {  	[tilespmem:s0+$0x7810] =	vst v1  }
0x30: {  	[tilespmem:s0+$0x7820] =	vst v1  }
0x31: {  	[tilespmem:s0+$0x7830] =	vst v1  }
0x32: {  	[tilespmem:s0+$0x7840] =	vst v1  }
0x33: {  	[tilespmem:s0+$0x7850] =	vst v1  }
0x34: {  	[tilespmem:s0+$0x7860] =	vst v1  }
0x35: {  	s31 =	simm.s32 $0x0;
	[bflag:$0x0] =	sbarrier.arrive $0xFFFF  }
.LBB2_4:
0x36: {  	s0 =	sshll.u32 s31, $0x5  }
0x37: {  	s0 =	sadd.s32 s11, s0  }
0x38: {  	s0 =	sshrl.u32 s0, $0x3  }
0x39: {  	s3 =	sadd.s32 s4, s0  }
0x3a: {  	[tilespmem:s20], [sflag:$0x2] =	stream.linear.gather [hbm4b:s3+s30], $0x20, $0x38;
	[tilespmem:$0x1F200] =	vst v63  }
0x3b: {  	_ =	swait.ge [sflag:s15], $0x20  }
0x3c: {  	[sflag:s15] =	ssyncset.done $0x0  }
0x3d: {  	s0 =	sadd.s32 s5, s0;
	[sflag:s15] =	ssyncadd.s32 $0xFFFFFFE0  }
0x3e: {  	[tilespmem:s21], [sflag:$0x2] =	stream.linear.gather [hbm4b:s0+s30], $0x20, $0x38;
	[tilespmem:$0x1F200] =	vst v63  }
0x3f: {  	_ =	swait.ge [sflag:s15], $0x20  }
0x40: {  	[sflag:s15] =	ssyncset.done $0x0  }
0x41: {  	[sflag:s15] =	ssyncadd.s32 $0xFFFFFFE0  }
0x42: {  	v2 =	vld [tilespmem:$0xA000]  }
0x43: {  	v3 =	vld [tilespmem:$0xA100];
	_ =	sdelay $0x4  }
0x44: {  	v4 =	vadd.s32 v0, v2  }
0x45: {  	[tilespmem:$0xA080] =	vst v4  }
0x46: {  	v2 =	vld.idx.msk [tilespmem:v2+s30+$0x0], $0xffff  }
0x47: {  	v4 =	vld.idx.msk [tilespmem:v3+s16+$0x0], $0xffff;
	_ =	sdelay $0x4  }
0x48: {  	v5 =	vld.idx.msk [tilespmem:v3+s17+$0x0], $0xffff;
	v2 =	vadd.f32 v4, v2;
	_ =	sdelay $0x1  }
0x49: {  	v4 =	vmul.f32 $2.000000030e-01, v2;
	_ =	sdelay $0x1  }
0x4a: {  	v2 =	vmax.f32 v2, v4  }
0x4b: {  	v2 =	vsub.f32 v2, v5;
	_ =	sdelay $0x1  }
0x4c: {  	v2 =	vmul.f32 $1.442695020e+00, v2;
	_ =	sdelay $0x1  }
0x4d: {  	(erf) = vpow2.f32 v2;
	_ =	sdelay $0x8  }
0x4e: {  	v2 =	vpop (erf)  }
0x4f: {  	[tilespmem:$0xA180] =	vst v2  }
0x50: {  	[tilespmem:v3+s22+$0x0] =	vst.idx.add.f32.msk $0xffff, v2  }
0x51: {  	v2 =	vld [tilespmem:$0xA010]  }
0x52: {  	v3 =	vld [tilespmem:$0xA110];
	_ =	sdelay $0x4  }
0x53: {  	v4 =	vadd.s32 v0, v2  }
0x54: {  	[tilespmem:$0xA090] =	vst v4  }
0x55: {  	v2 =	vld.idx.msk [tilespmem:v2+s30+$0x0], $0xffff  }
0x56: {  	v4 =	vld.idx.msk [tilespmem:v3+s16+$0x0], $0xffff;
	_ =	sdelay $0x4  }
0x57: {  	v5 =	vld.idx.msk [tilespmem:v3+s17+$0x0], $0xffff;
	v2 =	vadd.f32 v4, v2;
	_ =	sdelay $0x1  }
0x58: {  	v4 =	vmul.f32 $2.000000030e-01, v2;
	_ =	sdelay $0x1  }
0x59: {  	v2 =	vmax.f32 v2, v4  }
0x5a: {  	v2 =	vsub.f32 v2, v5;
	_ =	sdelay $0x1  }
0x5b: {  	v2 =	vmul.f32 $1.442695020e+00, v2;
	_ =	sdelay $0x1  }
0x5c: {  	(erf) = vpow2.f32 v2;
	_ =	sdelay $0x8  }
0x5d: {  	v2 =	vpop (erf)  }
0x5e: {  	[tilespmem:$0xA190] =	vst v2  }
0x5f: {  	[tilespmem:v3+s22+$0x0] =	vst.idx.add.f32.msk $0xffff, v2;
	v2 =	vmov s30  }
0x60: {  	v2 =	vand.u32 $0xFFFFFFFE, v2  }
0x61: {  	v3 =	vbroadcast v2, $0x0  }
0x62: {  	[tilespmem:s25], [sflag:$0x1] =	stream.indirect.gather [hbm4b:s6+s23], $0x80, s24, s23, $0xb8;
	[tilespmem:$0x1F200] =	vst v63  }
0x63: {  	_ =	swait.ge [sflag:s26], $0x1000  }
0x64: {  	[sflag:s26] =	ssyncset.done $0x0  }
0x65: {  	s0 =	simm.s32 $0xA280;
	[sflag:s26] =	ssyncadd.s32 $0xFFFFF000  }
0x66: {  	v6 =	vld [tilespmem:s0+$0xFFFFFFF0]  }
0x67: {  	v7 =	vld.idx.msk [tilespmem:v3+s28+$0x0], $0xffff  }
0x68: {  	v8 =	vld [tilespmem:s0+$0xFFFFFF80]  }
0x69: {  	v9 =	vld [tilespmem:s0+$0xFFFFFFA0]  }
0x6a: {  	v5 =	vld [tilespmem:s0+$0xFFFFFFB0]  }
0x6b: {  	v4 =	vld [tilespmem:s0+$0xFFFFFFD0]  }
0x6c: {  	v11 =	vld [tilespmem:s0+$0xFFFFFF90];
	v6 =	vmul.f32 v6, v7  }
0x6d: {  	v10 =	vld [tilespmem:s0+$0xFFFFFFE0];
	v8 =	vmul.f32 v8, v7  }
0x6e: {  	v12 =	vld [tilespmem:s0+$0xFFFFFFC0];
	v9 =	vmul.f32 v9, v7;
	[tilespmem:s0+$0xFFFFFFF0] =	vst v6  }
0x6f: {  	v5 =	vmul.f32 v5, v7;
	[tilespmem:s0+$0xFFFFFF80] =	vst v8  }
0x70: {  	s8 =	simm.s32 $0x1;
	v4 =	vmul.f32 v4, v7;
	[tilespmem:s0+$0xFFFFFFA0] =	vst v9  }
0x71: {  	v6 =	vmul.f32 v11, v7;
	[tilespmem:s0+$0xFFFFFFB0] =	vst v5;
	v8 =	vmov s8  }
0x72: {  	v2 =	vld [tilespmem:s0+$0x0];
	v5 =	vmul.f32 v10, v7;
	[tilespmem:s0+$0xFFFFFFD0] =	vst v4  }
0x73: {  	v3 =	vld [tilespmem:s0+$0x10];
	v4 =	vmul.f32 v12, v7;
	[tilespmem:s0+$0xFFFFFF90] =	vst v6  }
0x74: {  	[tilespmem:s0+$0xFFFFFFE0] =	vst v5;
	v6 =	vld [tilespmem:s0+$0x30]  }
0x75: {  	[tilespmem:s0+$0xFFFFFFC0] =	vst v4;
	v5 =	vld [tilespmem:s0+$0x70]  }
0x76: {  	s7 =	simm.s32 $0xA280;
	s3 =	simm.s32 $0x2;
	v4 =	vld.idx.msk [tilespmem:v8+s28+$0x0], $0xffff  }
.LBB2_5:
0x77: {  	p1 =	slt.u32 s3, $0x1E  }
0x78: {  	v7 =	vld [tilespmem:s0+$0x20];
	s7 =	sadd.s32 $0x100, s7;
	s8 =	smov.u32 s3;
	s3 =	sadd.s32 $0x2, s3  }
0x79: {  	v8 =	vld [tilespmem:s0+$0x40]  }
0x7a: {  	v9 =	vld [tilespmem:s0+$0x50]  }
0x7b: {  	v10 =	vld [tilespmem:s0+$0x60];
	_ =	sdelay $0x1  }
0x7c: {  	v2 =	vmul.f32 v2, v4;
	v3 =	vmul.f32 v3, v4  }
0x7d: {  	v6 =	vmul.f32 v6, v4;
	v7 =	vmul.f32 v7, v4  }
0x7e: {  	v11 =	vmov s8;
	v8 =	vmul.f32 v8, v4;
	[tilespmem:s0+$0x0] =	vst v2;
	v9 =	vmul.f32 v9, v4  }
0x7f: {  	v11 =	vand.u32 $0xFFFFFFFE, v11;
	v2 =	vld [tilespmem:s7+$0x0];
	[tilespmem:s0+$0x30] =	vst v6;
	v6 =	vmul.f32 v10, v4;
	v4 =	vmul.f32 v5, v4  }
0x80: {  	v5 =	vbroadcast v11, $0x0;
	[tilespmem:s0+$0x10] =	vst v3  }
0x81: {  	[tilespmem:s0+$0x70] =	vst v4  }
0x82: {  	v4 =	vld [tilespmem:s7+$0xFFFFFFD0];
	[tilespmem:s0+$0x20] =	vst v7  }
0x83: {  	v7 =	vld [tilespmem:s7+$0xFFFFFFB0];
	[tilespmem:s0+$0x60] =	vst v6  }
0x84: {  	v6 =	vld [tilespmem:s7+$0xFFFFFFE0];
	[tilespmem:s0+$0x40] =	vst v8  }
0x85: {  	v8 =	vld [tilespmem:s7+$0xFFFFFFF0];
	[tilespmem:s0+$0x50] =	vst v9;
	s0 =	smov.u32 s7  }
0x86: {  	v5 =	vld.idx.msk [tilespmem:v5+s28+$0x0], $0xffff  }
0x87: {  	v9 =	vld [tilespmem:s7+$0xFFFFFF80]  }
0x88: {  	v10 =	vld [tilespmem:s7+$0xFFFFFFA0]  }
0x89: {  	v11 =	vld [tilespmem:s7+$0xFFFFFF90]  }
0x8a: {  	v12 =	vld [tilespmem:s7+$0xFFFFFFC0]  }
0x8b: {  	v3 =	vld [tilespmem:s7+$0x10]  }
0x8c: {  	v8 =	vmul.f32 v8, v5;
	v9 =	vmul.f32 v9, v5  }
0x8d: {  	v6 =	vmul.f32 v6, v5;
	v10 =	vmul.f32 v10, v5  }
0x8e: {  	v7 =	vmul.f32 v7, v5;
	v11 =	vmul.f32 v11, v5;
	[tilespmem:s7+$0xFFFFFFF0] =	vst v8  }
0x8f: {  	v4 =	vmul.f32 v4, v5;
	[tilespmem:s7+$0xFFFFFF80] =	vst v9;
	v8 =	vmul.f32 v12, v5  }
0x90: {  	s8 =	sadd.s32 $0x1, s8;
	[tilespmem:s7+$0xFFFFFFA0] =	vst v10  }
0x91: {  	[tilespmem:s7+$0xFFFFFFB0] =	vst v7;
	v7 =	vmov s8  }
.Ltmp1:
0x92: {  	[tilespmem:s7+$0xFFFFFFD0] =	vst v4;
	(pc) =	sbr.rel @p1 .LBB2_5-.Ltmp1, $4  }
0x93: {  	[tilespmem:s7+$0xFFFFFF90] =	vst v11  }
0x94: {  	[tilespmem:s7+$0xFFFFFFE0] =	vst v6;
	v6 =	vld [tilespmem:s7+$0x30]  }
0x95: {  	[tilespmem:s7+$0xFFFFFFC0] =	vst v8;
	v5 =	vld [tilespmem:s7+$0x70]  }
0x96: {  	v4 =	vld.idx.msk [tilespmem:v7+s28+$0x0], $0xffff  }
0x97: {  	_ =	sdelay $0x1  }
0x98: {  	v7 =	vld [tilespmem:s0+$0x20]  }
0x99: {  	v10 =	vld [tilespmem:s0+$0x50]  }
0x9a: {  	v2 =	vmul.f32 v2, v4  }
0x9b: {  	v8 =	vld [tilespmem:s0+$0x60];
	v6 =	vmul.f32 v6, v4  }
0x9c: {  	v9 =	vld [tilespmem:s0+$0x40];
	v3 =	vmul.f32 v3, v4;
	[tilespmem:s0+$0x0] =	vst v2  }
0x9d: {  	v62 =	vmul.f32 v7, v4;
	[tilespmem:s0+$0x30] =	vst v6  }
0x9e: {  	v63 =	vmul.f32 v10, v4;
	[tilespmem:s0+$0x10] =	vst v3  }
0x9f: {  	v2 =	vmul.f32 v5, v4;
	[tilespmem:s0+$0x20] =	vst v62  }
0xa0: {  	v3 =	vmul.f32 v8, v4;
	[tilespmem:s0+$0x50] =	vst v63  }
0xa1: {  	s31 =	sadd.s32 $0x1, s31;
	[tilespmem:s0+$0x70] =	vst v2;
	v2 =	vmul.f32 v9, v4  }
0xa2: {  	p1 =	sne.s32 s31, $0x271;
	[tilespmem:s0+$0x60] =	vst v3  }
.Ltmp2:
0xa3: {  	[tilespmem:s0+$0x40] =	vst v2;
	(pc) =	sbr.rel @p1 .LBB2_4-.Ltmp2, $4  }
0xa4: {  	[spmem:s1] =	stream.indirect.scatter.add.f32 [tilespmem:s25], [sflag:$0x2], $0x80, s21, s23, $0xb8;
	[tilespmem:$0x1F200] =	vst v63  }
0xa5: {  	_ =	swait.ge [sflag:s15], $0x1000  }
0xa6: {  	[sflag:s15] =	ssyncset.done $0x0  }
0xa7: {  	[sflag:s15] =	ssyncadd.s32 $0xFFFFF000  }
0xa8: {  	[bflag:$0x0] =	sbarrier.arrive $0xFFFF  }
0xa9: {  	[hbm:s12], [sflag:s18] =	dma.local [spmem:s19], $0x2800  }
0xaa: {  	_ =	swait.ge [sflag:s15], $0x2800  }
0xab: {  	s0 =	simm.s32 @!p0 $0x0;
	s29 =	sadd.s32 $0x1, s29;
	[sflag:s15] =	ssyncset.done $0x0  }
0xac: {  	s3 =	simm.s32 @!p0 $0x7800;
	p1 =	sne.s32 s29, s14;
	[sflag:s15] =	ssyncadd.s32 $0xFFFFD800  }
0xad: {  	[hbm4b:s13+s0] =	stream.linear.scatter @!p0 [tilespmem:s3], [sflag:$0x2], $0x2800, $0x38;
	[tilespmem:$0x1F200] =	vst v63  }
.Ltmp3:
0xae: {  	_ = 	snop;
	(pc) =	sbr.rel @p1 .LBB2_1-.Ltmp3, $4  }
0xaf: {  	s0 =	simm.s32 @!p0 $0x2  }
0xb0: {  	_ =	swait.ge @!p0 [sflag:s0], $0x2800  }
0xb1: {  	[sflag:s0] =	ssyncset.done @!p0 $0x0  }
0xb2: {  	[sflag:s0] =	ssyncadd.s32 @!p0 $0xFFFFD800  }
0xb3: {  	_ =	sfence.sel $0x180000  }
0xb4: {  	[bflag:$0x0] =	sbarrier.arrive $0xFFFF  }
0xb5: {  	_ =	strace $0x9000004A  }
0xb6: {  	s0 =	stileid.u32;
	[bflag:$0x2] =	sbarrier.arrive $0xFFFF  }
0xb7: {  	p0 =	sne.s32 s0, $0x0;
	s0 =	rddreg [dreg:$0x2]  }
0xb8: {  	s0 =	sadd.s32 @!p0 $0x100000, s0  }
0xb9: {  	[sflag:s0] =	ssyncadd.tile.s32 @!p0 $0x1;
	_ =	shalt  }
.Lfunc_end2:
_tile_overlayer_lowered:
.L_overlay_start_2:
0xba: {  	(tag) =	ssettag $0x2  }
0xbb: {  	s0 =	rddreg [dreg:$0x0];
	s2 =	stileid.u32  }
0xbc: {  	s1 =	rddreg [dreg:$0x1];
	p0 =	sne.s32 s2, $0x0  }
0xbd: {  	s3 =	rddreg [dreg:$0x2];
	[bflag:$0x3] =	sbarrier.arrive $0xFFFF;
	s2 =	simm.s32 @!p0 $0x1C02  }
0xbe: {  	[timem:s3], [sflag:s2] =	dma.local @!p0 [hbm:s0], s1  }
0xbf: {  	s0 =	simm.s32 @!p0 $0x2  }
0xc0: {  	_ =	swait.ge @!p0 [sflag:s0], s1  }
0xc1: {  	s1 =	ssub.s32 @!p0 $0x0, s1;
	[sflag:s0] =	ssyncset.done @!p0 $0x0  }
0xc2: {  	[sflag:s0] =	ssyncadd.s32 @!p0 s1  }
0xc3: {  	[bflag:$0x3] =	sbarrier.arrive $0xFFFF  }
0xc4: {  	_ =	shalt  }

// kernel: kernel.15.cloned.1.call-start
scs
__scs_entry_jumppad:
0x0: {  	(pc) =	sbr.rel $0x88, $3  }
0x1: {  	(tag) =	ssettag $0x0;
	lr =	simm.s32 $0x1  }
0x2: {  	[smem:$0x3F8C] =	sst lr;
	_ =	strace $0xD0000000  }
0x3: {  	_ = 	snop  }
0x4: {  	_ = 	snop  }
0x5: {  	_ = 	snop  }
0x6: {  	_ = 	snop  }
0x7: {  	_ = 	snop  }
__scs_overlays_trampoline_lowered:
0x8: {  	[smem:$0x3F9B] =	sst s0  }
0x9: {  	[smem:$0x3F9C] =	sst s1  }
0xa: {  	[smem:$0x3F9D] =	sst s2  }
0xb: {  	[smem:$0x3F9E] =	sst s3  }
0xc: {  	[smem:$0x3F9F] =	sst s4  }
0xd: {  	[smem:$0x3FA0] =	sst s5  }
0xe: {  	[smem:$0x3FA1] =	sst s6  }
0xf: {  	[smem:$0x3FA2] =	sst s7  }
0x10: {  	[smem:$0x3FA3] =	sst s8  }
0x11: {  	[smem:$0x3FA4] =	sst s9;
	s0 =	simm.s32 @!p0 $0x0  }
0x12: {  	s1 =	sld [smem:$0x3F8A];
	s0 =	simm.s32 @p0 $0x1  }
0x13: {  	[smem:$0x3FA5] =	sst s0;
	s0 =	simm.s32 @!p1 $0x0  }
0x14: {  	s2 =	sld [smem:$0x3F89];
	s0 =	simm.s32 @p1 $0x1  }
0x15: {  	[smem:$0x3FA6] =	sst s0;
	s0 =	simm.s32 @!p2 $0x0  }
0x16: {  	s3 =	sld [smem:$0x3FDB];
	s0 =	simm.s32 @p2 $0x1  }
0x17: {  	s4 =	simm.s32 $0x1BF5;
	[smem:$0x3FA8] =	sst s0  }
0x18: {  	s0 =	sld [smem:$0x3F8B];
	_ =	swait.ge [sflag:s4], $0x0  }
0x19: {  	s7 =	sld [smem:$0x3F8C]  }
0x1a: {  	s8 =	sadd.s32 $0xFFFFE003, lr  }
0x1b: {  	s9 =	sadd.s32 $0xFFFFFEF7, lr;
	s5 =	simm.s32 $0xFFFFFFFF;
	p2 =	slt.u32 s8, $0xFFFFF086  }
0x1c: {  	p1 =	slt.u32 s9, $0xF7A;
	s5 =	simm.s32 @!p2 $0x0  }
0x1d: {  	s5 =	simm.s32 @p1 $0x1;
	p0 =	seq.s32 s7, s2  }
0x1e: {  	s7 =	smul.u32 @!p0 $0xF7A, s2;
	p2 =	seq.s32 @!p0 s5, $0x0  }
0x1f: {  	s9 =	smul.u32 $0xF7A, s1;
	s8 =	simm.s32 @!p0 $0x1BF5;
	p2 =	por !p2, p0  }
0x20: {  	[sflag:s8] =	ssyncset.s32 @!p0 $0xFFFFF086;
	s6 =	sadd.s32 @!p0 s3, s7;
	s7 =	simm.s32 @!p0 $0x108  }
0x21: {  	s3 =	sadd.s32 s3, s9;
	s6 =	sadd.s32 @!p0 $0x88, s6;
	s7 =	simm.s32 @p2 $0x1082  }
0x22: {  	[simem:s7], [sflag:s8] =	dma.local @!p0 [hbm:s6], $0xF7A  }
0x23: {  	s9 =	sor.u32 $0xD0000000, s2;
	s6 =	simm.s32 $0x108;
	_ =	swait.ge @!p0 [sflag:s8], $0x0  }
0x24: {  	s3 =	sadd.s32 $0x88, s3;
	s6 =	simm.s32 @!p1 $0x1082;
	[sflag:s4] =	ssyncset.s32 $0xFFFFF086  }
0x25: {  	[simem:s6], [sflag:s4] =	dma.local [hbm:s3], $0xF7A  }
0x26: {  	[smem:$0x3F8C] =	sst s1;
	(tag) =	ssettag s2;
	_ =	strace s9  }
0x27: {  	s1 =	sld [smem:$0x3F9C]  }
0x28: {  	s2 =	sld [smem:$0x3F9D]  }
0x29: {  	s4 =	sld [smem:$0x3F9F]  }
0x2a: {  	p0 =	seq.s32 s5, $0x0;
	s5 =	sld [smem:$0x3FA0]  }
0x2b: {  	s6 =	sld [smem:$0x3FA1]  }
0x2c: {  	s7 =	sld [smem:$0x3FA2]  }
0x2d: {  	s3 =	simm.s32 $0x108;
	s8 =	sld [smem:$0x3FA3]  }
0x2e: {  	s3 =	simm.s32 @!p0 $0x1082;
	s9 =	sld [smem:$0x3FA4]  }
0x2f: {  	lr =	sadd.s32 s0, s3;
	s0 =	sld [smem:$0x3F9B]  }
0x30: {  	s3 =	sld [smem:$0x3F9E]  }
0x31: {  	[smem:$0x3FA7] =	sst s10  }
0x32: {  	s10 =	sld [smem:$0x3FA5];
	_ =	sdelay $0x3  }
0x33: {  	p0 =	seq.s32 s10, $0x1;
	s10 =	sld [smem:$0x3FA7];
	_ =	sdelay $0x3  }
0x34: {  	[smem:$0x3FA7] =	sst s10  }
0x35: {  	s10 =	sld [smem:$0x3FA6];
	_ =	sdelay $0x3  }
0x36: {  	p1 =	seq.s32 s10, $0x1;
	s10 =	sld [smem:$0x3FA7];
	_ =	sdelay $0x3  }
0x37: {  	[smem:$0x3FA7] =	sst s10  }
0x38: {  	s10 =	sld [smem:$0x3FA8]  }
0x39: {  	_ = 	snop;
	(pc) =	sbr.ind lr, $3  }
0x3a: {  	_ = 	snop  }
0x3b: {  	_ = 	snop  }
0x3c: {  	p2 =	seq.s32 s10, $0x1;
	s10 =	sld [smem:$0x3FA7]  }
0x3d: {  	_ =	shalt  }
0x3e: {  	_ =	shalt  }
0x3f: {  	_ =	shalt  }
0x40: {  	_ =	shalt  }
0x41: {  	_ =	shalt  }
0x42: {  	_ =	shalt  }
0x43: {  	_ =	shalt  }
0x44: {  	_ =	shalt  }
0x45: {  	_ =	shalt  }
0x46: {  	_ =	shalt  }
0x47: {  	_ =	shalt  }
0x48: {  	_ =	shalt  }
0x49: {  	_ =	shalt  }
0x4a: {  	_ =	shalt  }
0x4b: {  	_ =	shalt  }
0x4c: {  	_ =	shalt  }
0x4d: {  	_ =	shalt  }
0x4e: {  	_ =	shalt  }
0x4f: {  	_ =	shalt  }
0x50: {  	_ =	shalt  }
0x51: {  	_ =	shalt  }
0x52: {  	_ =	shalt  }
0x53: {  	_ =	shalt  }
0x54: {  	_ =	shalt  }
0x55: {  	_ =	shalt  }
0x56: {  	_ =	shalt  }
0x57: {  	_ =	shalt  }
0x58: {  	_ =	shalt  }
0x59: {  	_ =	shalt  }
0x5a: {  	_ =	shalt  }
0x5b: {  	_ =	shalt  }
0x5c: {  	_ =	shalt  }
0x5d: {  	_ =	shalt  }
0x5e: {  	_ =	shalt  }
0x5f: {  	_ =	shalt  }
0x60: {  	_ =	shalt  }
0x61: {  	_ =	shalt  }
0x62: {  	_ =	shalt  }
0x63: {  	_ =	shalt  }
0x64: {  	_ =	shalt  }
0x65: {  	_ =	shalt  }
0x66: {  	_ =	shalt  }
0x67: {  	_ =	shalt  }
0x68: {  	_ =	shalt  }
0x69: {  	_ =	shalt  }
0x6a: {  	_ =	shalt  }
0x6b: {  	_ =	shalt  }
0x6c: {  	_ =	shalt  }
0x6d: {  	_ =	shalt  }
0x6e: {  	_ =	shalt  }
0x6f: {  	_ =	shalt  }
0x70: {  	_ =	shalt  }
0x71: {  	_ =	shalt  }
0x72: {  	_ =	shalt  }
0x73: {  	_ =	shalt  }
0x74: {  	_ =	shalt  }
0x75: {  	_ =	shalt  }
0x76: {  	_ =	shalt  }
0x77: {  	_ =	shalt  }
0x78: {  	_ =	shalt  }
0x79: {  	_ =	shalt  }
0x7a: {  	_ =	shalt  }
0x7b: {  	_ =	shalt  }
0x7c: {  	_ =	shalt  }
0x7d: {  	_ =	shalt  }
0x7e: {  	_ =	shalt  }
0x7f: {  	_ =	shalt  }
0x80: {  	_ =	shalt  }
0x81: {  	_ =	shalt  }
0x82: {  	_ =	shalt  }
0x83: {  	_ =	shalt  }
0x84: {  	_ =	shalt  }
0x85: {  	_ =	shalt  }
0x86: {  	_ =	shalt  }
0x87: {  	_ =	shalt  }
.Lfunc_end0:
.L_simem_size_0:
called_computation.2_lowered:
.L_overlay_start_0:
0x88: {  	s2 =	sld [smem:$0x3FD9]  }
0x89: {  	s3 =	sld [smem:$0x3FFE];
	_ =	sdelay $0x1  }
0x8a: {  	s1 =	srdreg.scid  }
0x8b: {  	s0 =	sand.u32 $0x1, s1  }
0x8c: {  	s16 =	sshll.u32 s0, $0xA;
	s2 =	sadd.s32 s3, s2  }
0x8d: {  	s2 =	sadd.s32 s2, s16  }
0x8e: {  	[smem:$0x3FB3] =	sst s2  }
0x8f: {  	_ = 	snop  }
0x90: {  	(tm) =	ssettm $0x1  }
0x91: {  	s17 =	sld [smem:$0x3FFB];
	_ =	sdelay $0x3  }
0x92: {  	_ =	strace s17  }
0x93: {  	s2 =	sld [smem:$0x3FFC];
	_ =	sdelay $0x3  }
0x94: {  	_ =	strace s2  }
0x95: {  	s2 =	sld [smem:$0x3FFD];
	_ =	sdelay $0x3  }
0x96: {  	_ =	strace s2  }
0x97: {  	_ =	strace $0x8FFFFFFF  }
0x98: {  	s18 =	sld [smem:$0x3FDB];
	_ =	sdelay $0x1  }
0x99: {  	s19 =	simm.s32 $_scs_section_size  }
0x9a: {  	s4 =	simm.s32 $_size__tile_overlayer_lowered;
	s5 =	simm.s32 $_tile_overlayer_lowered  }
0x9b: {  	s22 =	simm.s32 $0x1BFF;
	s21 =	sshll.u32 s5, $0x1;
	s2 =	sadd.s32 s19, s18  }
0x9c: {  	s6 =	simm.s32 $0x0;
	s20 =	sshll.u32 s4, $0x1;
	s4 =	sadd.s32 s21, s2  }
0x9d: {  	[timem:s6], [sflag:s22] =	dma.local [hbm:s4], s20  }
0x9e: {  	_ =	swait.ge [sflag:s22], s20  }
0x9f: {  	s3 =	ssub.s32 $0x0, s20;
	[sflag:s22] =	ssyncset.done $0x0  }
0xa0: {  	[sflag:s22] =	ssyncadd.s32 s3;
	_ =	sdelay $0x1  }
0xa1: {  	s23 =	simm.s32 $0x1B8B  }
0xa2: {  	_ =	swait.ge [sflag:s23], $0x1  }
0xa3: {  	[sflag:s23] =	ssyncset.done $0x0  }
0xa4: {  	s25 =	simm.s32 $0x1B8E;
	s24 =	sld [smem:$0x3FFE];
	[sflag:s23] =	ssyncadd.s32 $0xFFFFFFFF  }
0xa5: {  	s26 =	simm.s32 $execute0_lowered;
	[smem:$0x3FD2] =	sst s25  }
0xa6: {  	s4 =	sshll.u32 s26, $0x1;
	_ =	strace $0x8000004C;
	[dreg:$0x1] =	wrdreg $0xFFFFFFFF  }
0xa7: {  	s28 =	simm.s32 $_size_execute0_lowered;
	s2 =	sadd.s32 s2, s4;
	[dreg:$0x0] =	wrdreg $0x0  }
0xa8: {  	s4 =	sshll.u32 s28, $0x1;
	[dreg:$0x2] =	wrdreg s2  }
0xa9: {  	[dreg:$0x3] =	wrdreg s4  }
0xaa: {  	[dreg:$0x4] =	wrdreg $0xC0  }
0xab: {  	_ =	task [dreg:s6], $0x5FFFF  }
0xac: {  	[dreg:$0x1] =	wrdreg $0xFFFFFFFF  }
0xad: {  	[dreg:$0x0] =	wrdreg $0x60  }
0xae: {  	[dreg:$0x2] =	wrdreg s24  }
0xaf: {  	[dreg:$0x3] =	wrdreg $0xB2000  }
0xb0: {  	[dreg:$0x4] =	wrdreg $0x9  }
0xb1: {  	_ =	task.clear_ibuf [dreg:s6], $0x5FFFF;
	_ =	strace $0x9000004C  }
0xb2: {  	s29 =	simm.s32 $0x9;
	_ =	strace $0x8000004E  }
0xb3: {  	_ =	swait.ge [sflag:s29], $0x1  }
0xb4: {  	[sflag:s29] =	ssyncadd.s32 $0xFFFFFFFF  }
0xb5: {  	_ =	strace $0x9000004E  }
0xb6: {  	_ =	sfence  }
0xb7: {  	s30 =	sld [smem:$0x0];
	_ =	sdelay $0x2  }
0xb8: {  	s31 =	sshll.u32 s1, $0xD;
	s1 =	sshrl.u32 s1, $0x2  }
0xb9: {  	s3 =	sand.u32 $0x4000, s31;
	s1 =	sadd.s32 s1, s30  }
0xba: {  	s0 =	sor.u32 s3, s0;
	s1 =	sshll.u32 s1, $0x11  }
0xbb: {  	s0 =	sor.u32 s1, s0  }
0xbc: {  	s0 =	sadd.s32 $0x8F2B, s0  }
0xbd: {  	[sflag:s0] =	ssyncadd.remote.s32 $0x1  }
0xbe: {  	_ =	sfence.sel $0xFFFF  }
0xbf: {  	[dreg:$0x0] =	wrdreg $0xFFFFFFFF;
	(pc) =	sbr.abs _section_cstart, $3  }
0xc0: {  	[dreg:$0x1] =	wrdreg $0xFFFFFFFF  }
0xc1: {  	_ =	task.clear_ibuf [dreg:s6], $0x2FFFF;
	_ =	strace $0x9FFFFFFF  }
0xc2: {  	(tm) =	ssettm $0x7FFFFFFF  }
0xc3: {  	_ =	shalt  }
tec
execute0_lowered:
.L_overlay_start_1:
0x0: {  	(tag) =	ssettag $0x1  }
0x1: {  	s0 =	rddreg [dreg:$0x0]  }
0x2: {  	s1 =	rddreg [dreg:$0x1];
	s2 =	simm.s32 $0x0;
	s3 =	srdreg.scid  }
0x3: {  	s18 =	stileid.u32;
	s16 =	simm.s32 $0x2800;
	s17 =	simm.s32 $0x5000  }
0x4: {  	s20 =	simm.s32 $0xA000;
	s21 =	simm.s32 $0xA100;
	s22 =	simm.s32 $0x7800  }
0x5: {  	s23 =	simm.s32 $0x20;
	s28 =	simm.s32 $0xA180;
	s29 =	simm.s32 $0x0  }
0x6: {  	s30 =	simm.s32 $0x0;
	[smem:$0x7FF] =	sst s2;
	s8 =	smul.u32 $0x50000, s18  }
0x7: {  	s3 =	sand.u32 $0x1, s3;
	s4 =	sadd.s32 $0xEA00, s0;
	s10 =	smul.u32 $0x280, s18  }
0x8: {  	s5 =	sadd.s32 $0x4C00, s0;
	s6 =	sadd.s32 $0x18800, s0;
	s14 =	smul.u32 $0x14000, s18  }
0x9: {  	s9 =	sadd.s32 $0x68800, s0;
	s24 =	sadd.s32 $0x68E00, s0;
	s26 =	smul.u32 $0x500, s18  }
0xa: {  	s31 =	sshll.u32 s18, $0x6;
	_ =	strace $0x8000004D;
	[dreg:$0x3] =	wrdreg s9  }
0xb: {  	s7 =	smul.u32 $0x2800, s3;
	[dreg:$0x4] =	wrdreg s24;
	s9 =	sadd.s32 $0x69400, s0  }
0xc: {  	s11 =	ssub.s32 $0x2, s3;
	s12 =	smul.u32 $0x168000, s3;
	s0 =	sadd.s32 $0x69A00, s0  }
0xd: {  	p0 =	sne.s32 s3, $0x0;
	s24 =	simm.s32 $0xA080;
	s13 =	sshrl.u32 s11, $0x1  }
0xe: {  	s8 =	sshrl.u32 s8, $0x2;
	s15 =	ssub.s32 s11, s13;
	s10 =	sadd.s32 s10, s7  }
0xf: {  	s25 =	sadd.s32 s14, s12;
	s8 =	sadd.s32 s8, s1;
	s11 =	smul.u32 $0x4E20, s18  }
0x10: {  	s18 =	sor.u32 $0x1C02, s31;
	s10 =	sshll.u32 s10, $0x4;
	s12 =	sshrl.u32 s25, $0x3  }
0x11: {  	s14 =	smax.u32 s15, $0x1;
	s15 =	simm.s32 $0x2;
	s19 =	sshrl.u32 s8, $0x3  }
0x12: {  	s25 =	simm.s32 $0xA200;
	s12 =	sadd.s32 s0, s12;
	s0 =	sadd.s32 s26, s0  }
0x13: {  	v1 =	vimm.f32 $0.0e+00;
	v0 =	vmov s7;
	s10 =	sadd.s32 s6, s10;
	s26 =	simm.s32 $0x1;
	s13 =	sadd.s32 $0x28000, s0  }
.LBB2_1:
0x14: {  	s0 =	rddreg [dreg:$0x3]  }
0x15: {  	[tilespmem:s2], [sflag:$0x2] =	stream.linear.gather [hbm4b:s0+s2], $0x2800, $0x38;
	[tilespmem:$0x1F200] =	vst v63  }
0x16: {  	_ =	swait.ge [sflag:s15], $0x2800  }
0x17: {  	[sflag:s15] =	ssyncset.done $0x0  }
0x18: {  	s31 =	rddreg [dreg:$0x4];
	[sflag:s15] =	ssyncadd.s32 $0xFFFFD800  }
0x19: {  	[tilespmem:s16], [sflag:$0x2] =	stream.linear.gather [hbm4b:s31+s2], $0x2800, $0x38;
	[tilespmem:$0x1F200] =	vst v63  }
0x1a: {  	_ =	swait.ge [sflag:s15], $0x2800  }
0x1b: {  	[sflag:s15] =	ssyncset.done $0x0  }
0x1c: {  	[sflag:s15] =	ssyncadd.s32 $0xFFFFD800  }
0x1d: {  	[tilespmem:s17], [sflag:$0x2] =	stream.linear.gather [hbm4b:s9+s2], $0x2800, $0x38;
	[tilespmem:$0x1F200] =	vst v63  }
0x1e: {  	_ =	swait.ge [sflag:s15], $0x2800  }
0x1f: {  	[sflag:s15] =	ssyncset.done $0x0  }
0x20: {  	[sflag:s15] =	ssyncadd.s32 $0xFFFFD800  }
0x21: {  	[spmem:s19], [sflag:s18] =	dma.local [hbm:s10], $0x2800  }
0x22: {  	_ =	swait.ge [sflag:s15], $0x2800  }
0x23: {  	[sflag:s15] =	ssyncset.done $0x0  }
0x24: {  	s3 =	simm.s32 $0x200;
	s0 =	simm.s32 $0x0;
	[sflag:s15] =	ssyncadd.s32 $0xFFFFD800  }
.LBB2_2:
0x25: {  	p1 =	sne.s32 s3, $0x9E00;
	[tilespmem:s0+$0x7870] =	vst v1  }
0x26: {  	[tilespmem:s0+$0x7800] =	vst v1  }
0x27: {  	[tilespmem:s0+$0x7810] =	vst v1  }
.Ltmp0:
0x28: {  	[tilespmem:s0+$0x7820] =	vst v1;
	(pc) =	sbr.rel @p1 .LBB2_2-.Ltmp0, $4  }
0x29: {  	[tilespmem:s0+$0x7830] =	vst v1  }
0x2a: {  	[tilespmem:s0+$0x7840] =	vst v1  }
0x2b: {  	[tilespmem:s0+$0x7850] =	vst v1  }
0x2c: {  	[tilespmem:s0+$0x7860] =	vst v1;
	s0 =	sshra.s32 s3, $0x2;
	s3 =	sadd.s32 $0x200, s3  }
0x2d: {  	[tilespmem:s0+$0x7870] =	vst v1  }
0x2e: {  	[tilespmem:s0+$0x7800] =	vst v1  }
0x2f: {  	[tilespmem:s0+$0x7810] =	vst v1  }
0x30: {  	[tilespmem:s0+$0x7820] =	vst v1  }
0x31: {  	[tilespmem:s0+$0x7830] =	vst v1  }
0x32: {  	[tilespmem:s0+$0x7840] =	vst v1  }
0x33: {  	[tilespmem:s0+$0x7850] =	vst v1  }
0x34: {  	[tilespmem:s0+$0x7860] =	vst v1  }
0x35: {  	s31 =	simm.s32 $0x0;
	[bflag:$0x0] =	sbarrier.arrive $0xFFFF  }
.LBB2_4:
0x36: {  	s0 =	sshll.u32 s31, $0x5  }
0x37: {  	s0 =	sadd.s32 s11, s0  }
0x38: {  	s0 =	sshrl.u32 s0, $0x3  }
0x39: {  	s3 =	sadd.s32 s4, s0  }
0x3a: {  	[tilespmem:s20], [sflag:$0x2] =	stream.linear.gather [hbm4b:s3+s30], $0x20, $0x38;
	[tilespmem:$0x1F200] =	vst v63  }
0x3b: {  	_ =	swait.ge [sflag:s15], $0x20  }
0x3c: {  	[sflag:s15] =	ssyncset.done $0x0  }
0x3d: {  	s0 =	sadd.s32 s5, s0;
	[sflag:s15] =	ssyncadd.s32 $0xFFFFFFE0  }
0x3e: {  	[tilespmem:s21], [sflag:$0x2] =	stream.linear.gather [hbm4b:s0+s30], $0x20, $0x38;
	[tilespmem:$0x1F200] =	vst v63  }
0x3f: {  	_ =	swait.ge [sflag:s15], $0x20  }
0x40: {  	[sflag:s15] =	ssyncset.done $0x0  }
0x41: {  	[sflag:s15] =	ssyncadd.s32 $0xFFFFFFE0  }
0x42: {  	v2 =	vld [tilespmem:$0xA000]  }
0x43: {  	v3 =	vld [tilespmem:$0xA100];
	_ =	sdelay $0x4  }
0x44: {  	v4 =	vadd.s32 v0, v2  }
0x45: {  	[tilespmem:$0xA080] =	vst v4  }
0x46: {  	v2 =	vld.idx.msk [tilespmem:v2+s30+$0x0], $0xffff  }
0x47: {  	v4 =	vld.idx.msk [tilespmem:v3+s16+$0x0], $0xffff;
	_ =	sdelay $0x4  }
0x48: {  	v5 =	vld.idx.msk [tilespmem:v3+s17+$0x0], $0xffff;
	v2 =	vadd.f32 v4, v2;
	_ =	sdelay $0x1  }
0x49: {  	v4 =	vmul.f32 $2.000000030e-01, v2;
	_ =	sdelay $0x1  }
0x4a: {  	v2 =	vmax.f32 v2, v4  }
0x4b: {  	v2 =	vsub.f32 v2, v5;
	_ =	sdelay $0x1  }
0x4c: {  	v2 =	vmul.f32 $1.442695020e+00, v2;
	_ =	sdelay $0x1  }
0x4d: {  	(erf) = vpow2.f32 v2;
	_ =	sdelay $0x8  }
0x4e: {  	v2 =	vpop (erf)  }
0x4f: {  	[tilespmem:$0xA180] =	vst v2  }
0x50: {  	[tilespmem:v3+s22+$0x0] =	vst.idx.add.f32.msk $0xffff, v2  }
0x51: {  	v2 =	vld [tilespmem:$0xA010]  }
0x52: {  	v3 =	vld [tilespmem:$0xA110];
	_ =	sdelay $0x4  }
0x53: {  	v4 =	vadd.s32 v0, v2  }
0x54: {  	[tilespmem:$0xA090] =	vst v4  }
0x55: {  	v2 =	vld.idx.msk [tilespmem:v2+s30+$0x0], $0xffff  }
0x56: {  	v4 =	vld.idx.msk [tilespmem:v3+s16+$0x0], $0xffff;
	_ =	sdelay $0x4  }
0x57: {  	v5 =	vld.idx.msk [tilespmem:v3+s17+$0x0], $0xffff;
	v2 =	vadd.f32 v4, v2;
	_ =	sdelay $0x1  }
0x58: {  	v4 =	vmul.f32 $2.000000030e-01, v2;
	_ =	sdelay $0x1  }
0x59: {  	v2 =	vmax.f32 v2, v4  }
0x5a: {  	v2 =	vsub.f32 v2, v5;
	_ =	sdelay $0x1  }
0x5b: {  	v2 =	vmul.f32 $1.442695020e+00, v2;
	_ =	sdelay $0x1  }
0x5c: {  	(erf) = vpow2.f32 v2;
	_ =	sdelay $0x8  }
0x5d: {  	v2 =	vpop (erf)  }
0x5e: {  	[tilespmem:$0xA190] =	vst v2  }
0x5f: {  	[tilespmem:v3+s22+$0x0] =	vst.idx.add.f32.msk $0xffff, v2;
	v2 =	vmov s30  }
0x60: {  	v2 =	vand.u32 $0xFFFFFFFE, v2  }
0x61: {  	v3 =	vbroadcast v2, $0x0  }
0x62: {  	[tilespmem:s25], [sflag:$0x1] =	stream.indirect.gather [hbm4b:s6+s23], $0x80, s24, s23, $0xb8;
	[tilespmem:$0x1F200] =	vst v63  }
0x63: {  	_ =	swait.ge [sflag:s26], $0x1000  }
0x64: {  	[sflag:s26] =	ssyncset.done $0x0  }
0x65: {  	s0 =	simm.s32 $0xA280;
	[sflag:s26] =	ssyncadd.s32 $0xFFFFF000  }
0x66: {  	v6 =	vld [tilespmem:s0+$0xFFFFFFF0]  }
0x67: {  	v7 =	vld.idx.msk [tilespmem:v3+s28+$0x0], $0xffff  }
0x68: {  	v8 =	vld [tilespmem:s0+$0xFFFFFF80]  }
0x69: {  	v9 =	vld [tilespmem:s0+$0xFFFFFFA0]  }
0x6a: {  	v5 =	vld [tilespmem:s0+$0xFFFFFFB0]  }
0x6b: {  	v4 =	vld [tilespmem:s0+$0xFFFFFFD0]  }
0x6c: {  	v11 =	vld [tilespmem:s0+$0xFFFFFF90];
	v6 =	vmul.f32 v6, v7  }
0x6d: {  	v10 =	vld [tilespmem:s0+$0xFFFFFFE0];
	v8 =	vmul.f32 v8, v7  }
0x6e: {  	v12 =	vld [tilespmem:s0+$0xFFFFFFC0];
	v9 =	vmul.f32 v9, v7;
	[tilespmem:s0+$0xFFFFFFF0] =	vst v6  }
0x6f: {  	v5 =	vmul.f32 v5, v7;
	[tilespmem:s0+$0xFFFFFF80] =	vst v8  }
0x70: {  	s8 =	simm.s32 $0x1;
	v4 =	vmul.f32 v4, v7;
	[tilespmem:s0+$0xFFFFFFA0] =	vst v9  }
0x71: {  	v6 =	vmul.f32 v11, v7;
	[tilespmem:s0+$0xFFFFFFB0] =	vst v5;
	v8 =	vmov s8  }
0x72: {  	v2 =	vld [tilespmem:s0+$0x0];
	v5 =	vmul.f32 v10, v7;
	[tilespmem:s0+$0xFFFFFFD0] =	vst v4  }
0x73: {  	v3 =	vld [tilespmem:s0+$0x10];
	v4 =	vmul.f32 v12, v7;
	[tilespmem:s0+$0xFFFFFF90] =	vst v6  }
0x74: {  	[tilespmem:s0+$0xFFFFFFE0] =	vst v5;
	v6 =	vld [tilespmem:s0+$0x30]  }
0x75: {  	[tilespmem:s0+$0xFFFFFFC0] =	vst v4;
	v5 =	vld [tilespmem:s0+$0x70]  }
0x76: {  	s7 =	simm.s32 $0xA280;
	s3 =	simm.s32 $0x2;
	v4 =	vld.idx.msk [tilespmem:v8+s28+$0x0], $0xffff  }
.LBB2_5:
0x77: {  	p1 =	slt.u32 s3, $0x1E  }
0x78: {  	v7 =	vld [tilespmem:s0+$0x20];
	s7 =	sadd.s32 $0x100, s7;
	s8 =	smov.u32 s3;
	s3 =	sadd.s32 $0x2, s3  }
0x79: {  	v8 =	vld [tilespmem:s0+$0x40]  }
0x7a: {  	v9 =	vld [tilespmem:s0+$0x50]  }
0x7b: {  	v10 =	vld [tilespmem:s0+$0x60];
	_ =	sdelay $0x1  }
0x7c: {  	v2 =	vmul.f32 v2, v4;
	v3 =	vmul.f32 v3, v4  }
0x7d: {  	v6 =	vmul.f32 v6, v4;
	v7 =	vmul.f32 v7, v4  }
0x7e: {  	v11 =	vmov s8;
	v8 =	vmul.f32 v8, v4;
	[tilespmem:s0+$0x0] =	vst v2;
	v9 =	vmul.f32 v9, v4  }
0x7f: {  	v11 =	vand.u32 $0xFFFFFFFE, v11;
	v2 =	vld [tilespmem:s7+$0x0];
	[tilespmem:s0+$0x30] =	vst v6;
	v6 =	vmul.f32 v10, v4;
	v4 =	vmul.f32 v5, v4  }
0x80: {  	v5 =	vbroadcast v11, $0x0;
	[tilespmem:s0+$0x10] =	vst v3  }
0x81: {  	[tilespmem:s0+$0x70] =	vst v4  }
0x82: {  	v4 =	vld [tilespmem:s7+$0xFFFFFFD0];
	[tilespmem:s0+$0x20] =	vst v7  }
0x83: {  	v7 =	vld [tilespmem:s7+$0xFFFFFFB0];
	[tilespmem:s0+$0x60] =	vst v6  }
0x84: {  	v6 =	vld [tilespmem:s7+$0xFFFFFFE0];
	[tilespmem:s0+$0x40] =	vst v8  }
0x85: {  	v8 =	vld [tilespmem:s7+$0xFFFFFFF0];
	[tilespmem:s0+$0x50] =	vst v9;
	s0 =	smov.u32 s7  }
0x86: {  	v5 =	vld.idx.msk [tilespmem:v5+s28+$0x0], $0xffff  }
0x87: {  	v9 =	vld [tilespmem:s7+$0xFFFFFF80]  }
0x88: {  	v10 =	vld [tilespmem:s7+$0xFFFFFFA0]  }
0x89: {  	v11 =	vld [tilespmem:s7+$0xFFFFFF90]  }
0x8a: {  	v12 =	vld [tilespmem:s7+$0xFFFFFFC0]  }
0x8b: {  	v3 =	vld [tilespmem:s7+$0x10]  }
0x8c: {  	v8 =	vmul.f32 v8, v5;
	v9 =	vmul.f32 v9, v5  }
0x8d: {  	v6 =	vmul.f32 v6, v5;
	v10 =	vmul.f32 v10, v5  }
0x8e: {  	v7 =	vmul.f32 v7, v5;
	v11 =	vmul.f32 v11, v5;
	[tilespmem:s7+$0xFFFFFFF0] =	vst v8  }
0x8f: {  	v4 =	vmul.f32 v4, v5;
	[tilespmem:s7+$0xFFFFFF80] =	vst v9;
	v8 =	vmul.f32 v12, v5  }
0x90: {  	s8 =	sadd.s32 $0x1, s8;
	[tilespmem:s7+$0xFFFFFFA0] =	vst v10  }
0x91: {  	[tilespmem:s7+$0xFFFFFFB0] =	vst v7;
	v7 =	vmov s8  }
.Ltmp1:
0x92: {  	[tilespmem:s7+$0xFFFFFFD0] =	vst v4;
	(pc) =	sbr.rel @p1 .LBB2_5-.Ltmp1, $4  }
0x93: {  	[tilespmem:s7+$0xFFFFFF90] =	vst v11  }
0x94: {  	[tilespmem:s7+$0xFFFFFFE0] =	vst v6;
	v6 =	vld [tilespmem:s7+$0x30]  }
0x95: {  	[tilespmem:s7+$0xFFFFFFC0] =	vst v8;
	v5 =	vld [tilespmem:s7+$0x70]  }
0x96: {  	v4 =	vld.idx.msk [tilespmem:v7+s28+$0x0], $0xffff  }
0x97: {  	_ =	sdelay $0x1  }
0x98: {  	v7 =	vld [tilespmem:s0+$0x20]  }
0x99: {  	v10 =	vld [tilespmem:s0+$0x50]  }
0x9a: {  	v2 =	vmul.f32 v2, v4  }
0x9b: {  	v8 =	vld [tilespmem:s0+$0x60];
	v6 =	vmul.f32 v6, v4  }
0x9c: {  	v9 =	vld [tilespmem:s0+$0x40];
	v3 =	vmul.f32 v3, v4;
	[tilespmem:s0+$0x0] =	vst v2  }
0x9d: {  	v62 =	vmul.f32 v7, v4;
	[tilespmem:s0+$0x30] =	vst v6  }
0x9e: {  	v63 =	vmul.f32 v10, v4;
	[tilespmem:s0+$0x10] =	vst v3  }
0x9f: {  	v2 =	vmul.f32 v5, v4;
	[tilespmem:s0+$0x20] =	vst v62  }
0xa0: {  	v3 =	vmul.f32 v8, v4;
	[tilespmem:s0+$0x50] =	vst v63  }
0xa1: {  	s31 =	sadd.s32 $0x1, s31;
	[tilespmem:s0+$0x70] =	vst v2;
	v2 =	vmul.f32 v9, v4  }
0xa2: {  	p1 =	sne.s32 s31, $0x271;
	[tilespmem:s0+$0x60] =	vst v3  }
.Ltmp2:
0xa3: {  	[tilespmem:s0+$0x40] =	vst v2;
	(pc) =	sbr.rel @p1 .LBB2_4-.Ltmp2, $4  }
0xa4: {  	[spmem:s1] =	stream.indirect.scatter.add.f32 [tilespmem:s25], [sflag:$0x2], $0x80, s21, s23, $0xb8;
	[tilespmem:$0x1F200] =	vst v63  }
0xa5: {  	_ =	swait.ge [sflag:s15], $0x1000  }
0xa6: {  	[sflag:s15] =	ssyncset.done $0x0  }
0xa7: {  	[sflag:s15] =	ssyncadd.s32 $0xFFFFF000  }
0xa8: {  	[bflag:$0x0] =	sbarrier.arrive $0xFFFF  }
0xa9: {  	[hbm:s12], [sflag:s18] =	dma.local [spmem:s19], $0x2800  }
0xaa: {  	_ =	swait.ge [sflag:s15], $0x2800  }
0xab: {  	s0 =	simm.s32 @!p0 $0x0;
	s29 =	sadd.s32 $0x1, s29;
	[sflag:s15] =	ssyncset.done $0x0  }
0xac: {  	s3 =	simm.s32 @!p0 $0x7800;
	p1 =	sne.s32 s29, s14;
	[sflag:s15] =	ssyncadd.s32 $0xFFFFD800  }
0xad: {  	[hbm4b:s13+s0] =	stream.linear.scatter @!p0 [tilespmem:s3], [sflag:$0x2], $0x2800, $0x38;
	[tilespmem:$0x1F200] =	vst v63  }
.Ltmp3:
0xae: {  	_ = 	snop;
	(pc) =	sbr.rel @p1 .LBB2_1-.Ltmp3, $4  }
0xaf: {  	s0 =	simm.s32 @!p0 $0x2  }
0xb0: {  	_ =	swait.ge @!p0 [sflag:s0], $0x2800  }
0xb1: {  	[sflag:s0] =	ssyncset.done @!p0 $0x0  }
0xb2: {  	[sflag:s0] =	ssyncadd.s32 @!p0 $0xFFFFD800  }
0xb3: {  	_ =	sfence.sel $0x180000  }
0xb4: {  	[bflag:$0x0] =	sbarrier.arrive $0xFFFF  }
0xb5: {  	_ =	strace $0x9000004D  }
0xb6: {  	s0 =	stileid.u32;
	[bflag:$0x2] =	sbarrier.arrive $0xFFFF  }
0xb7: {  	p0 =	sne.s32 s0, $0x0;
	s0 =	rddreg [dreg:$0x2]  }
0xb8: {  	s0 =	sadd.s32 @!p0 $0x100000, s0  }
0xb9: {  	[sflag:s0] =	ssyncadd.tile.s32 @!p0 $0x1;
	_ =	shalt  }
.Lfunc_end2:
_tile_overlayer_lowered:
.L_overlay_start_2:
0xba: {  	(tag) =	ssettag $0x2  }
0xbb: {  	s0 =	rddreg [dreg:$0x0];
	s2 =	stileid.u32  }
0xbc: {  	s1 =	rddreg [dreg:$0x1];
	p0 =	sne.s32 s2, $0x0  }
0xbd: {  	s3 =	rddreg [dreg:$0x2];
	[bflag:$0x3] =	sbarrier.arrive $0xFFFF;
	s2 =	simm.s32 @!p0 $0x1C02  }
0xbe: {  	[timem:s3], [sflag:s2] =	dma.local @!p0 [hbm:s0], s1  }
0xbf: {  	s0 =	simm.s32 @!p0 $0x2  }
0xc0: {  	_ =	swait.ge @!p0 [sflag:s0], s1  }
0xc1: {  	s1 =	ssub.s32 @!p0 $0x0, s1;
	[sflag:s0] =	ssyncset.done @!p0 $0x0  }
0xc2: {  	[sflag:s0] =	ssyncadd.s32 @!p0 s1  }
0xc3: {  	[bflag:$0x3] =	sbarrier.arrive $0xFFFF  }
0xc4: {  	_ =	shalt  }

// kernel: kernel.9.cloned.1.call-start
scs
__scs_entry_jumppad:
0x0: {  	(pc) =	sbr.rel $0x88, $3  }
0x1: {  	(tag) =	ssettag $0x0;
	lr =	simm.s32 $0x1  }
0x2: {  	[smem:$0x3F8C] =	sst lr;
	_ =	strace $0xD0000000  }
0x3: {  	_ = 	snop  }
0x4: {  	_ = 	snop  }
0x5: {  	_ = 	snop  }
0x6: {  	_ = 	snop  }
0x7: {  	_ = 	snop  }
__scs_overlays_trampoline_lowered:
0x8: {  	[smem:$0x3F9B] =	sst s0  }
0x9: {  	[smem:$0x3F9C] =	sst s1  }
0xa: {  	[smem:$0x3F9D] =	sst s2  }
0xb: {  	[smem:$0x3F9E] =	sst s3  }
0xc: {  	[smem:$0x3F9F] =	sst s4  }
0xd: {  	[smem:$0x3FA0] =	sst s5  }
0xe: {  	[smem:$0x3FA1] =	sst s6  }
0xf: {  	[smem:$0x3FA2] =	sst s7  }
0x10: {  	[smem:$0x3FA3] =	sst s8  }
0x11: {  	[smem:$0x3FA4] =	sst s9;
	s0 =	simm.s32 @!p0 $0x0  }
0x12: {  	s1 =	sld [smem:$0x3F8A];
	s0 =	simm.s32 @p0 $0x1  }
0x13: {  	[smem:$0x3FA5] =	sst s0;
	s0 =	simm.s32 @!p1 $0x0  }
0x14: {  	s2 =	sld [smem:$0x3F89];
	s0 =	simm.s32 @p1 $0x1  }
0x15: {  	[smem:$0x3FA6] =	sst s0;
	s0 =	simm.s32 @!p2 $0x0  }
0x16: {  	s3 =	sld [smem:$0x3FDB];
	s0 =	simm.s32 @p2 $0x1  }
0x17: {  	s4 =	simm.s32 $0x1BF5;
	[smem:$0x3FA8] =	sst s0  }
0x18: {  	s0 =	sld [smem:$0x3F8B];
	_ =	swait.ge [sflag:s4], $0x0  }
0x19: {  	s7 =	sld [smem:$0x3F8C]  }
0x1a: {  	s8 =	sadd.s32 $0xFFFFE003, lr  }
0x1b: {  	s9 =	sadd.s32 $0xFFFFFEF7, lr;
	s5 =	simm.s32 $0xFFFFFFFF;
	p2 =	slt.u32 s8, $0xFFFFF086  }
0x1c: {  	p1 =	slt.u32 s9, $0xF7A;
	s5 =	simm.s32 @!p2 $0x0  }
0x1d: {  	s5 =	simm.s32 @p1 $0x1;
	p0 =	seq.s32 s7, s2  }
0x1e: {  	s7 =	smul.u32 @!p0 $0xF7A, s2;
	p2 =	seq.s32 @!p0 s5, $0x0  }
0x1f: {  	s9 =	smul.u32 $0xF7A, s1;
	s8 =	simm.s32 @!p0 $0x1BF5;
	p2 =	por !p2, p0  }
0x20: {  	[sflag:s8] =	ssyncset.s32 @!p0 $0xFFFFF086;
	s6 =	sadd.s32 @!p0 s3, s7;
	s7 =	simm.s32 @!p0 $0x108  }
0x21: {  	s3 =	sadd.s32 s3, s9;
	s6 =	sadd.s32 @!p0 $0x88, s6;
	s7 =	simm.s32 @p2 $0x1082  }
0x22: {  	[simem:s7], [sflag:s8] =	dma.local @!p0 [hbm:s6], $0xF7A  }
0x23: {  	s9 =	sor.u32 $0xD0000000, s2;
	s6 =	simm.s32 $0x108;
	_ =	swait.ge @!p0 [sflag:s8], $0x0  }
0x24: {  	s3 =	sadd.s32 $0x88, s3;
	s6 =	simm.s32 @!p1 $0x1082;
	[sflag:s4] =	ssyncset.s32 $0xFFFFF086  }
0x25: {  	[simem:s6], [sflag:s4] =	dma.local [hbm:s3], $0xF7A  }
0x26: {  	[smem:$0x3F8C] =	sst s1;
	(tag) =	ssettag s2;
	_ =	strace s9  }
0x27: {  	s1 =	sld [smem:$0x3F9C]  }
0x28: {  	s2 =	sld [smem:$0x3F9D]  }
0x29: {  	s4 =	sld [smem:$0x3F9F]  }
0x2a: {  	p0 =	seq.s32 s5, $0x0;
	s5 =	sld [smem:$0x3FA0]  }
0x2b: {  	s6 =	sld [smem:$0x3FA1]  }
0x2c: {  	s7 =	sld [smem:$0x3FA2]  }
0x2d: {  	s3 =	simm.s32 $0x108;
	s8 =	sld [smem:$0x3FA3]  }
0x2e: {  	s3 =	simm.s32 @!p0 $0x1082;
	s9 =	sld [smem:$0x3FA4]  }
0x2f: {  	lr =	sadd.s32 s0, s3;
	s0 =	sld [smem:$0x3F9B]  }
0x30: {  	s3 =	sld [smem:$0x3F9E]  }
0x31: {  	[smem:$0x3FA7] =	sst s10  }
0x32: {  	s10 =	sld [smem:$0x3FA5];
	_ =	sdelay $0x3  }
0x33: {  	p0 =	seq.s32 s10, $0x1;
	s10 =	sld [smem:$0x3FA7];
	_ =	sdelay $0x3  }
0x34: {  	[smem:$0x3FA7] =	sst s10  }
0x35: {  	s10 =	sld [smem:$0x3FA6];
	_ =	sdelay $0x3  }
0x36: {  	p1 =	seq.s32 s10, $0x1;
	s10 =	sld [smem:$0x3FA7];
	_ =	sdelay $0x3  }
0x37: {  	[smem:$0x3FA7] =	sst s10  }
0x38: {  	s10 =	sld [smem:$0x3FA8]  }
0x39: {  	_ = 	snop;
	(pc) =	sbr.ind lr, $3  }
0x3a: {  	_ = 	snop  }
0x3b: {  	_ = 	snop  }
0x3c: {  	p2 =	seq.s32 s10, $0x1;
	s10 =	sld [smem:$0x3FA7]  }
0x3d: {  	_ =	shalt  }
0x3e: {  	_ =	shalt  }
0x3f: {  	_ =	shalt  }
0x40: {  	_ =	shalt  }
0x41: {  	_ =	shalt  }
0x42: {  	_ =	shalt  }
0x43: {  	_ =	shalt  }
0x44: {  	_ =	shalt  }
0x45: {  	_ =	shalt  }
0x46: {  	_ =	shalt  }
0x47: {  	_ =	shalt  }
0x48: {  	_ =	shalt  }
0x49: {  	_ =	shalt  }
0x4a: {  	_ =	shalt  }
0x4b: {  	_ =	shalt  }
0x4c: {  	_ =	shalt  }
0x4d: {  	_ =	shalt  }
0x4e: {  	_ =	shalt  }
0x4f: {  	_ =	shalt  }
0x50: {  	_ =	shalt  }
0x51: {  	_ =	shalt  }
0x52: {  	_ =	shalt  }
0x53: {  	_ =	shalt  }
0x54: {  	_ =	shalt  }
0x55: {  	_ =	shalt  }
0x56: {  	_ =	shalt  }
0x57: {  	_ =	shalt  }
0x58: {  	_ =	shalt  }
0x59: {  	_ =	shalt  }
0x5a: {  	_ =	shalt  }
0x5b: {  	_ =	shalt  }
0x5c: {  	_ =	shalt  }
0x5d: {  	_ =	shalt  }
0x5e: {  	_ =	shalt  }
0x5f: {  	_ =	shalt  }
0x60: {  	_ =	shalt  }
0x61: {  	_ =	shalt  }
0x62: {  	_ =	shalt  }
0x63: {  	_ =	shalt  }
0x64: {  	_ =	shalt  }
0x65: {  	_ =	shalt  }
0x66: {  	_ =	shalt  }
0x67: {  	_ =	shalt  }
0x68: {  	_ =	shalt  }
0x69: {  	_ =	shalt  }
0x6a: {  	_ =	shalt  }
0x6b: {  	_ =	shalt  }
0x6c: {  	_ =	shalt  }
0x6d: {  	_ =	shalt  }
0x6e: {  	_ =	shalt  }
0x6f: {  	_ =	shalt  }
0x70: {  	_ =	shalt  }
0x71: {  	_ =	shalt  }
0x72: {  	_ =	shalt  }
0x73: {  	_ =	shalt  }
0x74: {  	_ =	shalt  }
0x75: {  	_ =	shalt  }
0x76: {  	_ =	shalt  }
0x77: {  	_ =	shalt  }
0x78: {  	_ =	shalt  }
0x79: {  	_ =	shalt  }
0x7a: {  	_ =	shalt  }
0x7b: {  	_ =	shalt  }
0x7c: {  	_ =	shalt  }
0x7d: {  	_ =	shalt  }
0x7e: {  	_ =	shalt  }
0x7f: {  	_ =	shalt  }
0x80: {  	_ =	shalt  }
0x81: {  	_ =	shalt  }
0x82: {  	_ =	shalt  }
0x83: {  	_ =	shalt  }
0x84: {  	_ =	shalt  }
0x85: {  	_ =	shalt  }
0x86: {  	_ =	shalt  }
0x87: {  	_ =	shalt  }
.Lfunc_end0:
.L_simem_size_0:
called_computation_lowered:
.L_overlay_start_0:
0x88: {  	s2 =	sld [smem:$0x3FD9]  }
0x89: {  	s3 =	sld [smem:$0x3FFE];
	_ =	sdelay $0x1  }
0x8a: {  	s1 =	srdreg.scid  }
0x8b: {  	s0 =	sand.u32 $0x1, s1  }
0x8c: {  	s16 =	sshll.u32 s0, $0xA;
	s2 =	sadd.s32 s3, s2  }
0x8d: {  	s2 =	sadd.s32 s2, s16  }
0x8e: {  	[smem:$0x3FB3] =	sst s2  }
0x8f: {  	_ = 	snop  }
0x90: {  	(tm) =	ssettm $0x1  }
0x91: {  	s17 =	sld [smem:$0x3FFB];
	_ =	sdelay $0x3  }
0x92: {  	_ =	strace s17  }
0x93: {  	s2 =	sld [smem:$0x3FFC];
	_ =	sdelay $0x3  }
0x94: {  	_ =	strace s2  }
0x95: {  	s2 =	sld [smem:$0x3FFD];
	_ =	sdelay $0x3  }
0x96: {  	_ =	strace s2  }
0x97: {  	_ =	strace $0x8FFFFFFF  }
0x98: {  	s18 =	sld [smem:$0x3FDB];
	_ =	sdelay $0x1  }
0x99: {  	s19 =	simm.s32 $_scs_section_size  }
0x9a: {  	s4 =	simm.s32 $_size__tile_overlayer_lowered;
	s5 =	simm.s32 $_tile_overlayer_lowered  }
0x9b: {  	s22 =	simm.s32 $0x1BFF;
	s21 =	sshll.u32 s5, $0x1;
	s2 =	sadd.s32 s19, s18  }
0x9c: {  	s6 =	simm.s32 $0x0;
	s20 =	sshll.u32 s4, $0x1;
	s4 =	sadd.s32 s21, s2  }
0x9d: {  	[timem:s6], [sflag:s22] =	dma.local [hbm:s4], s20  }
0x9e: {  	_ =	swait.ge [sflag:s22], s20  }
0x9f: {  	s3 =	ssub.s32 $0x0, s20;
	[sflag:s22] =	ssyncset.done $0x0  }
0xa0: {  	[sflag:s22] =	ssyncadd.s32 s3;
	_ =	sdelay $0x1  }
0xa1: {  	s23 =	simm.s32 $0x1B8B  }
0xa2: {  	_ =	swait.ge [sflag:s23], $0x1  }
0xa3: {  	[sflag:s23] =	ssyncset.done $0x0  }
0xa4: {  	s25 =	simm.s32 $0x1B8E;
	s24 =	sld [smem:$0x3FFE];
	[sflag:s23] =	ssyncadd.s32 $0xFFFFFFFF  }
0xa5: {  	s26 =	simm.s32 $execute0_lowered;
	[smem:$0x3FD2] =	sst s25  }
0xa6: {  	s4 =	sshll.u32 s26, $0x1;
	_ =	strace $0x80000046;
	[dreg:$0x1] =	wrdreg $0xFFFFFFFF  }
0xa7: {  	s28 =	simm.s32 $_size_execute0_lowered;
	s2 =	sadd.s32 s2, s4;
	[dreg:$0x0] =	wrdreg $0x0  }
0xa8: {  	s4 =	sshll.u32 s28, $0x1;
	[dreg:$0x2] =	wrdreg s2  }
0xa9: {  	[dreg:$0x3] =	wrdreg s4  }
0xaa: {  	[dreg:$0x4] =	wrdreg $0xC0  }
0xab: {  	_ =	task [dreg:s6], $0x5FFFF  }
0xac: {  	[dreg:$0x1] =	wrdreg $0xFFFFFFFF  }
0xad: {  	[dreg:$0x0] =	wrdreg $0x60  }
0xae: {  	[dreg:$0x2] =	wrdreg s24  }
0xaf: {  	[dreg:$0x3] =	wrdreg $0xB2000  }
0xb0: {  	[dreg:$0x4] =	wrdreg $0x9  }
0xb1: {  	_ =	task.clear_ibuf [dreg:s6], $0x5FFFF;
	_ =	strace $0x90000046  }
0xb2: {  	s29 =	simm.s32 $0x9;
	_ =	strace $0x80000048  }
0xb3: {  	_ =	swait.ge [sflag:s29], $0x1  }
0xb4: {  	[sflag:s29] =	ssyncadd.s32 $0xFFFFFFFF  }
0xb5: {  	_ =	strace $0x90000048  }
0xb6: {  	_ =	sfence  }
0xb7: {  	s30 =	sld [smem:$0x0];
	_ =	sdelay $0x2  }
0xb8: {  	s31 =	sshll.u32 s1, $0xD;
	s1 =	sshrl.u32 s1, $0x2  }
0xb9: {  	s3 =	sand.u32 $0x4000, s31;
	s1 =	sadd.s32 s1, s30  }
0xba: {  	s0 =	sor.u32 s3, s0;
	s1 =	sshll.u32 s1, $0x11  }
0xbb: {  	s0 =	sor.u32 s1, s0  }
0xbc: {  	s0 =	sadd.s32 $0x8F2B, s0  }
0xbd: {  	[sflag:s0] =	ssyncadd.remote.s32 $0x1  }
0xbe: {  	_ =	sfence.sel $0xFFFF  }
0xbf: {  	[dreg:$0x0] =	wrdreg $0xFFFFFFFF;
	(pc) =	sbr.abs _section_cstart, $3  }
0xc0: {  	[dreg:$0x1] =	wrdreg $0xFFFFFFFF  }
0xc1: {  	_ =	task.clear_ibuf [dreg:s6], $0x2FFFF;
	_ =	strace $0x9FFFFFFF  }
0xc2: {  	(tm) =	ssettm $0x7FFFFFFF  }
0xc3: {  	_ =	shalt  }
tec
execute0_lowered:
.L_overlay_start_1:
0x0: {  	(tag) =	ssettag $0x1  }
0x1: {  	s0 =	rddreg [dreg:$0x0]  }
0x2: {  	s1 =	rddreg [dreg:$0x1];
	s2 =	simm.s32 $0x0;
	s3 =	srdreg.scid  }
0x3: {  	s18 =	stileid.u32;
	s16 =	simm.s32 $0x2800;
	s17 =	simm.s32 $0x5000  }
0x4: {  	s20 =	simm.s32 $0xA000;
	s21 =	simm.s32 $0xA100;
	s22 =	simm.s32 $0x7800  }
0x5: {  	s23 =	simm.s32 $0x20;
	s28 =	simm.s32 $0xA180;
	s29 =	simm.s32 $0x0  }
0x6: {  	s30 =	simm.s32 $0x0;
	[smem:$0x7FF] =	sst s2;
	s8 =	smul.u32 $0x50000, s18  }
0x7: {  	s3 =	sand.u32 $0x1, s3;
	s4 =	sadd.s32 $0xEA00, s0;
	s10 =	smul.u32 $0x280, s18  }
0x8: {  	s5 =	sadd.s32 $0x4C00, s0;
	s6 =	sadd.s32 $0x18800, s0;
	s14 =	smul.u32 $0x14000, s18  }
0x9: {  	s9 =	sadd.s32 $0x68800, s0;
	s24 =	sadd.s32 $0x68E00, s0;
	s26 =	smul.u32 $0x500, s18  }
0xa: {  	s31 =	sshll.u32 s18, $0x6;
	_ =	strace $0x80000047;
	[dreg:$0x3] =	wrdreg s9  }
0xb: {  	s7 =	smul.u32 $0x2800, s3;
	[dreg:$0x4] =	wrdreg s24;
	s9 =	sadd.s32 $0x69400, s0  }
0xc: {  	s11 =	ssub.s32 $0x2, s3;
	s12 =	smul.u32 $0x168000, s3;
	s0 =	sadd.s32 $0x69A00, s0  }
0xd: {  	p0 =	sne.s32 s3, $0x0;
	s24 =	simm.s32 $0xA080;
	s13 =	sshrl.u32 s11, $0x1  }
0xe: {  	s8 =	sshrl.u32 s8, $0x2;
	s15 =	ssub.s32 s11, s13;
	s10 =	sadd.s32 s10, s7  }
0xf: {  	s25 =	sadd.s32 s14, s12;
	s8 =	sadd.s32 s8, s1;
	s11 =	smul.u32 $0x4E20, s18  }
0x10: {  	s18 =	sor.u32 $0x1C02, s31;
	s10 =	sshll.u32 s10, $0x4;
	s12 =	sshrl.u32 s25, $0x3  }
0x11: {  	s14 =	smax.u32 s15, $0x1;
	s15 =	simm.s32 $0x2;
	s19 =	sshrl.u32 s8, $0x3  }
0x12: {  	s25 =	simm.s32 $0xA200;
	s12 =	sadd.s32 s0, s12;
	s0 =	sadd.s32 s26, s0  }
0x13: {  	v1 =	vimm.f32 $0.0e+00;
	v0 =	vmov s7;
	s10 =	sadd.s32 s6, s10;
	s26 =	simm.s32 $0x1;
	s13 =	sadd.s32 $0x28000, s0  }
.LBB2_1:
0x14: {  	s0 =	rddreg [dreg:$0x3]  }
0x15: {  	[tilespmem:s2], [sflag:$0x2] =	stream.linear.gather [hbm4b:s0+s2], $0x2800, $0x38;
	[tilespmem:$0x1F200] =	vst v63  }
0x16: {  	_ =	swait.ge [sflag:s15], $0x2800  }
0x17: {  	[sflag:s15] =	ssyncset.done $0x0  }
0x18: {  	s31 =	rddreg [dreg:$0x4];
	[sflag:s15] =	ssyncadd.s32 $0xFFFFD800  }
0x19: {  	[tilespmem:s16], [sflag:$0x2] =	stream.linear.gather [hbm4b:s31+s2], $0x2800, $0x38;
	[tilespmem:$0x1F200] =	vst v63  }
0x1a: {  	_ =	swait.ge [sflag:s15], $0x2800  }
0x1b: {  	[sflag:s15] =	ssyncset.done $0x0  }
0x1c: {  	[sflag:s15] =	ssyncadd.s32 $0xFFFFD800  }
0x1d: {  	[tilespmem:s17], [sflag:$0x2] =	stream.linear.gather [hbm4b:s9+s2], $0x2800, $0x38;
	[tilespmem:$0x1F200] =	vst v63  }
0x1e: {  	_ =	swait.ge [sflag:s15], $0x2800  }
0x1f: {  	[sflag:s15] =	ssyncset.done $0x0  }
0x20: {  	[sflag:s15] =	ssyncadd.s32 $0xFFFFD800  }
0x21: {  	[spmem:s19], [sflag:s18] =	dma.local [hbm:s10], $0x2800  }
0x22: {  	_ =	swait.ge [sflag:s15], $0x2800  }
0x23: {  	[sflag:s15] =	ssyncset.done $0x0  }
0x24: {  	s3 =	simm.s32 $0x200;
	s0 =	simm.s32 $0x0;
	[sflag:s15] =	ssyncadd.s32 $0xFFFFD800  }
.LBB2_2:
0x25: {  	p1 =	sne.s32 s3, $0x9E00;
	[tilespmem:s0+$0x7870] =	vst v1  }
0x26: {  	[tilespmem:s0+$0x7800] =	vst v1  }
0x27: {  	[tilespmem:s0+$0x7810] =	vst v1  }
.Ltmp0:
0x28: {  	[tilespmem:s0+$0x7820] =	vst v1;
	(pc) =	sbr.rel @p1 .LBB2_2-.Ltmp0, $4  }
0x29: {  	[tilespmem:s0+$0x7830] =	vst v1  }
0x2a: {  	[tilespmem:s0+$0x7840] =	vst v1  }
0x2b: {  	[tilespmem:s0+$0x7850] =	vst v1  }
0x2c: {  	[tilespmem:s0+$0x7860] =	vst v1;
	s0 =	sshra.s32 s3, $0x2;
	s3 =	sadd.s32 $0x200, s3  }
0x2d: {  	[tilespmem:s0+$0x7870] =	vst v1  }
0x2e: {  	[tilespmem:s0+$0x7800] =	vst v1  }
0x2f: {  	[tilespmem:s0+$0x7810] =	vst v1  }
0x30: {  	[tilespmem:s0+$0x7820] =	vst v1  }
0x31: {  	[tilespmem:s0+$0x7830] =	vst v1  }
0x32: {  	[tilespmem:s0+$0x7840] =	vst v1  }
0x33: {  	[tilespmem:s0+$0x7850] =	vst v1  }
0x34: {  	[tilespmem:s0+$0x7860] =	vst v1  }
0x35: {  	s31 =	simm.s32 $0x0;
	[bflag:$0x0] =	sbarrier.arrive $0xFFFF  }
.LBB2_4:
0x36: {  	s0 =	sshll.u32 s31, $0x5  }
0x37: {  	s0 =	sadd.s32 s11, s0  }
0x38: {  	s0 =	sshrl.u32 s0, $0x3  }
0x39: {  	s3 =	sadd.s32 s4, s0  }
0x3a: {  	[tilespmem:s20], [sflag:$0x2] =	stream.linear.gather [hbm4b:s3+s30], $0x20, $0x38;
	[tilespmem:$0x1F200] =	vst v63  }
0x3b: {  	_ =	swait.ge [sflag:s15], $0x20  }
0x3c: {  	[sflag:s15] =	ssyncset.done $0x0  }
0x3d: {  	s0 =	sadd.s32 s5, s0;
	[sflag:s15] =	ssyncadd.s32 $0xFFFFFFE0  }
0x3e: {  	[tilespmem:s21], [sflag:$0x2] =	stream.linear.gather [hbm4b:s0+s30], $0x20, $0x38;
	[tilespmem:$0x1F200] =	vst v63  }
0x3f: {  	_ =	swait.ge [sflag:s15], $0x20  }
0x40: {  	[sflag:s15] =	ssyncset.done $0x0  }
0x41: {  	[sflag:s15] =	ssyncadd.s32 $0xFFFFFFE0  }
0x42: {  	v2 =	vld [tilespmem:$0xA000]  }
0x43: {  	v3 =	vld [tilespmem:$0xA100];
	_ =	sdelay $0x4  }
0x44: {  	v4 =	vadd.s32 v0, v2  }
0x45: {  	[tilespmem:$0xA080] =	vst v4  }
0x46: {  	v2 =	vld.idx.msk [tilespmem:v2+s30+$0x0], $0xffff  }
0x47: {  	v4 =	vld.idx.msk [tilespmem:v3+s16+$0x0], $0xffff;
	_ =	sdelay $0x4  }
0x48: {  	v5 =	vld.idx.msk [tilespmem:v3+s17+$0x0], $0xffff;
	v2 =	vadd.f32 v4, v2;
	_ =	sdelay $0x1  }
0x49: {  	v4 =	vmul.f32 $2.000000030e-01, v2;
	_ =	sdelay $0x1  }
0x4a: {  	v2 =	vmax.f32 v2, v4  }
0x4b: {  	v2 =	vsub.f32 v2, v5;
	_ =	sdelay $0x1  }
0x4c: {  	v2 =	vmul.f32 $1.442695020e+00, v2;
	_ =	sdelay $0x1  }
0x4d: {  	(erf) = vpow2.f32 v2;
	_ =	sdelay $0x8  }
0x4e: {  	v2 =	vpop (erf)  }
0x4f: {  	[tilespmem:$0xA180] =	vst v2  }
0x50: {  	[tilespmem:v3+s22+$0x0] =	vst.idx.add.f32.msk $0xffff, v2  }
0x51: {  	v2 =	vld [tilespmem:$0xA010]  }
0x52: {  	v3 =	vld [tilespmem:$0xA110];
	_ =	sdelay $0x4  }
0x53: {  	v4 =	vadd.s32 v0, v2  }
0x54: {  	[tilespmem:$0xA090] =	vst v4  }
0x55: {  	v2 =	vld.idx.msk [tilespmem:v2+s30+$0x0], $0xffff  }
0x56: {  	v4 =	vld.idx.msk [tilespmem:v3+s16+$0x0], $0xffff;
	_ =	sdelay $0x4  }
0x57: {  	v5 =	vld.idx.msk [tilespmem:v3+s17+$0x0], $0xffff;
	v2 =	vadd.f32 v4, v2;
	_ =	sdelay $0x1  }
0x58: {  	v4 =	vmul.f32 $2.000000030e-01, v2;
	_ =	sdelay $0x1  }
0x59: {  	v2 =	vmax.f32 v2, v4  }
0x5a: {  	v2 =	vsub.f32 v2, v5;
	_ =	sdelay $0x1  }
0x5b: {  	v2 =	vmul.f32 $1.442695020e+00, v2;
	_ =	sdelay $0x1  }
0x5c: {  	(erf) = vpow2.f32 v2;
	_ =	sdelay $0x8  }
0x5d: {  	v2 =	vpop (erf)  }
0x5e: {  	[tilespmem:$0xA190] =	vst v2  }
0x5f: {  	[tilespmem:v3+s22+$0x0] =	vst.idx.add.f32.msk $0xffff, v2;
	v2 =	vmov s30  }
0x60: {  	v2 =	vand.u32 $0xFFFFFFFE, v2  }
0x61: {  	v3 =	vbroadcast v2, $0x0  }
0x62: {  	[tilespmem:s25], [sflag:$0x1] =	stream.indirect.gather [hbm4b:s6+s23], $0x80, s24, s23, $0xb8;
	[tilespmem:$0x1F200] =	vst v63  }
0x63: {  	_ =	swait.ge [sflag:s26], $0x1000  }
0x64: {  	[sflag:s26] =	ssyncset.done $0x0  }
0x65: {  	s0 =	simm.s32 $0xA280;
	[sflag:s26] =	ssyncadd.s32 $0xFFFFF000  }
0x66: {  	v6 =	vld [tilespmem:s0+$0xFFFFFFF0]  }
0x67: {  	v7 =	vld.idx.msk [tilespmem:v3+s28+$0x0], $0xffff  }
0x68: {  	v8 =	vld [tilespmem:s0+$0xFFFFFF80]  }
0x69: {  	v9 =	vld [tilespmem:s0+$0xFFFFFFA0]  }
0x6a: {  	v5 =	vld [tilespmem:s0+$0xFFFFFFB0]  }
0x6b: {  	v4 =	vld [tilespmem:s0+$0xFFFFFFD0]  }
0x6c: {  	v11 =	vld [tilespmem:s0+$0xFFFFFF90];
	v6 =	vmul.f32 v6, v7  }
0x6d: {  	v10 =	vld [tilespmem:s0+$0xFFFFFFE0];
	v8 =	vmul.f32 v8, v7  }
0x6e: {  	v12 =	vld [tilespmem:s0+$0xFFFFFFC0];
	v9 =	vmul.f32 v9, v7;
	[tilespmem:s0+$0xFFFFFFF0] =	vst v6  }
0x6f: {  	v5 =	vmul.f32 v5, v7;
	[tilespmem:s0+$0xFFFFFF80] =	vst v8  }
0x70: {  	s8 =	simm.s32 $0x1;
	v4 =	vmul.f32 v4, v7;
	[tilespmem:s0+$0xFFFFFFA0] =	vst v9  }
0x71: {  	v6 =	vmul.f32 v11, v7;
	[tilespmem:s0+$0xFFFFFFB0] =	vst v5;
	v8 =	vmov s8  }
0x72: {  	v2 =	vld [tilespmem:s0+$0x0];
	v5 =	vmul.f32 v10, v7;
	[tilespmem:s0+$0xFFFFFFD0] =	vst v4  }
0x73: {  	v3 =	vld [tilespmem:s0+$0x10];
	v4 =	vmul.f32 v12, v7;
	[tilespmem:s0+$0xFFFFFF90] =	vst v6  }
0x74: {  	[tilespmem:s0+$0xFFFFFFE0] =	vst v5;
	v6 =	vld [tilespmem:s0+$0x30]  }
0x75: {  	[tilespmem:s0+$0xFFFFFFC0] =	vst v4;
	v5 =	vld [tilespmem:s0+$0x70]  }
0x76: {  	s7 =	simm.s32 $0xA280;
	s3 =	simm.s32 $0x2;
	v4 =	vld.idx.msk [tilespmem:v8+s28+$0x0], $0xffff  }
.LBB2_5:
0x77: {  	p1 =	slt.u32 s3, $0x1E  }
0x78: {  	v7 =	vld [tilespmem:s0+$0x20];
	s7 =	sadd.s32 $0x100, s7;
	s8 =	smov.u32 s3;
	s3 =	sadd.s32 $0x2, s3  }
0x79: {  	v8 =	vld [tilespmem:s0+$0x40]  }
0x7a: {  	v9 =	vld [tilespmem:s0+$0x50]  }
0x7b: {  	v10 =	vld [tilespmem:s0+$0x60];
	_ =	sdelay $0x1  }
0x7c: {  	v2 =	vmul.f32 v2, v4;
	v3 =	vmul.f32 v3, v4  }
0x7d: {  	v6 =	vmul.f32 v6, v4;
	v7 =	vmul.f32 v7, v4  }
0x7e: {  	v11 =	vmov s8;
	v8 =	vmul.f32 v8, v4;
	[tilespmem:s0+$0x0] =	vst v2;
	v9 =	vmul.f32 v9, v4  }
0x7f: {  	v11 =	vand.u32 $0xFFFFFFFE, v11;
	v2 =	vld [tilespmem:s7+$0x0];
	[tilespmem:s0+$0x30] =	vst v6;
	v6 =	vmul.f32 v10, v4;
	v4 =	vmul.f32 v5, v4  }
0x80: {  	v5 =	vbroadcast v11, $0x0;
	[tilespmem:s0+$0x10] =	vst v3  }
0x81: {  	[tilespmem:s0+$0x70] =	vst v4  }
0x82: {  	v4 =	vld [tilespmem:s7+$0xFFFFFFD0];
	[tilespmem:s0+$0x20] =	vst v7  }
0x83: {  	v7 =	vld [tilespmem:s7+$0xFFFFFFB0];
	[tilespmem:s0+$0x60] =	vst v6  }
0x84: {  	v6 =	vld [tilespmem:s7+$0xFFFFFFE0];
	[tilespmem:s0+$0x40] =	vst v8  }
0x85: {  	v8 =	vld [tilespmem:s7+$0xFFFFFFF0];
	[tilespmem:s0+$0x50] =	vst v9;
	s0 =	smov.u32 s7  }
0x86: {  	v5 =	vld.idx.msk [tilespmem:v5+s28+$0x0], $0xffff  }
0x87: {  	v9 =	vld [tilespmem:s7+$0xFFFFFF80]  }
0x88: {  	v10 =	vld [tilespmem:s7+$0xFFFFFFA0]  }
0x89: {  	v11 =	vld [tilespmem:s7+$0xFFFFFF90]  }
0x8a: {  	v12 =	vld [tilespmem:s7+$0xFFFFFFC0]  }
0x8b: {  	v3 =	vld [tilespmem:s7+$0x10]  }
0x8c: {  	v8 =	vmul.f32 v8, v5;
	v9 =	vmul.f32 v9, v5  }
0x8d: {  	v6 =	vmul.f32 v6, v5;
	v10 =	vmul.f32 v10, v5  }
0x8e: {  	v7 =	vmul.f32 v7, v5;
	v11 =	vmul.f32 v11, v5;
	[tilespmem:s7+$0xFFFFFFF0] =	vst v8  }
0x8f: {  	v4 =	vmul.f32 v4, v5;
	[tilespmem:s7+$0xFFFFFF80] =	vst v9;
	v8 =	vmul.f32 v12, v5  }
0x90: {  	s8 =	sadd.s32 $0x1, s8;
	[tilespmem:s7+$0xFFFFFFA0] =	vst v10  }
0x91: {  	[tilespmem:s7+$0xFFFFFFB0] =	vst v7;
	v7 =	vmov s8  }
.Ltmp1:
0x92: {  	[tilespmem:s7+$0xFFFFFFD0] =	vst v4;
	(pc) =	sbr.rel @p1 .LBB2_5-.Ltmp1, $4  }
0x93: {  	[tilespmem:s7+$0xFFFFFF90] =	vst v11  }
0x94: {  	[tilespmem:s7+$0xFFFFFFE0] =	vst v6;
	v6 =	vld [tilespmem:s7+$0x30]  }
0x95: {  	[tilespmem:s7+$0xFFFFFFC0] =	vst v8;
	v5 =	vld [tilespmem:s7+$0x70]  }
0x96: {  	v4 =	vld.idx.msk [tilespmem:v7+s28+$0x0], $0xffff  }
0x97: {  	_ =	sdelay $0x1  }
0x98: {  	v7 =	vld [tilespmem:s0+$0x20]  }
0x99: {  	v10 =	vld [tilespmem:s0+$0x50]  }
0x9a: {  	v2 =	vmul.f32 v2, v4  }
0x9b: {  	v8 =	vld [tilespmem:s0+$0x60];
	v6 =	vmul.f32 v6, v4  }
0x9c: {  	v9 =	vld [tilespmem:s0+$0x40];
	v3 =	vmul.f32 v3, v4;
	[tilespmem:s0+$0x0] =	vst v2  }
0x9d: {  	v62 =	vmul.f32 v7, v4;
	[tilespmem:s0+$0x30] =	vst v6  }
0x9e: {  	v63 =	vmul.f32 v10, v4;
	[tilespmem:s0+$0x10] =	vst v3  }
0x9f: {  	v2 =	vmul.f32 v5, v4;
	[tilespmem:s0+$0x20] =	vst v62  }
0xa0: {  	v3 =	vmul.f32 v8, v4;
	[tilespmem:s0+$0x50] =	vst v63  }
0xa1: {  	s31 =	sadd.s32 $0x1, s31;
	[tilespmem:s0+$0x70] =	vst v2;
	v2 =	vmul.f32 v9, v4  }
0xa2: {  	p1 =	sne.s32 s31, $0x271;
	[tilespmem:s0+$0x60] =	vst v3  }
.Ltmp2:
0xa3: {  	[tilespmem:s0+$0x40] =	vst v2;
	(pc) =	sbr.rel @p1 .LBB2_4-.Ltmp2, $4  }
0xa4: {  	[spmem:s1] =	stream.indirect.scatter.add.f32 [tilespmem:s25], [sflag:$0x2], $0x80, s21, s23, $0xb8;
	[tilespmem:$0x1F200] =	vst v63  }
0xa5: {  	_ =	swait.ge [sflag:s15], $0x1000  }
0xa6: {  	[sflag:s15] =	ssyncset.done $0x0  }
0xa7: {  	[sflag:s15] =	ssyncadd.s32 $0xFFFFF000  }
0xa8: {  	[bflag:$0x0] =	sbarrier.arrive $0xFFFF  }
0xa9: {  	[hbm:s12], [sflag:s18] =	dma.local [spmem:s19], $0x2800  }
0xaa: {  	_ =	swait.ge [sflag:s15], $0x2800  }
0xab: {  	s0 =	simm.s32 @!p0 $0x0;
	s29 =	sadd.s32 $0x1, s29;
	[sflag:s15] =	ssyncset.done $0x0  }
0xac: {  	s3 =	simm.s32 @!p0 $0x7800;
	p1 =	sne.s32 s29, s14;
	[sflag:s15] =	ssyncadd.s32 $0xFFFFD800  }
0xad: {  	[hbm4b:s13+s0] =	stream.linear.scatter @!p0 [tilespmem:s3], [sflag:$0x2], $0x2800, $0x38;
	[tilespmem:$0x1F200] =	vst v63  }
.Ltmp3:
0xae: {  	_ = 	snop;
	(pc) =	sbr.rel @p1 .LBB2_1-.Ltmp3, $4  }
0xaf: {  	s0 =	simm.s32 @!p0 $0x2  }
0xb0: {  	_ =	swait.ge @!p0 [sflag:s0], $0x2800  }
0xb1: {  	[sflag:s0] =	ssyncset.done @!p0 $0x0  }
0xb2: {  	[sflag:s0] =	ssyncadd.s32 @!p0 $0xFFFFD800  }
0xb3: {  	_ =	sfence.sel $0x180000  }
0xb4: {  	[bflag:$0x0] =	sbarrier.arrive $0xFFFF  }
0xb5: {  	_ =	strace $0x90000047  }
0xb6: {  	s0 =	stileid.u32;
	[bflag:$0x2] =	sbarrier.arrive $0xFFFF  }
0xb7: {  	p0 =	sne.s32 s0, $0x0;
	s0 =	rddreg [dreg:$0x2]  }
0xb8: {  	s0 =	sadd.s32 @!p0 $0x100000, s0  }
0xb9: {  	[sflag:s0] =	ssyncadd.tile.s32 @!p0 $0x1;
	_ =	shalt  }
.Lfunc_end2:
_tile_overlayer_lowered:
.L_overlay_start_2:
0xba: {  	(tag) =	ssettag $0x2  }
0xbb: {  	s0 =	rddreg [dreg:$0x0];
	s2 =	stileid.u32  }
0xbc: {  	s1 =	rddreg [dreg:$0x1];
	p0 =	sne.s32 s2, $0x0  }
0xbd: {  	s3 =	rddreg [dreg:$0x2];
	[bflag:$0x3] =	sbarrier.arrive $0xFFFF;
	s2 =	simm.s32 @!p0 $0x1C02  }
0xbe: {  	[timem:s3], [sflag:s2] =	dma.local @!p0 [hbm:s0], s1  }
0xbf: {  	s0 =	simm.s32 @!p0 $0x2  }
0xc0: {  	_ =	swait.ge @!p0 [sflag:s0], s1  }
0xc1: {  	s1 =	ssub.s32 @!p0 $0x0, s1;
	[sflag:s0] =	ssyncset.done @!p0 $0x0  }
0xc2: {  	[sflag:s0] =	ssyncadd.s32 @!p0 s1  }
0xc3: {  	[bflag:$0x3] =	sbarrier.arrive $0xFFFF  }
0xc4: {  	_ =	shalt  }

</sc_bundles>
